<compile_context>
chip_gen: v7x
topology: tpu7x:2x2x1
jax: 0.10.2.dev20260603
libtpu: 0.0.44.dev20260713+nightly
codegen_flags: <defaults>
</compile_context>

<pallas_src>
import jax
import jax.numpy as jnp
from jax import lax
from jax.experimental import pallas as pl
from jax.experimental.pallas import tpu as pltpu
from jax.experimental.pallas import tpu_sc as plsc

B, T, D, H = 1024, 200, 64, 128
BT = B * T
NC, NS = 2, 16
NW = NC * NS
CHUNK = 128
NCHUNKS = BT // CHUNK
CPW = NCHUNKS // NW
SPG = 8
TB = T // SPG



def _sc_gather_body(table_hbm, idx_hbm, out_hbm, idx_v, rows0, rows1, sem0, sem1):
    wid = lax.axis_index("s") * NC + lax.axis_index("c")
    rbase = wid * CPW
    pltpu.sync_copy(idx_hbm.at[pl.ds(rbase * CHUNK, CPW * CHUNK)], idx_v)

    @pl.loop(0, CPW // 2)
    def _pair(p):
        c0 = p * 2
        d0 = pltpu.async_copy(
            table_hbm.at[idx_v.at[pl.ds(c0 * CHUNK, CHUNK)]], rows0, sem0)
        d1 = pltpu.async_copy(
            table_hbm.at[idx_v.at[pl.ds((c0 + 1) * CHUNK, CHUNK)]], rows1, sem1)
        d0.wait()
        pltpu.sync_copy(rows0, out_hbm.at[pl.ds((rbase + c0) * CHUNK, CHUNK)])
        d1.wait()
        pltpu.sync_copy(rows1, out_hbm.at[pl.ds((rbase + c0 + 1) * CHUNK, CHUNK)])


def _sc_gather(table, idx):
    return pl.kernel(
        _sc_gather_body,
        out_type=jax.ShapeDtypeStruct((BT, D), jnp.bfloat16),
        mesh=plsc.VectorSubcoreMesh(
            core_axis_name="c", subcore_axis_name="s", num_cores=NC, num_subcores=NS
        ),
        scratch_types=[
            pltpu.VMEM((CPW * CHUNK,), jnp.int32),
            pltpu.VMEM((CHUNK, D), jnp.bfloat16),
            pltpu.VMEM((CHUNK, D), jnp.bfloat16),
            pltpu.SemaphoreType.DMA,
            pltpu.SemaphoreType.DMA,
        ],
        compiler_params=pltpu.CompilerParams(use_tc_tiling_on_sc=False),
    )(table, idx)



def _lstm_cell(x_cat, c_prev, w_ref, b_ref):
    g = jnp.dot(x_cat, w_ref[...], preferred_element_type=jnp.float32) + b_ref[...]
    i = 0.5 * jnp.tanh(g[:, 0:H]) + 0.5
    f = 0.5 * jnp.tanh(g[:, H:2 * H]) + 0.5
    gg = jnp.tanh(g[:, 2 * H:3 * H])
    o = 0.5 * jnp.tanh(g[:, 3 * H:4 * H]) + 0.5
    c2 = f * c_prev + i * gg
    h2 = o * jnp.tanh(c2)
    return h2, c2


def _l0_body(ef_ref, eb_ref, wf_ref, wb_ref, bf_ref, bb_ref,
             of_ref, ob_ref, hf, cf, hb, cb):
    t = pl.program_id(0)

    @pl.when(t == 0)
    def _init():
        hf[...] = jnp.zeros_like(hf)
        cf[...] = jnp.zeros_like(cf)
        hb[...] = jnp.zeros_like(hb)
        cb[...] = jnp.zeros_like(cb)

    for s in range(SPG):
        xf = jnp.concatenate([ef_ref[s], hf[...].astype(jnp.bfloat16)], axis=1)
        h2f, c2f = _lstm_cell(xf, cf[...], wf_ref, bf_ref)
        hf[...] = h2f
        cf[...] = c2f
        of_ref[s] = h2f.astype(jnp.bfloat16)

        xb = jnp.concatenate([eb_ref[SPG - 1 - s], hb[...].astype(jnp.bfloat16)], axis=1)
        h2b, c2b = _lstm_cell(xb, cb[...], wb_ref, bb_ref)
        hb[...] = h2b
        cb[...] = c2b
        ob_ref[SPG - 1 - s] = h2b.astype(jnp.bfloat16)


def _run_l0(e_tbd, wf, wb, bf, bb):
    return pl.pallas_call(
        _l0_body,
        grid=(TB,),
        in_specs=[
            pl.BlockSpec((SPG, B, D), lambda t: (t, 0, 0)),
            pl.BlockSpec((SPG, B, D), lambda t: (TB - 1 - t, 0, 0)),
            pl.BlockSpec((D + H, 4 * H), lambda t: (0, 0)),
            pl.BlockSpec((D + H, 4 * H), lambda t: (0, 0)),
            pl.BlockSpec((1, 4 * H), lambda t: (0, 0)),
            pl.BlockSpec((1, 4 * H), lambda t: (0, 0)),
        ],
        out_specs=[
            pl.BlockSpec((SPG, B, H), lambda t: (t, 0, 0)),
            pl.BlockSpec((SPG, B, H), lambda t: (TB - 1 - t, 0, 0)),
        ],
        out_shape=[
            jax.ShapeDtypeStruct((T, B, H), jnp.bfloat16),
            jax.ShapeDtypeStruct((T, B, H), jnp.bfloat16),
        ],
        scratch_shapes=[pltpu.VMEM((B, H), jnp.float32)] * 4,
        compiler_params=pltpu.CompilerParams(dimension_semantics=("arbitrary",)),
    )(e_tbd, e_tbd, wf, wb, bf, bb)



def _l1_body(of_ref, ob_ref, w1f_ref, b1f_ref, w1b_ref, b1b_ref,
             fcw_ref, fcb_ref, out_ref, h1, c1):
    t = pl.program_id(0)

    @pl.when(t == 0)
    def _init():
        h1[...] = jnp.zeros_like(h1)
        c1[...] = jnp.zeros_like(c1)

    HALF = B // 2
    last = {}
    for s in range(SPG):
        for k, lo in enumerate((0, HALF)):
            sl = pl.ds(lo, HALF)
            cat = jnp.concatenate([of_ref[s, sl], ob_ref[s, sl]], axis=1)
            x = jnp.concatenate([cat, h1[sl].astype(jnp.bfloat16)], axis=1)
            h2, c2 = _lstm_cell(x, c1[sl], w1f_ref, b1f_ref)
            h1[sl] = h2
            c1[sl] = c2
            last[k] = (cat, h2)

    @pl.when(t == TB - 1)
    def _head():
        for k, lo in enumerate((0, HALF)):
            cat, h2 = last[k]
            gb = jnp.dot(cat, w1b_ref[...], preferred_element_type=jnp.float32) + b1b_ref[...]
            ib = 0.5 * jnp.tanh(gb[:, 0:H]) + 0.5
            ggb = jnp.tanh(gb[:, 2 * H:3 * H])
            ob_g = 0.5 * jnp.tanh(gb[:, 3 * H:4 * H]) + 0.5
            cb2 = ib * ggb
            hb2 = ob_g * jnp.tanh(cb2)
            hcat = jnp.concatenate([h2, hb2], axis=1)
            out_ref[pl.ds(lo, HALF)] = (
                jnp.dot(hcat, fcw_ref[...], preferred_element_type=jnp.float32)
                + fcb_ref[...]
            )


def _run_l1(of, ob, w1f, b1f, w1b, b1b, fcw, fcb):
    return pl.pallas_call(
        _l1_body,
        grid=(TB,),
        in_specs=[
            pl.BlockSpec((SPG, B, H), lambda t: (t, 0, 0)),
            pl.BlockSpec((SPG, B, H), lambda t: (t, 0, 0)),
            pl.BlockSpec((3 * H, 4 * H), lambda t: (0, 0)),
            pl.BlockSpec((1, 4 * H), lambda t: (0, 0)),
            pl.BlockSpec((2 * H, 4 * H), lambda t: (0, 0)),
            pl.BlockSpec((1, 4 * H), lambda t: (0, 0)),
            pl.BlockSpec((2 * H, 1), lambda t: (0, 0)),
            pl.BlockSpec((1, 1), lambda t: (0, 0)),
        ],
        out_specs=pl.BlockSpec((B, 1), lambda t: (0, 0)),
        out_shape=jax.ShapeDtypeStruct((B, 1), jnp.float32),
        scratch_shapes=[pltpu.VMEM((B, H), jnp.float32)] * 2,
        compiler_params=pltpu.CompilerParams(dimension_semantics=("arbitrary",)),
    )(of, ob, w1f, b1f, w1b, b1b, fcw, fcb)



def _gate_scale():
    return jnp.concatenate([
        jnp.full((H,), 0.5, jnp.float32),
        jnp.full((H,), 0.5, jnp.float32),
        jnp.ones((H,), jnp.float32),
        jnp.full((H,), 0.5, jnp.float32),
    ])


def kernel(x, emb,
           W_ih_l0_f, W_hh_l0_f, b_ih_l0_f, b_hh_l0_f,
           W_ih_l0_b, W_hh_l0_b, b_ih_l0_b, b_hh_l0_b,
           W_ih_l1_f, W_hh_l1_f, b_ih_l1_f, b_hh_l1_f,
           W_ih_l1_b, W_hh_l1_b, b_ih_l1_b, b_hh_l1_b,
           fc_w, fc_b):
    idx = x.T.astype(jnp.int32).reshape(BT)
    e_flat = _sc_gather(emb.astype(jnp.bfloat16), idx)
    e_tbd = e_flat.reshape(T, B, D)

    bf16 = jnp.bfloat16
    gs = _gate_scale()
    wf = (jnp.concatenate([W_ih_l0_f.T, W_hh_l0_f.T], axis=0) * gs).astype(bf16)
    wb = (jnp.concatenate([W_ih_l0_b.T, W_hh_l0_b.T], axis=0) * gs).astype(bf16)
    bf = ((b_ih_l0_f + b_hh_l0_f) * gs).reshape(1, 4 * H)
    bb = ((b_ih_l0_b + b_hh_l0_b) * gs).reshape(1, 4 * H)
    of, ob = _run_l0(e_tbd, wf, wb, bf, bb)

    w1f = (jnp.concatenate([W_ih_l1_f.T, W_hh_l1_f.T], axis=0) * gs).astype(bf16)
    b1f = ((b_ih_l1_f + b_hh_l1_f) * gs).reshape(1, 4 * H)
    w1b = (W_ih_l1_b.T * gs).astype(bf16)
    b1b = ((b_ih_l1_b + b_hh_l1_b) * gs).reshape(1, 4 * H)
    fcw = fc_w.T
    fcb = fc_b.reshape(1, 1)
    out = _run_l1(of, ob, w1f, b1f, w1b, b1b, fcw, fcb)
    return out[:, 0]

# --- scband reference (transcript-rebuilt; emitter-appended) ---
"""Pipeline reference for scband-rnnclassifier-2216203125434 (READ-ONLY COPY).

The authoritative reference and input builder live on the scoring server;
editing this copy changes nothing except your own understanding.
"""

import jax
import jax.numpy as jnp
import numpy as np

B, T, VOCAB, D, H = 1024, 200, 100000, 64, 128
NUM_LAYERS = 2

PARAM_NAMES = []
for _l in range(NUM_LAYERS):
    for _d in ('f', 'b'):
        for _p in ('W_ih', 'W_hh', 'b_ih', 'b_hh'):
            PARAM_NAMES.append('%s_l%d_%s' % (_p, _l, _d))


def setup_inputs(seed: int = 0):
    key = jax.random.key(seed)
    x = jax.random.randint(jax.random.fold_in(key, 0), (B, T), 0, VOCAB)
    emb = jax.random.normal(jax.random.fold_in(key, 1), (VOCAB, D), dtype=jnp.float32) * 0.05
    emb = emb.at[0].set(0.0)  # padding_idx=0
    inp = {'x': x, 'emb': emb}
    i = 2
    for l in range(NUM_LAYERS):
        in_dim = D if l == 0 else 2 * H
        for d in ('f', 'b'):
            inp['W_ih_l%d_%s' % (l, d)] = jax.random.normal(jax.random.fold_in(key, i), (4 * H, in_dim), dtype=jnp.float32) * 0.05; i += 1
            inp['W_hh_l%d_%s' % (l, d)] = jax.random.normal(jax.random.fold_in(key, i), (4 * H, H), dtype=jnp.float32) * 0.05; i += 1
            inp['b_ih_l%d_%s' % (l, d)] = jax.random.normal(jax.random.fold_in(key, i), (4 * H,), dtype=jnp.float32) * 0.05; i += 1
            inp['b_hh_l%d_%s' % (l, d)] = jax.random.normal(jax.random.fold_in(key, i), (4 * H,), dtype=jnp.float32) * 0.05; i += 1
    inp['fc_w'] = jax.random.normal(jax.random.fold_in(key, i), (1, 2 * H), dtype=jnp.float32) * 0.05; i += 1
    inp['fc_b'] = jax.random.normal(jax.random.fold_in(key, i), (1,), dtype=jnp.float32) * 0.05
    return inp


def _lstm_dir(xs, Wih, Whh, bih, bhh, reverse):
    # xs: [B, T, in_dim] -> [B, T, H]; PyTorch LSTM gate order: i, f, g, o
    xs_t = jnp.swapaxes(xs, 0, 1)  # [T, B, in_dim]
    if reverse:
        xs_t = xs_t[::-1]
    Bsz = xs.shape[0]
    Hd = Whh.shape[1]

    def step(carry, xt):
        h, c = carry
        gates = xt @ Wih.T + h @ Whh.T + bih + bhh
        i, f, g, o = jnp.split(gates, 4, axis=-1)
        i = jax.nn.sigmoid(i)
        f = jax.nn.sigmoid(f)
        g = jnp.tanh(g)
        o = jax.nn.sigmoid(o)
        c2 = f * c + i * g
        h2 = o * jnp.tanh(c2)
        return (h2, c2), h2

    init = (jnp.zeros((Bsz, Hd), xs.dtype), jnp.zeros((Bsz, Hd), xs.dtype))
    _, hs = jax.lax.scan(step, init, xs_t)
    if reverse:
        hs = hs[::-1]
    return jnp.swapaxes(hs, 0, 1)  # [B, T, H]


def _forward(x, p):
    # dropout layers are identity in eval mode
    e = jnp.take(p['emb'], x, axis=0)  # embedding gather [B, T, D]
    h_in = e
    for l in range(NUM_LAYERS):
        of = _lstm_dir(h_in, p['W_ih_l%d_f' % l], p['W_hh_l%d_f' % l], p['b_ih_l%d_f' % l], p['b_hh_l%d_f' % l], False)
        ob = _lstm_dir(h_in, p['W_ih_l%d_b' % l], p['W_hh_l%d_b' % l], p['b_ih_l%d_b' % l], p['b_hh_l%d_b' % l], True)
        h_in = jnp.concatenate([of, ob], axis=-1)
    h = h_in[:, -1, :]  # last timestep (LSTM branch of forward)
    logits = h @ p['fc_w'].T + p['fc_b']
    return logits[:, 0]  # squeeze(1)


def reference(x, emb,
              W_ih_l0_f, W_hh_l0_f, b_ih_l0_f, b_hh_l0_f,
              W_ih_l0_b, W_hh_l0_b, b_ih_l0_b, b_hh_l0_b,
              W_ih_l1_f, W_hh_l1_f, b_ih_l1_f, b_hh_l1_f,
              W_ih_l1_b, W_hh_l1_b, b_ih_l1_b, b_hh_l1_b,
              fc_w, fc_b):
    p = {
        'emb': emb,
        'W_ih_l0_f': W_ih_l0_f, 'W_hh_l0_f': W_hh_l0_f, 'b_ih_l0_f': b_ih_l0_f, 'b_hh_l0_f': b_hh_l0_f,
        'W_ih_l0_b': W_ih_l0_b, 'W_hh_l0_b': W_hh_l0_b, 'b_ih_l0_b': b_ih_l0_b, 'b_hh_l0_b': b_hh_l0_b,
        'W_ih_l1_f': W_ih_l1_f, 'W_hh_l1_f': W_hh_l1_f, 'b_ih_l1_f': b_ih_l1_f, 'b_hh_l1_f': b_hh_l1_f,
        'W_ih_l1_b': W_ih_l1_b, 'W_hh_l1_b': W_hh_l1_b, 'b_ih_l1_b': b_ih_l1_b, 'b_hh_l1_b': b_hh_l1_b,
        'fc_w': fc_w, 'fc_b': fc_b,
    }
    return _forward(x, p)

if __name__ == "__main__":
    import jax
    _d = setup_inputs()
    print(jax.jit(kernel)(*tuple(_d.values())))

</pallas_src>

<mosaic_0001>
#map = affine_map<(d0, d1) -> (0, 0)>
#map1 = affine_map<(d0, d1) -> (0)>
module attributes {stable_mosaic.version = 14 : i64} {
  func.func @_sc_gather_body(%arg0: i32, %arg1: i32, %arg2: memref<100000x64xbf16, #tpu.memory_space<hbm>>, %arg3: memref<204800xi32, #tpu.memory_space<hbm>>, %arg4: memref<204800x64xbf16, #tpu.memory_space<hbm>>, %arg5: memref<6400xi32, #tpu.memory_space<vmem>>, %arg6: memref<128x64xbf16, #tpu.memory_space<vmem>>, %arg7: memref<128x64xbf16, #tpu.memory_space<vmem>>, %arg8: memref<!tpu.dma_semaphore, #tpu.memory_space<semaphore_mem>>, %arg9: memref<!tpu.dma_semaphore, #tpu.memory_space<semaphore_mem>>) attributes {dimension_semantics = [#tpu.dimension_semantics<core_parallel>, #tpu.dimension_semantics<subcore_parallel>], iteration_bounds = array<i64: 2, 16>, scalar_prefetch = 0 : i64, scratch_operands = 5 : i64, tpu.core_type = #tpu.core_type<sc_vector_subcore>, window_params = [{transform_indices = #map}, {transform_indices = #map1}, {transform_indices = #map}]} {
    %mul3A = arith.constant 2 : i32
    %mul3A_0 = arith.muli %arg1, %mul3A : i32
    %add3A = arith.addi %mul3A_0, %arg0 : i32
    %mul3A_1 = arith.constant 50 : i32
    %mul3A_2 = arith.muli %add3A, %mul3A_1 : i32
    %mul3A_3 = arith.constant 128 : i32
    %mul3A_4 = arith.muli %mul3A_2, %mul3A_3 : i32
    "tpu.region"() ({
      %run_scoped3A = tpu.sem_alloc : memref<!tpu.dma_semaphore, #tpu.memory_space<semaphore_mem>>
      %dma_start3A = tpu.memref_slice %arg3[%mul3A_4] : memref<204800xi32, #tpu.memory_space<hbm>> -> memref<6400xi32, #tpu.memory_space<hbm>>
      %dma_start3A_9 = tpu.memref_slice %arg3[%mul3A_4] : memref<204800xi32, #tpu.memory_space<hbm>> -> memref<6400xi32, #tpu.memory_space<hbm>>
      tpu.enqueue_dma source(%dma_start3A_9 : memref<6400xi32, #tpu.memory_space<hbm>>) target(%arg5 : memref<6400xi32, #tpu.memory_space<vmem>>) target_semaphore(%run_scoped3A : memref<!tpu.dma_semaphore, #tpu.memory_space<semaphore_mem>>)
      %dma_wait3A = tpu.memref_slice %arg3[%mul3A_4] : memref<204800xi32, #tpu.memory_space<hbm>> -> memref<6400xi32, #tpu.memory_space<hbm>>
      %dma_wait3A_10 = tpu.memref_slice %arg3[%mul3A_4] : memref<204800xi32, #tpu.memory_space<hbm>> -> memref<6400xi32, #tpu.memory_space<hbm>>
      tpu.wait_dma2 semaphore(%run_scoped3A : memref<!tpu.dma_semaphore, #tpu.memory_space<semaphore_mem>>) src(%dma_wait3A_10 : memref<6400xi32, #tpu.memory_space<hbm>>) dst(%arg5 : memref<6400xi32, #tpu.memory_space<vmem>>)
      tpu.yield
    }) : () -> ()
    %scan3A = arith.constant 0 : i32
    %scan3A_5 = arith.constant 25 : i32
    %scan3A_6 = arith.addi %scan3A, %scan3A_5 : i32
    %scan3A_7 = arith.constant 1 : i32
    scf.for %scan3A_9 = %scan3A to %scan3A_6 step %scan3A_7  : i32 {
      %mul3A_10 = arith.constant 1 : i32
      %mul3A_11 = arith.muli %scan3A_9, %mul3A_10 : i32
      %add3A_12 = arith.constant 0 : i32
      %add3A_13 = arith.addi %add3A_12, %mul3A_11 : i32
      %mul3A_14 = arith.constant 2 : i32
      %mul3A_15 = arith.muli %add3A_13, %mul3A_14 : i32
      %mul3A_16 = arith.constant 128 : i32
      %mul3A_17 = arith.muli %mul3A_15, %mul3A_16 : i32
      %dma_start3A = tpu.memref_slice %arg5[%mul3A_17] : memref<6400xi32, #tpu.memory_space<vmem>> -> memref<128xi32, #tpu.memory_space<vmem>>
      %dma_start3A_18 = arith.constant 0 : i32
      %dma_start3A_19 = arith.constant 0 : i32
      %dma_start3A_20 = tpu.memref_slice %arg2[%dma_start3A_18, %dma_start3A_19] : memref<100000x64xbf16, #tpu.memory_space<hbm>> -> memref<100000x64xbf16, #tpu.memory_space<hbm>>
      tpu.enqueue_indirect_dma source(%dma_start3A_20 : memref<100000x64xbf16, #tpu.memory_space<hbm>>) target(%arg6 : memref<128x64xbf16, #tpu.memory_space<vmem>>) offsets(%dma_start3A : memref<128xi32, #tpu.memory_space<vmem>>) semaphore(%arg8 : memref<!tpu.dma_semaphore, #tpu.memory_space<semaphore_mem>>)
      %add3A_21 = arith.constant 1 : i32
      %add3A_22 = arith.addi %mul3A_15, %add3A_21 : i32
      %mul3A_23 = arith.constant 128 : i32
      %mul3A_24 = arith.muli %add3A_22, %mul3A_23 : i32
      %dma_start3A_25 = tpu.memref_slice %arg5[%mul3A_24] : memref<6400xi32, #tpu.memory_space<vmem>> -> memref<128xi32, #tpu.memory_space<vmem>>
      %dma_start3A_26 = arith.constant 0 : i32
      %dma_start3A_27 = arith.constant 0 : i32
      %dma_start3A_28 = tpu.memref_slice %arg2[%dma_start3A_26, %dma_start3A_27] : memref<100000x64xbf16, #tpu.memory_space<hbm>> -> memref<100000x64xbf16, #tpu.memory_space<hbm>>
      tpu.enqueue_indirect_dma source(%dma_start3A_28 : memref<100000x64xbf16, #tpu.memory_space<hbm>>) target(%arg7 : memref<128x64xbf16, #tpu.memory_space<vmem>>) offsets(%dma_start3A_25 : memref<128xi32, #tpu.memory_space<vmem>>) semaphore(%arg9 : memref<!tpu.dma_semaphore, #tpu.memory_space<semaphore_mem>>)
      %dma_wait3A = tpu.memref_slice %arg5[%mul3A_17] : memref<6400xi32, #tpu.memory_space<vmem>> -> memref<128xi32, #tpu.memory_space<vmem>>
      %dma_wait3A_29 = arith.constant 0 : i32
      %dma_wait3A_30 = arith.constant 0 : i32
      %dma_wait3A_31 = tpu.memref_slice %arg2[%dma_wait3A_29, %dma_wait3A_30] : memref<100000x64xbf16, #tpu.memory_space<hbm>> -> memref<100000x64xbf16, #tpu.memory_space<hbm>>
      tpu.wait_indirect_dma semaphore(%arg8 : memref<!tpu.dma_semaphore, #tpu.memory_space<semaphore_mem>>) src(%dma_wait3A_31 : memref<100000x64xbf16, #tpu.memory_space<hbm>>) dst(%arg6 : memref<128x64xbf16, #tpu.memory_space<vmem>>)
      %add3A_32 = arith.addi %mul3A_2, %mul3A_15 : i32
      %mul3A_33 = arith.constant 128 : i32
      %mul3A_34 = arith.muli %add3A_32, %mul3A_33 : i32
      "tpu.region"() ({
        %run_scoped3A = tpu.sem_alloc : memref<!tpu.dma_semaphore, #tpu.memory_space<semaphore_mem>>
        %dma_start3A_44 = arith.constant 0 : i32
        %dma_start3A_45 = tpu.memref_slice %arg4[%mul3A_34, %dma_start3A_44] : memref<204800x64xbf16, #tpu.memory_space<hbm>> -> memref<128x64xbf16, #tpu.memory_space<hbm>>
        %dma_start3A_46 = arith.constant 0 : i32
        %dma_start3A_47 = tpu.memref_slice %arg4[%mul3A_34, %dma_start3A_46] : memref<204800x64xbf16, #tpu.memory_space<hbm>> -> memref<128x64xbf16, #tpu.memory_space<hbm>>
        tpu.enqueue_dma source(%arg6 : memref<128x64xbf16, #tpu.memory_space<vmem>>) target(%dma_start3A_47 : memref<128x64xbf16, #tpu.memory_space<hbm>>) target_semaphore(%run_scoped3A : memref<!tpu.dma_semaphore, #tpu.memory_space<semaphore_mem>>)
        %dma_wait3A_48 = arith.constant 0 : i32
        %dma_wait3A_49 = tpu.memref_slice %arg4[%mul3A_34, %dma_wait3A_48] : memref<204800x64xbf16, #tpu.memory_space<hbm>> -> memref<128x64xbf16, #tpu.memory_space<hbm>>
        %dma_wait3A_50 = arith.constant 0 : i32
        %dma_wait3A_51 = tpu.memref_slice %arg4[%mul3A_34, %dma_wait3A_50] : memref<204800x64xbf16, #tpu.memory_space<hbm>> -> memref<128x64xbf16, #tpu.memory_space<hbm>>
        tpu.wait_dma2 semaphore(%run_scoped3A : memref<!tpu.dma_semaphore, #tpu.memory_space<semaphore_mem>>) src(%arg6 : memref<128x64xbf16, #tpu.memory_space<vmem>>) dst(%dma_wait3A_51 : memref<128x64xbf16, #tpu.memory_space<hbm>>)
        tpu.yield
      }) : () -> ()
      %dma_wait3A_35 = tpu.memref_slice %arg5[%mul3A_24] : memref<6400xi32, #tpu.memory_space<vmem>> -> memref<128xi32, #tpu.memory_space<vmem>>
      %dma_wait3A_36 = arith.constant 0 : i32
      %dma_wait3A_37 = arith.constant 0 : i32
      %dma_wait3A_38 = tpu.memref_slice %arg2[%dma_wait3A_36, %dma_wait3A_37] : memref<100000x64xbf16, #tpu.memory_space<hbm>> -> memref<100000x64xbf16, #tpu.memory_space<hbm>>
      tpu.wait_indirect_dma semaphore(%arg9 : memref<!tpu.dma_semaphore, #tpu.memory_space<semaphore_mem>>) src(%dma_wait3A_38 : memref<100000x64xbf16, #tpu.memory_space<hbm>>) dst(%arg7 : memref<128x64xbf16, #tpu.memory_space<vmem>>)
      %add3A_39 = arith.addi %mul3A_2, %mul3A_15 : i32
      %add3A_40 = arith.constant 1 : i32
      %add3A_41 = arith.addi %add3A_39, %add3A_40 : i32
      %mul3A_42 = arith.constant 128 : i32
      %mul3A_43 = arith.muli %add3A_41, %mul3A_42 : i32
      "tpu.region"() ({
        %run_scoped3A = tpu.sem_alloc : memref<!tpu.dma_semaphore, #tpu.memory_space<semaphore_mem>>
        %dma_start3A_44 = arith.constant 0 : i32
        %dma_start3A_45 = tpu.memref_slice %arg4[%mul3A_43, %dma_start3A_44] : memref<204800x64xbf16, #tpu.memory_space<hbm>> -> memref<128x64xbf16, #tpu.memory_space<hbm>>
        %dma_start3A_46 = arith.constant 0 : i32
        %dma_start3A_47 = tpu.memref_slice %arg4[%mul3A_43, %dma_start3A_46] : memref<204800x64xbf16, #tpu.memory_space<hbm>> -> memref<128x64xbf16, #tpu.memory_space<hbm>>
        tpu.enqueue_dma source(%arg7 : memref<128x64xbf16, #tpu.memory_space<vmem>>) target(%dma_start3A_47 : memref<128x64xbf16, #tpu.memory_space<hbm>>) target_semaphore(%run_scoped3A : memref<!tpu.dma_semaphore, #tpu.memory_space<semaphore_mem>>)
        %dma_wait3A_48 = arith.constant 0 : i32
        %dma_wait3A_49 = tpu.memref_slice %arg4[%mul3A_43, %dma_wait3A_48] : memref<204800x64xbf16, #tpu.memory_space<hbm>> -> memref<128x64xbf16, #tpu.memory_space<hbm>>
        %dma_wait3A_50 = arith.constant 0 : i32
        %dma_wait3A_51 = tpu.memref_slice %arg4[%mul3A_43, %dma_wait3A_50] : memref<204800x64xbf16, #tpu.memory_space<hbm>> -> memref<128x64xbf16, #tpu.memory_space<hbm>>
        tpu.wait_dma2 semaphore(%run_scoped3A : memref<!tpu.dma_semaphore, #tpu.memory_space<semaphore_mem>>) src(%arg7 : memref<128x64xbf16, #tpu.memory_space<vmem>>) dst(%dma_wait3A_51 : memref<128x64xbf16, #tpu.memory_space<hbm>>)
        tpu.yield
      }) : () -> ()
    }
    %scan3A_8 = arith.constant 25 : i32
    return
  }
}

module attributes {stable_mosaic.version = 14 : i64} {
  func.func @_l0_body(%arg0: i32, %arg1: memref<8x1024x64xbf16, #tpu.memory_space<vmem>>, %arg2: memref<8x1024x64xbf16, #tpu.memory_space<vmem>>, %arg3: memref<192x512xbf16, #tpu.memory_space<vmem>>, %arg4: memref<192x512xbf16, #tpu.memory_space<vmem>>, %arg5: memref<1x512xf32, #tpu.memory_space<vmem>>, %arg6: memref<1x512xf32, #tpu.memory_space<vmem>>, %arg7: memref<8x1024x128xbf16, #tpu.memory_space<vmem>>, %arg8: memref<8x1024x128xbf16, #tpu.memory_space<vmem>>, %arg9: memref<1024x128xf32, #tpu.memory_space<vmem>>, %arg10: memref<1024x128xf32, #tpu.memory_space<vmem>>, %arg11: memref<1024x128xf32, #tpu.memory_space<vmem>>, %arg12: memref<1024x128xf32, #tpu.memory_space<vmem>>) attributes {dimension_semantics = [#tpu.dimension_semantics<arbitrary>], iteration_bounds = array<i64: 25>, scalar_prefetch = 0 : i64, scratch_operands = 4 : i64, tpu.core_type = #tpu.core_type<tc>, window_params = [{transform_indices = @transform_0, window_bounds = array<i64: 8, 1024, 64>}, {transform_indices = @transform_1, window_bounds = array<i64: 8, 1024, 64>}, {pipeline_mode = #tpu.pipeline_mode<synchronous>, transform_indices = @transform_2, window_bounds = array<i64: 192, 512>}, {pipeline_mode = #tpu.pipeline_mode<synchronous>, transform_indices = @transform_3, window_bounds = array<i64: 192, 512>}, {pipeline_mode = #tpu.pipeline_mode<synchronous>, transform_indices = @transform_4, window_bounds = array<i64: 1, 512>}, {pipeline_mode = #tpu.pipeline_mode<synchronous>, transform_indices = @transform_5, window_bounds = array<i64: 1, 512>}, {transform_indices = @transform_6, window_bounds = array<i64: 8, 1024, 128>}, {transform_indices = @transform_7, window_bounds = array<i64: 8, 1024, 128>}]} {
    %eq3A = arith.constant 0 : i32
    %eq3A_0 = arith.cmpi eq, %arg0, %eq3A : i32
    %convert_element_type3A = arith.extui %eq3A_0 : i1 to i32
    %cond3A = arith.constant 0 : i32
    %cond3A_1 = arith.cmpi ne, %convert_element_type3A, %cond3A : i32
    scf.if %cond3A_1 {
      %broadcast_in_dim3A = arith.constant 0.000000e+00 : f32
      %broadcast_in_dim3A_1066 = vector.broadcast %broadcast_in_dim3A : f32 to vector<1024x128xf32>
      %swap3A_1067 = arith.constant 0 : index
      %swap3A_1068 = arith.constant 0 : index
      %swap3A_1069 = vector.load %arg9[%swap3A_1067, %swap3A_1068] : memref<1024x128xf32, #tpu.memory_space<vmem>>, vector<1024x128xf32>
      tpu.vector_store %arg9[%swap3A_1067, %swap3A_1068], %broadcast_in_dim3A_1066 {strides = array<i32>} : memref<1024x128xf32, #tpu.memory_space<vmem>>, vector<1024x128xf32>,
      %broadcast_in_dim3A_1070 = arith.constant 0.000000e+00 : f32
      %broadcast_in_dim3A_1071 = vector.broadcast %broadcast_in_dim3A_1070 : f32 to vector<1024x128xf32>
      %swap3A_1072 = arith.constant 0 : index
      %swap3A_1073 = arith.constant 0 : index
      %swap3A_1074 = vector.load %arg10[%swap3A_1072, %swap3A_1073] : memref<1024x128xf32, #tpu.memory_space<vmem>>, vector<1024x128xf32>
      tpu.vector_store %arg10[%swap3A_1072, %swap3A_1073], %broadcast_in_dim3A_1071 {strides = array<i32>} : memref<1024x128xf32, #tpu.memory_space<vmem>>, vector<1024x128xf32>,
      %broadcast_in_dim3A_1075 = arith.constant 0.000000e+00 : f32
      %broadcast_in_dim3A_1076 = vector.broadcast %broadcast_in_dim3A_1075 : f32 to vector<1024x128xf32>
      %swap3A_1077 = arith.constant 0 : index
      %swap3A_1078 = arith.constant 0 : index
      %swap3A_1079 = vector.load %arg11[%swap3A_1077, %swap3A_1078] : memref<1024x128xf32, #tpu.memory_space<vmem>>, vector<1024x128xf32>
      tpu.vector_store %arg11[%swap3A_1077, %swap3A_1078], %broadcast_in_dim3A_1076 {strides = array<i32>} : memref<1024x128xf32, #tpu.memory_space<vmem>>, vector<1024x128xf32>,
      %broadcast_in_dim3A_1080 = arith.constant 0.000000e+00 : f32
      %broadcast_in_dim3A_1081 = vector.broadcast %broadcast_in_dim3A_1080 : f32 to vector<1024x128xf32>
      %swap3A_1082 = arith.constant 0 : index
      %swap3A_1083 = arith.constant 0 : index
      %swap3A_1084 = vector.load %arg12[%swap3A_1082, %swap3A_1083] : memref<1024x128xf32, #tpu.memory_space<vmem>>, vector<1024x128xf32>
      tpu.vector_store %arg12[%swap3A_1082, %swap3A_1083], %broadcast_in_dim3A_1081 {strides = array<i32>} : memref<1024x128xf32, #tpu.memory_space<vmem>>, vector<1024x128xf32>,
    } else {
    }
    %get3A = arith.constant 0 : index
    %get3A_2 = arith.constant 0 : index
    %get3A_3 = arith.constant 0 : index
    %get3A_4 = vector.load %arg1[%get3A, %get3A_2, %get3A_3] : memref<8x1024x64xbf16, #tpu.memory_space<vmem>>, vector<1x1024x64xbf16>
    %get3A_5 = vector.shape_cast %get3A_4 : vector<1x1024x64xbf16> to vector<1024x64xbf16>
    %get3A_6 = arith.constant 0 : index
    %get3A_7 = arith.constant 0 : index
    %get3A_8 = vector.load %arg9[%get3A_6, %get3A_7] : memref<1024x128xf32, #tpu.memory_space<vmem>>, vector<1024x128xf32>
    %convert_element_type3A_9 = arith.truncf %get3A_8 : vector<1024x128xf32> to vector<1024x128xbf16>
    %concatenate3A = tpu.concatenate %get3A_5, %convert_element_type3A_9 in 1 : vector<1024x64xbf16>, vector<1024x128xbf16> -> vector<1024x192xbf16>
    %get3A_10 = arith.constant 0 : index
    %get3A_11 = arith.constant 0 : index
    %get3A_12 = vector.load %arg10[%get3A_10, %get3A_11] : memref<1024x128xf32, #tpu.memory_space<vmem>>, vector<1024x128xf32>
    %get3A_13 = arith.constant 0 : index
    %get3A_14 = arith.constant 0 : index
    %get3A_15 = vector.load %arg3[%get3A_13, %get3A_14] : memref<192x512xbf16, #tpu.memory_space<vmem>>, vector<192x512xbf16>
    %dot_general3A = arith.constant dense<0.000000e+00> : vector<1024x512xf32>
    %dot_general3A_16 = tpu.matmul %concatenate3A, %get3A_15, %dot_general3A {dimension_numbers = #tpu.dot_dimension_numbers<[1], [0], [0], [1], [0, 0, 1, 1], [], []>, transpose_lhs_hint = false} : vector<1024x192xbf16>, vector<192x512xbf16>, vector<1024x512xf32> -> vector<1024x512xf32>
    %get3A_17 = arith.constant 0 : index
    %get3A_18 = arith.constant 0 : index
    %get3A_19 = vector.load %arg5[%get3A_17, %get3A_18] : memref<1x512xf32, #tpu.memory_space<vmem>>, vector<1x512xf32>
    %add3A = vector.broadcast %get3A_19 : vector<1x512xf32> to vector<1024x512xf32>
    %add3A_20 = arith.addf %dot_general3A_16, %add3A : vector<1024x512xf32>
    %slice3A = vector.extract_strided_slice %add3A_20 {offsets = [0, 0], sizes = [1024, 128], strides = [1, 1]} : vector<1024x512xf32> to vector<1024x128xf32>
    %tanh3A = math.tanh %slice3A : vector<1024x128xf32>
    %mul3A = arith.constant 5.000000e-01 : f32
    %mul3A_21 = vector.broadcast %mul3A : f32 to vector<1024x128xf32>
    %mul3A_22 = arith.mulf %mul3A_21, %tanh3A : vector<1024x128xf32>
    %add3A_23 = arith.constant 5.000000e-01 : f32
    %add3A_24 = vector.broadcast %add3A_23 : f32 to vector<1024x128xf32>
    %add3A_25 = arith.addf %mul3A_22, %add3A_24 : vector<1024x128xf32>
    %slice3A_26 = vector.extract_strided_slice %add3A_20 {offsets = [0, 128], sizes = [1024, 128], strides = [1, 1]} : vector<1024x512xf32> to vector<1024x128xf32>
    %tanh3A_27 = math.tanh %slice3A_26 : vector<1024x128xf32>
    %mul3A_28 = arith.constant 5.000000e-01 : f32
    %mul3A_29 = vector.broadcast %mul3A_28 : f32 to vector<1024x128xf32>
    %mul3A_30 = arith.mulf %mul3A_29, %tanh3A_27 : vector<1024x128xf32>
    %add3A_31 = arith.constant 5.000000e-01 : f32
    %add3A_32 = vector.broadcast %add3A_31 : f32 to vector<1024x128xf32>
    %add3A_33 = arith.addf %mul3A_30, %add3A_32 : vector<1024x128xf32>
    %slice3A_34 = vector.extract_strided_slice %add3A_20 {offsets = [0, 256], sizes = [1024, 128], strides = [1, 1]} : vector<1024x512xf32> to vector<1024x128xf32>
    %tanh3A_35 = math.tanh %slice3A_34 : vector<1024x128xf32>
    %slice3A_36 = vector.extract_strided_slice %add3A_20 {offsets = [0, 384], sizes = [1024, 128], strides = [1, 1]} : vector<1024x512xf32> to vector<1024x128xf32>
    %tanh3A_37 = math.tanh %slice3A_36 : vector<1024x128xf32>
    %mul3A_38 = arith.constant 5.000000e-01 : f32
    %mul3A_39 = vector.broadcast %mul3A_38 : f32 to vector<1024x128xf32>
    %mul3A_40 = arith.mulf %mul3A_39, %tanh3A_37 : vector<1024x128xf32>
    %add3A_41 = arith.constant 5.000000e-01 : f32
    %add3A_42 = vector.broadcast %add3A_41 : f32 to vector<1024x128xf32>
    %add3A_43 = arith.addf %mul3A_40, %add3A_42 : vector<1024x128xf32>
    %mul3A_44 = arith.mulf %add3A_33, %get3A_12 : vector<1024x128xf32>
    %mul3A_45 = arith.mulf %add3A_25, %tanh3A_35 : vector<1024x128xf32>
    %add3A_46 = arith.addf %mul3A_44, %mul3A_45 : vector<1024x128xf32>
    %tanh3A_47 = math.tanh %add3A_46 : vector<1024x128xf32>
    %mul3A_48 = arith.mulf %add3A_43, %tanh3A_47 : vector<1024x128xf32>
    %swap3A = arith.constant 0 : index
    %swap3A_49 = arith.constant 0 : index
    %swap3A_50 = vector.load %arg9[%swap3A, %swap3A_49] : memref<1024x128xf32, #tpu.memory_space<vmem>>, vector<1024x128xf32>
    tpu.vector_store %arg9[%swap3A, %swap3A_49], %mul3A_48 {strides = array<i32>} : memref<1024x128xf32, #tpu.memory_space<vmem>>, vector<1024x128xf32>,
    %swap3A_51 = arith.constant 0 : index
    %swap3A_52 = arith.constant 0 : index
    %swap3A_53 = vector.load %arg10[%swap3A_51, %swap3A_52] : memref<1024x128xf32, #tpu.memory_space<vmem>>, vector<1024x128xf32>
    tpu.vector_store %arg10[%swap3A_51, %swap3A_52], %add3A_46 {strides = array<i32>} : memref<1024x128xf32, #tpu.memory_space<vmem>>, vector<1024x128xf32>,
    %convert_element_type3A_54 = arith.truncf %mul3A_48 : vector<1024x128xf32> to vector<1024x128xbf16>
    %swap3A_55 = arith.constant 0 : index
    %swap3A_56 = arith.constant 0 : index
    %swap3A_57 = arith.constant 0 : index
    %swap3A_58 = vector.load %arg7[%swap3A_55, %swap3A_56, %swap3A_57] : memref<8x1024x128xbf16, #tpu.memory_space<vmem>>, vector<1x1024x128xbf16>
    %swap3A_59 = vector.shape_cast %swap3A_58 : vector<1x1024x128xbf16> to vector<1024x128xbf16>
    %swap3A_60 = vector.shape_cast %convert_element_type3A_54 : vector<1024x128xbf16> to vector<1x1024x128xbf16>
    tpu.vector_store %arg7[%swap3A_55, %swap3A_56, %swap3A_57], %swap3A_60 {strides = array<i32>} : memref<8x1024x128xbf16, #tpu.memory_space<vmem>>, vector<1x1024x128xbf16>,
    %get3A_61 = arith.constant 7 : index
    %get3A_62 = arith.constant 0 : index
    %get3A_63 = arith.constant 0 : index
    %get3A_64 = vector.load %arg2[%get3A_61, %get3A_62, %get3A_63] : memref<8x1024x64xbf16, #tpu.memory_space<vmem>>, vector<1x1024x64xbf16>
    %get3A_65 = vector.shape_cast %get3A_64 : vector<1x1024x64xbf16> to vector<1024x64xbf16>
    %get3A_66 = arith.constant 0 : index
    %get3A_67 = arith.constant 0 : index
    %get3A_68 = vector.load %arg11[%get3A_66, %get3A_67] : memref<1024x128xf32, #tpu.memory_space<vmem>>, vector<1024x128xf32>
    %convert_element_type3A_69 = arith.truncf %get3A_68 : vector<1024x128xf32> to vector<1024x128xbf16>
    %concatenate3A_70 = tpu.concatenate %get3A_65, %convert_element_type3A_69 in 1 : vector<1024x64xbf16>, vector<1024x128xbf16> -> vector<1024x192xbf16>
    %get3A_71 = arith.constant 0 : index
    %get3A_72 = arith.constant 0 : index
    %get3A_73 = vector.load %arg12[%get3A_71, %get3A_72] : memref<1024x128xf32, #tpu.memory_space<vmem>>, vector<1024x128xf32>
    %get3A_74 = arith.constant 0 : index
    %get3A_75 = arith.constant 0 : index
    %get3A_76 = vector.load %arg4[%get3A_74, %get3A_75] : memref<192x512xbf16, #tpu.memory_space<vmem>>, vector<192x512xbf16>
    %dot_general3A_77 = arith.constant dense<0.000000e+00> : vector<1024x512xf32>
    %dot_general3A_78 = tpu.matmul %concatenate3A_70, %get3A_76, %dot_general3A_77 {dimension_numbers = #tpu.dot_dimension_numbers<[1], [0], [0], [1], [0, 0, 1, 1], [], []>, transpose_lhs_hint = false} : vector<1024x192xbf16>, vector<192x512xbf16>, vector<1024x512xf32> -> vector<1024x512xf32>
    %get3A_79 = arith.constant 0 : index
    %get3A_80 = arith.constant 0 : index
    %get3A_81 = vector.load %arg6[%get3A_79, %get3A_80] : memref<1x512xf32, #tpu.memory_space<vmem>>, vector<1x512xf32>
    %add3A_82 = vector.broadcast %get3A_81 : vector<1x512xf32> to vector<1024x512xf32>
    %add3A_83 = arith.addf %dot_general3A_78, %add3A_82 : vector<1024x512xf32>
    %slice3A_84 = vector.extract_strided_slice %add3A_83 {offsets = [0, 0], sizes = [1024, 128], strides = [1, 1]} : vector<1024x512xf32> to vector<1024x128xf32>
    %tanh3A_85 = math.tanh %slice3A_84 : vector<1024x128xf32>
    %mul3A_86 = arith.constant 5.000000e-01 : f32
    %mul3A_87 = vector.broadcast %mul3A_86 : f32 to vector<1024x128xf32>
    %mul3A_88 = arith.mulf %mul3A_87, %tanh3A_85 : vector<1024x128xf32>
    %add3A_89 = arith.constant 5.000000e-01 : f32
    %add3A_90 = vector.broadcast %add3A_89 : f32 to vector<1024x128xf32>
    %add3A_91 = arith.addf %mul3A_88, %add3A_90 : vector<1024x128xf32>
    %slice3A_92 = vector.extract_strided_slice %add3A_83 {offsets = [0, 128], sizes = [1024, 128], strides = [1, 1]} : vector<1024x512xf32> to vector<1024x128xf32>
    %tanh3A_93 = math.tanh %slice3A_92 : vector<1024x128xf32>
    %mul3A_94 = arith.constant 5.000000e-01 : f32
    %mul3A_95 = vector.broadcast %mul3A_94 : f32 to vector<1024x128xf32>
    %mul3A_96 = arith.mulf %mul3A_95, %tanh3A_93 : vector<1024x128xf32>
    %add3A_97 = arith.constant 5.000000e-01 : f32
    %add3A_98 = vector.broadcast %add3A_97 : f32 to vector<1024x128xf32>
    %add3A_99 = arith.addf %mul3A_96, %add3A_98 : vector<1024x128xf32>
    %slice3A_100 = vector.extract_strided_slice %add3A_83 {offsets = [0, 256], sizes = [1024, 128], strides = [1, 1]} : vector<1024x512xf32> to vector<1024x128xf32>
    %tanh3A_101 = math.tanh %slice3A_100 : vector<1024x128xf32>
    %slice3A_102 = vector.extract_strided_slice %add3A_83 {offsets = [0, 384], sizes = [1024, 128], strides = [1, 1]} : vector<1024x512xf32> to vector<1024x128xf32>
    %tanh3A_103 = math.tanh %slice3A_102 : vector<1024x128xf32>
    %mul3A_104 = arith.constant 5.000000e-01 : f32
    %mul3A_105 = vector.broadcast %mul3A_104 : f32 to vector<1024x128xf32>
    %mul3A_106 = arith.mulf %mul3A_105, %tanh3A_103 : vector<1024x128xf32>
    %add3A_107 = arith.constant 5.000000e-01 : f32
    %add3A_108 = vector.broadcast %add3A_107 : f32 to vector<1024x128xf32>
    %add3A_109 = arith.addf %mul3A_106, %add3A_108 : vector<1024x128xf32>
    %mul3A_110 = arith.mulf %add3A_99, %get3A_73 : vector<1024x128xf32>
    %mul3A_111 = arith.mulf %add3A_91, %tanh3A_101 : vector<1024x128xf32>
    %add3A_112 = arith.addf %mul3A_110, %mul3A_111 : vector<1024x128xf32>
    %tanh3A_113 = math.tanh %add3A_112 : vector<1024x128xf32>
    %mul3A_114 = arith.mulf %add3A_109, %tanh3A_113 : vector<1024x128xf32>
    %swap3A_115 = arith.constant 0 : index
    %swap3A_116 = arith.constant 0 : index
    %swap3A_117 = vector.load %arg11[%swap3A_115, %swap3A_116] : memref<1024x128xf32, #tpu.memory_space<vmem>>, vector<1024x128xf32>
    tpu.vector_store %arg11[%swap3A_115, %swap3A_116], %mul3A_114 {strides = array<i32>} : memref<1024x128xf32, #tpu.memory_space<vmem>>, vector<1024x128xf32>,
    %swap3A_118 = arith.constant 0 : index
    %swap3A_119 = arith.constant 0 : index
    %swap3A_120 = vector.load %arg12[%swap3A_118, %swap3A_119] : memref<1024x128xf32, #tpu.memory_space<vmem>>, vector<1024x128xf32>
    tpu.vector_store %arg12[%swap3A_118, %swap3A_119], %add3A_112 {strides = array<i32>} : memref<1024x128xf32, #tpu.memory_space<vmem>>, vector<1024x128xf32>,
    %convert_element_type3A_121 = arith.truncf %mul3A_114 : vector<1024x128xf32> to vector<1024x128xbf16>
    %swap3A_122 = arith.constant 7 : index
    %swap3A_123 = arith.constant 0 : index
    %swap3A_124 = arith.constant 0 : index
    %swap3A_125 = vector.load %arg8[%swap3A_122, %swap3A_123, %swap3A_124] : memref<8x1024x128xbf16, #tpu.memory_space<vmem>>, vector<1x1024x128xbf16>
    %swap3A_126 = vector.shape_cast %swap3A_125 : vector<1x1024x128xbf16> to vector<1024x128xbf16>
    %swap3A_127 = vector.shape_cast %convert_element_type3A_121 : vector<1024x128xbf16> to vector<1x1024x128xbf16>
    tpu.vector_store %arg8[%swap3A_122, %swap3A_123, %swap3A_124], %swap3A_127 {strides = array<i32>} : memref<8x1024x128xbf16, #tpu.memory_space<vmem>>, vector<1x1024x128xbf16>,
    %get3A_128 = arith.constant 1 : index
    %get3A_129 = arith.constant 0 : index
    %get3A_130 = arith.constant 0 : index
    %get3A_131 = vector.load %arg1[%get3A_128, %get3A_129, %get3A_130] : memref<8x1024x64xbf16, #tpu.memory_space<vmem>>, vector<1x1024x64xbf16>
    %get3A_132 = vector.shape_cast %get3A_131 : vector<1x1024x64xbf16> to vector<1024x64xbf16>
    %get3A_133 = arith.constant 0 : index
    %get3A_134 = arith.constant 0 : index
    %get3A_135 = vector.load %arg9[%get3A_133, %get3A_134] : memref<1024x128xf32, #tpu.memory_space<vmem>>, vector<1024x128xf32>
    %convert_element_type3A_136 = arith.truncf %get3A_135 : vector<1024x128xf32> to vector<1024x128xbf16>
    %concatenate3A_137 = tpu.concatenate %get3A_132, %convert_element_type3A_136 in 1 : vector<1024x64xbf16>, vector<1024x128xbf16> -> vector<1024x192xbf16>
    %get3A_138 = arith.constant 0 : index
    %get3A_139 = arith.constant 0 : index
    %get3A_140 = vector.load %arg10[%get3A_138, %get3A_139] : memref<1024x128xf32, #tpu.memory_space<vmem>>, vector<1024x128xf32>
    %get3A_141 = arith.constant 0 : index
    %get3A_142 = arith.constant 0 : index
    %get3A_143 = vector.load %arg3[%get3A_141, %get3A_142] : memref<192x512xbf16, #tpu.memory_space<vmem>>, vector<192x512xbf16>
    %dot_general3A_144 = arith.constant dense<0.000000e+00> : vector<1024x512xf32>
    %dot_general3A_145 = tpu.matmul %concatenate3A_137, %get3A_143, %dot_general3A_144 {dimension_numbers = #tpu.dot_dimension_numbers<[1], [0], [0], [1], [0, 0, 1, 1], [], []>, transpose_lhs_hint = false} : vector<1024x192xbf16>, vector<192x512xbf16>, vector<1024x512xf32> -> vector<1024x512xf32>
    %get3A_146 = arith.constant 0 : index
    %get3A_147 = arith.constant 0 : index
    %get3A_148 = vector.load %arg5[%get3A_146, %get3A_147] : memref<1x512xf32, #tpu.memory_space<vmem>>, vector<1x512xf32>
    %add3A_149 = vector.broadcast %get3A_148 : vector<1x512xf32> to vector<1024x512xf32>
    %add3A_150 = arith.addf %dot_general3A_145, %add3A_149 : vector<1024x512xf32>
    %slice3A_151 = vector.extract_strided_slice %add3A_150 {offsets = [0, 0], sizes = [1024, 128], strides = [1, 1]} : vector<1024x512xf32> to vector<1024x128xf32>
    %tanh3A_152 = math.tanh %slice3A_151 : vector<1024x128xf32>
    %mul3A_153 = arith.constant 5.000000e-01 : f32
    %mul3A_154 = vector.broadcast %mul3A_153 : f32 to vector<1024x128xf32>
    %mul3A_155 = arith.mulf %mul3A_154, %tanh3A_152 : vector<1024x128xf32>
    %add3A_156 = arith.constant 5.000000e-01 : f32
    %add3A_157 = vector.broadcast %add3A_156 : f32 to vector<1024x128xf32>
    %add3A_158 = arith.addf %mul3A_155, %add3A_157 : vector<1024x128xf32>
    %slice3A_159 = vector.extract_strided_slice %add3A_150 {offsets = [0, 128], sizes = [1024, 128], strides = [1, 1]} : vector<1024x512xf32> to vector<1024x128xf32>
    %tanh3A_160 = math.tanh %slice3A_159 : vector<1024x128xf32>
    %mul3A_161 = arith.constant 5.000000e-01 : f32
    %mul3A_162 = vector.broadcast %mul3A_161 : f32 to vector<1024x128xf32>
    %mul3A_163 = arith.mulf %mul3A_162, %tanh3A_160 : vector<1024x128xf32>
    %add3A_164 = arith.constant 5.000000e-01 : f32
    %add3A_165 = vector.broadcast %add3A_164 : f32 to vector<1024x128xf32>
    %add3A_166 = arith.addf %mul3A_163, %add3A_165 : vector<1024x128xf32>
    %slice3A_167 = vector.extract_strided_slice %add3A_150 {offsets = [0, 256], sizes = [1024, 128], strides = [1, 1]} : vector<1024x512xf32> to vector<1024x128xf32>
    %tanh3A_168 = math.tanh %slice3A_167 : vector<1024x128xf32>
    %slice3A_169 = vector.extract_strided_slice %add3A_150 {offsets = [0, 384], sizes = [1024, 128], strides = [1, 1]} : vector<1024x512xf32> to vector<1024x128xf32>
    %tanh3A_170 = math.tanh %slice3A_169 : vector<1024x128xf32>
    %mul3A_171 = arith.constant 5.000000e-01 : f32
    %mul3A_172 = vector.broadcast %mul3A_171 : f32 to vector<1024x128xf32>
    %mul3A_173 = arith.mulf %mul3A_172, %tanh3A_170 : vector<1024x128xf32>
    %add3A_174 = arith.constant 5.000000e-01 : f32
    %add3A_175 = vector.broadcast %add3A_174 : f32 to vector<1024x128xf32>
    %add3A_176 = arith.addf %mul3A_173, %add3A_175 : vector<1024x128xf32>
    %mul3A_177 = arith.mulf %add3A_166, %get3A_140 : vector<1024x128xf32>
    %mul3A_178 = arith.mulf %add3A_158, %tanh3A_168 : vector<1024x128xf32>
    %add3A_179 = arith.addf %mul3A_177, %mul3A_178 : vector<1024x128xf32>
    %tanh3A_180 = math.tanh %add3A_179 : vector<1024x128xf32>
    %mul3A_181 = arith.mulf %add3A_176, %tanh3A_180 : vector<1024x128xf32>
    %swap3A_182 = arith.constant 0 : index
    %swap3A_183 = arith.constant 0 : index
    %swap3A_184 = vector.load %arg9[%swap3A_182, %swap3A_183] : memref<1024x128xf32, #tpu.memory_space<vmem>>, vector<1024x128xf32>
    tpu.vector_store %arg9[%swap3A_182, %swap3A_183], %mul3A_181 {strides = array<i32>} : memref<1024x128xf32, #tpu.memory_space<vmem>>, vector<1024x128xf32>,
    %swap3A_185 = arith.constant 0 : index
    %swap3A_186 = arith.constant 0 : index
    %swap3A_187 = vector.load %arg10[%swap3A_185, %swap3A_186] : memref<1024x128xf32, #tpu.memory_space<vmem>>, vector<1024x128xf32>
    tpu.vector_store %arg10[%swap3A_185, %swap3A_186], %add3A_179 {strides = array<i32>} : memref<1024x128xf32, #tpu.memory_space<vmem>>, vector<1024x128xf32>,
    %convert_element_type3A_188 = arith.truncf %mul3A_181 : vector<1024x128xf32> to vector<1024x128xbf16>
    %swap3A_189 = arith.constant 1 : index
    %swap3A_190 = arith.constant 0 : index
    %swap3A_191 = arith.constant 0 : index
    %swap3A_192 = vector.load %arg7[%swap3A_189, %swap3A_190, %swap3A_191] : memref<8x1024x128xbf16, #tpu.memory_space<vmem>>, vector<1x1024x128xbf16>
    %swap3A_193 = vector.shape_cast %swap3A_192 : vector<1x1024x128xbf16> to vector<1024x128xbf16>
    %swap3A_194 = vector.shape_cast %convert_element_type3A_188 : vector<1024x128xbf16> to vector<1x1024x128xbf16>
    tpu.vector_store %arg7[%swap3A_189, %swap3A_190, %swap3A_191], %swap3A_194 {strides = array<i32>} : memref<8x1024x128xbf16, #tpu.memory_space<vmem>>, vector<1x1024x128xbf16>,
    %get3A_195 = arith.constant 6 : index
    %get3A_196 = arith.constant 0 : index
    %get3A_197 = arith.constant 0 : index
    %get3A_198 = vector.load %arg2[%get3A_195, %get3A_196, %get3A_197] : memref<8x1024x64xbf16, #tpu.memory_space<vmem>>, vector<1x1024x64xbf16>
    %get3A_199 = vector.shape_cast %get3A_198 : vector<1x1024x64xbf16> to vector<1024x64xbf16>
    %get3A_200 = arith.constant 0 : index
    %get3A_201 = arith.constant 0 : index
    %get3A_202 = vector.load %arg11[%get3A_200, %get3A_201] : memref<1024x128xf32, #tpu.memory_space<vmem>>, vector<1024x128xf32>
    %convert_element_type3A_203 = arith.truncf %get3A_202 : vector<1024x128xf32> to vector<1024x128xbf16>
    %concatenate3A_204 = tpu.concatenate %get3A_199, %convert_element_type3A_203 in 1 : vector<1024x64xbf16>, vector<1024x128xbf16> -> vector<1024x192xbf16>
    %get3A_205 = arith.constant 0 : index
    %get3A_206 = arith.constant 0 : index
    %get3A_207 = vector.load %arg12[%get3A_205, %get3A_206] : memref<1024x128xf32, #tpu.memory_space<vmem>>, vector<1024x128xf32>
    %get3A_208 = arith.constant 0 : index
    %get3A_209 = arith.constant 0 : index
    %get3A_210 = vector.load %arg4[%get3A_208, %get3A_209] : memref<192x512xbf16, #tpu.memory_space<vmem>>, vector<192x512xbf16>
    %dot_general3A_211 = arith.constant dense<0.000000e+00> : vector<1024x512xf32>
    %dot_general3A_212 = tpu.matmul %concatenate3A_204, %get3A_210, %dot_general3A_211 {dimension_numbers = #tpu.dot_dimension_numbers<[1], [0], [0], [1], [0, 0, 1, 1], [], []>, transpose_lhs_hint = false} : vector<1024x192xbf16>, vector<192x512xbf16>, vector<1024x512xf32> -> vector<1024x512xf32>
    %get3A_213 = arith.constant 0 : index
    %get3A_214 = arith.constant 0 : index
    %get3A_215 = vector.load %arg6[%get3A_213, %get3A_214] : memref<1x512xf32, #tpu.memory_space<vmem>>, vector<1x512xf32>
    %add3A_216 = vector.broadcast %get3A_215 : vector<1x512xf32> to vector<1024x512xf32>
    %add3A_217 = arith.addf %dot_general3A_212, %add3A_216 : vector<1024x512xf32>
    %slice3A_218 = vector.extract_strided_slice %add3A_217 {offsets = [0, 0], sizes = [1024, 128], strides = [1, 1]} : vector<1024x512xf32> to vector<1024x128xf32>
    %tanh3A_219 = math.tanh %slice3A_218 : vector<1024x128xf32>
    %mul3A_220 = arith.constant 5.000000e-01 : f32
    %mul3A_221 = vector.broadcast %mul3A_220 : f32 to vector<1024x128xf32>
    %mul3A_222 = arith.mulf %mul3A_221, %tanh3A_219 : vector<1024x128xf32>
    %add3A_223 = arith.constant 5.000000e-01 : f32
    %add3A_224 = vector.broadcast %add3A_223 : f32 to vector<1024x128xf32>
    %add3A_225 = arith.addf %mul3A_222, %add3A_224 : vector<1024x128xf32>
    %slice3A_226 = vector.extract_strided_slice %add3A_217 {offsets = [0, 128], sizes = [1024, 128], strides = [1, 1]} : vector<1024x512xf32> to vector<1024x128xf32>
    %tanh3A_227 = math.tanh %slice3A_226 : vector<1024x128xf32>
    %mul3A_228 = arith.constant 5.000000e-01 : f32
    %mul3A_229 = vector.broadcast %mul3A_228 : f32 to vector<1024x128xf32>
    %mul3A_230 = arith.mulf %mul3A_229, %tanh3A_227 : vector<1024x128xf32>
    %add3A_231 = arith.constant 5.000000e-01 : f32
    %add3A_232 = vector.broadcast %add3A_231 : f32 to vector<1024x128xf32>
    %add3A_233 = arith.addf %mul3A_230, %add3A_232 : vector<1024x128xf32>
    %slice3A_234 = vector.extract_strided_slice %add3A_217 {offsets = [0, 256], sizes = [1024, 128], strides = [1, 1]} : vector<1024x512xf32> to vector<1024x128xf32>
    %tanh3A_235 = math.tanh %slice3A_234 : vector<1024x128xf32>
    %slice3A_236 = vector.extract_strided_slice %add3A_217 {offsets = [0, 384], sizes = [1024, 128], strides = [1, 1]} : vector<1024x512xf32> to vector<1024x128xf32>
    %tanh3A_237 = math.tanh %slice3A_236 : vector<1024x128xf32>
    %mul3A_238 = arith.constant 5.000000e-01 : f32
    %mul3A_239 = vector.broadcast %mul3A_238 : f32 to vector<1024x128xf32>
    %mul3A_240 = arith.mulf %mul3A_239, %tanh3A_237 : vector<1024x128xf32>
    %add3A_241 = arith.constant 5.000000e-01 : f32
    %add3A_242 = vector.broadcast %add3A_241 : f32 to vector<1024x128xf32>
    %add3A_243 = arith.addf %mul3A_240, %add3A_242 : vector<1024x128xf32>
    %mul3A_244 = arith.mulf %add3A_233, %get3A_207 : vector<1024x128xf32>
    %mul3A_245 = arith.mulf %add3A_225, %tanh3A_235 : vector<1024x128xf32>
    %add3A_246 = arith.addf %mul3A_244, %mul3A_245 : vector<1024x128xf32>
    %tanh3A_247 = math.tanh %add3A_246 : vector<1024x128xf32>
    %mul3A_248 = arith.mulf %add3A_243, %tanh3A_247 : vector<1024x128xf32>
    %swap3A_249 = arith.constant 0 : index
    %swap3A_250 = arith.constant 0 : index
    %swap3A_251 = vector.load %arg11[%swap3A_249, %swap3A_250] : memref<1024x128xf32, #tpu.memory_space<vmem>>, vector<1024x128xf32>
    tpu.vector_store %arg11[%swap3A_249, %swap3A_250], %mul3A_248 {strides = array<i32>} : memref<1024x128xf32, #tpu.memory_space<vmem>>, vector<1024x128xf32>,
    %swap3A_252 = arith.constant 0 : index
    %swap3A_253 = arith.constant 0 : index
    %swap3A_254 = vector.load %arg12[%swap3A_252, %swap3A_253] : memref<1024x128xf32, #tpu.memory_space<vmem>>, vector<1024x128xf32>
    tpu.vector_store %arg12[%swap3A_252, %swap3A_253], %add3A_246 {strides = array<i32>} : memref<1024x128xf32, #tpu.memory_space<vmem>>, vector<1024x128xf32>,
    %convert_element_type3A_255 = arith.truncf %mul3A_248 : vector<1024x128xf32> to vector<1024x128xbf16>
    %swap3A_256 = arith.constant 6 : index
    %swap3A_257 = arith.constant 0 : index
    %swap3A_258 = arith.constant 0 : index
    %swap3A_259 = vector.load %arg8[%swap3A_256, %swap3A_257, %swap3A_258] : memref<8x1024x128xbf16, #tpu.memory_space<vmem>>, vector<1x1024x128xbf16>
    %swap3A_260 = vector.shape_cast %swap3A_259 : vector<1x1024x128xbf16> to vector<1024x128xbf16>
    %swap3A_261 = vector.shape_cast %convert_element_type3A_255 : vector<1024x128xbf16> to vector<1x1024x128xbf16>
    tpu.vector_store %arg8[%swap3A_256, %swap3A_257, %swap3A_258], %swap3A_261 {strides = array<i32>} : memref<8x1024x128xbf16, #tpu.memory_space<vmem>>, vector<1x1024x128xbf16>,
    %get3A_262 = arith.constant 2 : index
    %get3A_263 = arith.constant 0 : index
    %get3A_264 = arith.constant 0 : index
    %get3A_265 = vector.load %arg1[%get3A_262, %get3A_263, %get3A_264] : memref<8x1024x64xbf16, #tpu.memory_space<vmem>>, vector<1x1024x64xbf16>
    %get3A_266 = vector.shape_cast %get3A_265 : vector<1x1024x64xbf16> to vector<1024x64xbf16>
    %get3A_267 = arith.constant 0 : index
    %get3A_268 = arith.constant 0 : index
    %get3A_269 = vector.load %arg9[%get3A_267, %get3A_268] : memref<1024x128xf32, #tpu.memory_space<vmem>>, vector<1024x128xf32>
    %convert_element_type3A_270 = arith.truncf %get3A_269 : vector<1024x128xf32> to vector<1024x128xbf16>
    %concatenate3A_271 = tpu.concatenate %get3A_266, %convert_element_type3A_270 in 1 : vector<1024x64xbf16>, vector<1024x128xbf16> -> vector<1024x192xbf16>
    %get3A_272 = arith.constant 0 : index
    %get3A_273 = arith.constant 0 : index
    %get3A_274 = vector.load %arg10[%get3A_272, %get3A_273] : memref<1024x128xf32, #tpu.memory_space<vmem>>, vector<1024x128xf32>
    %get3A_275 = arith.constant 0 : index
    %get3A_276 = arith.constant 0 : index
    %get3A_277 = vector.load %arg3[%get3A_275, %get3A_276] : memref<192x512xbf16, #tpu.memory_space<vmem>>, vector<192x512xbf16>
    %dot_general3A_278 = arith.constant dense<0.000000e+00> : vector<1024x512xf32>
    %dot_general3A_279 = tpu.matmul %concatenate3A_271, %get3A_277, %dot_general3A_278 {dimension_numbers = #tpu.dot_dimension_numbers<[1], [0], [0], [1], [0, 0, 1, 1], [], []>, transpose_lhs_hint = false} : vector<1024x192xbf16>, vector<192x512xbf16>, vector<1024x512xf32> -> vector<1024x512xf32>
    %get3A_280 = arith.constant 0 : index
    %get3A_281 = arith.constant 0 : index
    %get3A_282 = vector.load %arg5[%get3A_280, %get3A_281] : memref<1x512xf32, #tpu.memory_space<vmem>>, vector<1x512xf32>
    %add3A_283 = vector.broadcast %get3A_282 : vector<1x512xf32> to vector<1024x512xf32>
    %add3A_284 = arith.addf %dot_general3A_279, %add3A_283 : vector<1024x512xf32>
    %slice3A_285 = vector.extract_strided_slice %add3A_284 {offsets = [0, 0], sizes = [1024, 128], strides = [1, 1]} : vector<1024x512xf32> to vector<1024x128xf32>
    %tanh3A_286 = math.tanh %slice3A_285 : vector<1024x128xf32>
    %mul3A_287 = arith.constant 5.000000e-01 : f32
    %mul3A_288 = vector.broadcast %mul3A_287 : f32 to vector<1024x128xf32>
    %mul3A_289 = arith.mulf %mul3A_288, %tanh3A_286 : vector<1024x128xf32>
    %add3A_290 = arith.constant 5.000000e-01 : f32
    %add3A_291 = vector.broadcast %add3A_290 : f32 to vector<1024x128xf32>
    %add3A_292 = arith.addf %mul3A_289, %add3A_291 : vector<1024x128xf32>
    %slice3A_293 = vector.extract_strided_slice %add3A_284 {offsets = [0, 128], sizes = [1024, 128], strides = [1, 1]} : vector<1024x512xf32> to vector<1024x128xf32>
    %tanh3A_294 = math.tanh %slice3A_293 : vector<1024x128xf32>
    %mul3A_295 = arith.constant 5.000000e-01 : f32
    %mul3A_296 = vector.broadcast %mul3A_295 : f32 to vector<1024x128xf32>
    %mul3A_297 = arith.mulf %mul3A_296, %tanh3A_294 : vector<1024x128xf32>
    %add3A_298 = arith.constant 5.000000e-01 : f32
    %add3A_299 = vector.broadcast %add3A_298 : f32 to vector<1024x128xf32>
    %add3A_300 = arith.addf %mul3A_297, %add3A_299 : vector<1024x128xf32>
    %slice3A_301 = vector.extract_strided_slice %add3A_284 {offsets = [0, 256], sizes = [1024, 128], strides = [1, 1]} : vector<1024x512xf32> to vector<1024x128xf32>
    %tanh3A_302 = math.tanh %slice3A_301 : vector<1024x128xf32>
    %slice3A_303 = vector.extract_strided_slice %add3A_284 {offsets = [0, 384], sizes = [1024, 128], strides = [1, 1]} : vector<1024x512xf32> to vector<1024x128xf32>
    %tanh3A_304 = math.tanh %slice3A_303 : vector<1024x128xf32>
    %mul3A_305 = arith.constant 5.000000e-01 : f32
    %mul3A_306 = vector.broadcast %mul3A_305 : f32 to vector<1024x128xf32>
    %mul3A_307 = arith.mulf %mul3A_306, %tanh3A_304 : vector<1024x128xf32>
    %add3A_308 = arith.constant 5.000000e-01 : f32
    %add3A_309 = vector.broadcast %add3A_308 : f32 to vector<1024x128xf32>
    %add3A_310 = arith.addf %mul3A_307, %add3A_309 : vector<1024x128xf32>
    %mul3A_311 = arith.mulf %add3A_300, %get3A_274 : vector<1024x128xf32>
    %mul3A_312 = arith.mulf %add3A_292, %tanh3A_302 : vector<1024x128xf32>
    %add3A_313 = arith.addf %mul3A_311, %mul3A_312 : vector<1024x128xf32>
    %tanh3A_314 = math.tanh %add3A_313 : vector<1024x128xf32>
    %mul3A_315 = arith.mulf %add3A_310, %tanh3A_314 : vector<1024x128xf32>
    %swap3A_316 = arith.constant 0 : index
    %swap3A_317 = arith.constant 0 : index
    %swap3A_318 = vector.load %arg9[%swap3A_316, %swap3A_317] : memref<1024x128xf32, #tpu.memory_space<vmem>>, vector<1024x128xf32>
    tpu.vector_store %arg9[%swap3A_316, %swap3A_317], %mul3A_315 {strides = array<i32>} : memref<1024x128xf32, #tpu.memory_space<vmem>>, vector<1024x128xf32>,
    %swap3A_319 = arith.constant 0 : index
    %swap3A_320 = arith.constant 0 : index
    %swap3A_321 = vector.load %arg10[%swap3A_319, %swap3A_320] : memref<1024x128xf32, #tpu.memory_space<vmem>>, vector<1024x128xf32>
    tpu.vector_store %arg10[%swap3A_319, %swap3A_320], %add3A_313 {strides = array<i32>} : memref<1024x128xf32, #tpu.memory_space<vmem>>, vector<1024x128xf32>,
    %convert_element_type3A_322 = arith.truncf %mul3A_315 : vector<1024x128xf32> to vector<1024x128xbf16>
    %swap3A_323 = arith.constant 2 : index
    %swap3A_324 = arith.constant 0 : index
    %swap3A_325 = arith.constant 0 : index
    %swap3A_326 = vector.load %arg7[%swap3A_323, %swap3A_324, %swap3A_325] : memref<8x1024x128xbf16, #tpu.memory_space<vmem>>, vector<1x1024x128xbf16>
    %swap3A_327 = vector.shape_cast %swap3A_326 : vector<1x1024x128xbf16> to vector<1024x128xbf16>
    %swap3A_328 = vector.shape_cast %convert_element_type3A_322 : vector<1024x128xbf16> to vector<1x1024x128xbf16>
    tpu.vector_store %arg7[%swap3A_323, %swap3A_324, %swap3A_325], %swap3A_328 {strides = array<i32>} : memref<8x1024x128xbf16, #tpu.memory_space<vmem>>, vector<1x1024x128xbf16>,
    %get3A_329 = arith.constant 5 : index
    %get3A_330 = arith.constant 0 : index
    %get3A_331 = arith.constant 0 : index
    %get3A_332 = vector.load %arg2[%get3A_329, %get3A_330, %get3A_331] : memref<8x1024x64xbf16, #tpu.memory_space<vmem>>, vector<1x1024x64xbf16>
    %get3A_333 = vector.shape_cast %get3A_332 : vector<1x1024x64xbf16> to vector<1024x64xbf16>
    %get3A_334 = arith.constant 0 : index
    %get3A_335 = arith.constant 0 : index
    %get3A_336 = vector.load %arg11[%get3A_334, %get3A_335] : memref<1024x128xf32, #tpu.memory_space<vmem>>, vector<1024x128xf32>
    %convert_element_type3A_337 = arith.truncf %get3A_336 : vector<1024x128xf32> to vector<1024x128xbf16>
    %concatenate3A_338 = tpu.concatenate %get3A_333, %convert_element_type3A_337 in 1 : vector<1024x64xbf16>, vector<1024x128xbf16> -> vector<1024x192xbf16>
    %get3A_339 = arith.constant 0 : index
    %get3A_340 = arith.constant 0 : index
    %get3A_341 = vector.load %arg12[%get3A_339, %get3A_340] : memref<1024x128xf32, #tpu.memory_space<vmem>>, vector<1024x128xf32>
    %get3A_342 = arith.constant 0 : index
    %get3A_343 = arith.constant 0 : index
    %get3A_344 = vector.load %arg4[%get3A_342, %get3A_343] : memref<192x512xbf16, #tpu.memory_space<vmem>>, vector<192x512xbf16>
    %dot_general3A_345 = arith.constant dense<0.000000e+00> : vector<1024x512xf32>
    %dot_general3A_346 = tpu.matmul %concatenate3A_338, %get3A_344, %dot_general3A_345 {dimension_numbers = #tpu.dot_dimension_numbers<[1], [0], [0], [1], [0, 0, 1, 1], [], []>, transpose_lhs_hint = false} : vector<1024x192xbf16>, vector<192x512xbf16>, vector<1024x512xf32> -> vector<1024x512xf32>
    %get3A_347 = arith.constant 0 : index
    %get3A_348 = arith.constant 0 : index
    %get3A_349 = vector.load %arg6[%get3A_347, %get3A_348] : memref<1x512xf32, #tpu.memory_space<vmem>>, vector<1x512xf32>
    %add3A_350 = vector.broadcast %get3A_349 : vector<1x512xf32> to vector<1024x512xf32>
    %add3A_351 = arith.addf %dot_general3A_346, %add3A_350 : vector<1024x512xf32>
    %slice3A_352 = vector.extract_strided_slice %add3A_351 {offsets = [0, 0], sizes = [1024, 128], strides = [1, 1]} : vector<1024x512xf32> to vector<1024x128xf32>
    %tanh3A_353 = math.tanh %slice3A_352 : vector<1024x128xf32>
    %mul3A_354 = arith.constant 5.000000e-01 : f32
    %mul3A_355 = vector.broadcast %mul3A_354 : f32 to vector<1024x128xf32>
    %mul3A_356 = arith.mulf %mul3A_355, %tanh3A_353 : vector<1024x128xf32>
    %add3A_357 = arith.constant 5.000000e-01 : f32
    %add3A_358 = vector.broadcast %add3A_357 : f32 to vector<1024x128xf32>
    %add3A_359 = arith.addf %mul3A_356, %add3A_358 : vector<1024x128xf32>
    %slice3A_360 = vector.extract_strided_slice %add3A_351 {offsets = [0, 128], sizes = [1024, 128], strides = [1, 1]} : vector<1024x512xf32> to vector<1024x128xf32>
    %tanh3A_361 = math.tanh %slice3A_360 : vector<1024x128xf32>
    %mul3A_362 = arith.constant 5.000000e-01 : f32
    %mul3A_363 = vector.broadcast %mul3A_362 : f32 to vector<1024x128xf32>
    %mul3A_364 = arith.mulf %mul3A_363, %tanh3A_361 : vector<1024x128xf32>
    %add3A_365 = arith.constant 5.000000e-01 : f32
    %add3A_366 = vector.broadcast %add3A_365 : f32 to vector<1024x128xf32>
    %add3A_367 = arith.addf %mul3A_364, %add3A_366 : vector<1024x128xf32>
    %slice3A_368 = vector.extract_strided_slice %add3A_351 {offsets = [0, 256], sizes = [1024, 128], strides = [1, 1]} : vector<1024x512xf32> to vector<1024x128xf32>
    %tanh3A_369 = math.tanh %slice3A_368 : vector<1024x128xf32>
    %slice3A_370 = vector.extract_strided_slice %add3A_351 {offsets = [0, 384], sizes = [1024, 128], strides = [1, 1]} : vector<1024x512xf32> to vector<1024x128xf32>
    %tanh3A_371 = math.tanh %slice3A_370 : vector<1024x128xf32>
    %mul3A_372 = arith.constant 5.000000e-01 : f32
    %mul3A_373 = vector.broadcast %mul3A_372 : f32 to vector<1024x128xf32>
    %mul3A_374 = arith.mulf %mul3A_373, %tanh3A_371 : vector<1024x128xf32>
    %add3A_375 = arith.constant 5.000000e-01 : f32
    %add3A_376 = vector.broadcast %add3A_375 : f32 to vector<1024x128xf32>
    %add3A_377 = arith.addf %mul3A_374, %add3A_376 : vector<1024x128xf32>
    %mul3A_378 = arith.mulf %add3A_367, %get3A_341 : vector<1024x128xf32>
    %mul3A_379 = arith.mulf %add3A_359, %tanh3A_369 : vector<1024x128xf32>
    %add3A_380 = arith.addf %mul3A_378, %mul3A_379 : vector<1024x128xf32>
    %tanh3A_381 = math.tanh %add3A_380 : vector<1024x128xf32>
    %mul3A_382 = arith.mulf %add3A_377, %tanh3A_381 : vector<1024x128xf32>
    %swap3A_383 = arith.constant 0 : index
    %swap3A_384 = arith.constant 0 : index
    %swap3A_385 = vector.load %arg11[%swap3A_383, %swap3A_384] : memref<1024x128xf32, #tpu.memory_space<vmem>>, vector<1024x128xf32>
    tpu.vector_store %arg11[%swap3A_383, %swap3A_384], %mul3A_382 {strides = array<i32>} : memref<1024x128xf32, #tpu.memory_space<vmem>>, vector<1024x128xf32>,
    %swap3A_386 = arith.constant 0 : index
    %swap3A_387 = arith.constant 0 : index
    %swap3A_388 = vector.load %arg12[%swap3A_386, %swap3A_387] : memref<1024x128xf32, #tpu.memory_space<vmem>>, vector<1024x128xf32>
    tpu.vector_store %arg12[%swap3A_386, %swap3A_387], %add3A_380 {strides = array<i32>} : memref<1024x128xf32, #tpu.memory_space<vmem>>, vector<1024x128xf32>,
    %convert_element_type3A_389 = arith.truncf %mul3A_382 : vector<1024x128xf32> to vector<1024x128xbf16>
    %swap3A_390 = arith.constant 5 : index
    %swap3A_391 = arith.constant 0 : index
    %swap3A_392 = arith.constant 0 : index
    %swap3A_393 = vector.load %arg8[%swap3A_390, %swap3A_391, %swap3A_392] : memref<8x1024x128xbf16, #tpu.memory_space<vmem>>, vector<1x1024x128xbf16>
    %swap3A_394 = vector.shape_cast %swap3A_393 : vector<1x1024x128xbf16> to vector<1024x128xbf16>
    %swap3A_395 = vector.shape_cast %convert_element_type3A_389 : vector<1024x128xbf16> to vector<1x1024x128xbf16>
    tpu.vector_store %arg8[%swap3A_390, %swap3A_391, %swap3A_392], %swap3A_395 {strides = array<i32>} : memref<8x1024x128xbf16, #tpu.memory_space<vmem>>, vector<1x1024x128xbf16>,
    %get3A_396 = arith.constant 3 : index
    %get3A_397 = arith.constant 0 : index
    %get3A_398 = arith.constant 0 : index
    %get3A_399 = vector.load %arg1[%get3A_396, %get3A_397, %get3A_398] : memref<8x1024x64xbf16, #tpu.memory_space<vmem>>, vector<1x1024x64xbf16>
    %get3A_400 = vector.shape_cast %get3A_399 : vector<1x1024x64xbf16> to vector<1024x64xbf16>
    %get3A_401 = arith.constant 0 : index
    %get3A_402 = arith.constant 0 : index
    %get3A_403 = vector.load %arg9[%get3A_401, %get3A_402] : memref<1024x128xf32, #tpu.memory_space<vmem>>, vector<1024x128xf32>
    %convert_element_type3A_404 = arith.truncf %get3A_403 : vector<1024x128xf32> to vector<1024x128xbf16>
    %concatenate3A_405 = tpu.concatenate %get3A_400, %convert_element_type3A_404 in 1 : vector<1024x64xbf16>, vector<1024x128xbf16> -> vector<1024x192xbf16>
    %get3A_406 = arith.constant 0 : index
    %get3A_407 = arith.constant 0 : index
    %get3A_408 = vector.load %arg10[%get3A_406, %get3A_407] : memref<1024x128xf32, #tpu.memory_space<vmem>>, vector<1024x128xf32>
    %get3A_409 = arith.constant 0 : index
    %get3A_410 = arith.constant 0 : index
    %get3A_411 = vector.load %arg3[%get3A_409, %get3A_410] : memref<192x512xbf16, #tpu.memory_space<vmem>>, vector<192x512xbf16>
    %dot_general3A_412 = arith.constant dense<0.000000e+00> : vector<1024x512xf32>
    %dot_general3A_413 = tpu.matmul %concatenate3A_405, %get3A_411, %dot_general3A_412 {dimension_numbers = #tpu.dot_dimension_numbers<[1], [0], [0], [1], [0, 0, 1, 1], [], []>, transpose_lhs_hint = false} : vector<1024x192xbf16>, vector<192x512xbf16>, vector<1024x512xf32> -> vector<1024x512xf32>
    %get3A_414 = arith.constant 0 : index
    %get3A_415 = arith.constant 0 : index
    %get3A_416 = vector.load %arg5[%get3A_414, %get3A_415] : memref<1x512xf32, #tpu.memory_space<vmem>>, vector<1x512xf32>
    %add3A_417 = vector.broadcast %get3A_416 : vector<1x512xf32> to vector<1024x512xf32>
    %add3A_418 = arith.addf %dot_general3A_413, %add3A_417 : vector<1024x512xf32>
    %slice3A_419 = vector.extract_strided_slice %add3A_418 {offsets = [0, 0], sizes = [1024, 128], strides = [1, 1]} : vector<1024x512xf32> to vector<1024x128xf32>
    %tanh3A_420 = math.tanh %slice3A_419 : vector<1024x128xf32>
    %mul3A_421 = arith.constant 5.000000e-01 : f32
    %mul3A_422 = vector.broadcast %mul3A_421 : f32 to vector<1024x128xf32>
    %mul3A_423 = arith.mulf %mul3A_422, %tanh3A_420 : vector<1024x128xf32>
    %add3A_424 = arith.constant 5.000000e-01 : f32
    %add3A_425 = vector.broadcast %add3A_424 : f32 to vector<1024x128xf32>
    %add3A_426 = arith.addf %mul3A_423, %add3A_425 : vector<1024x128xf32>
    %slice3A_427 = vector.extract_strided_slice %add3A_418 {offsets = [0, 128], sizes = [1024, 128], strides = [1, 1]} : vector<1024x512xf32> to vector<1024x128xf32>
    %tanh3A_428 = math.tanh %slice3A_427 : vector<1024x128xf32>
    %mul3A_429 = arith.constant 5.000000e-01 : f32
    %mul3A_430 = vector.broadcast %mul3A_429 : f32 to vector<1024x128xf32>
    %mul3A_431 = arith.mulf %mul3A_430, %tanh3A_428 : vector<1024x128xf32>
    %add3A_432 = arith.constant 5.000000e-01 : f32
    %add3A_433 = vector.broadcast %add3A_432 : f32 to vector<1024x128xf32>
    %add3A_434 = arith.addf %mul3A_431, %add3A_433 : vector<1024x128xf32>
    %slice3A_435 = vector.extract_strided_slice %add3A_418 {offsets = [0, 256], sizes = [1024, 128], strides = [1, 1]} : vector<1024x512xf32> to vector<1024x128xf32>
    %tanh3A_436 = math.tanh %slice3A_435 : vector<1024x128xf32>
    %slice3A_437 = vector.extract_strided_slice %add3A_418 {offsets = [0, 384], sizes = [1024, 128], strides = [1, 1]} : vector<1024x512xf32> to vector<1024x128xf32>
    %tanh3A_438 = math.tanh %slice3A_437 : vector<1024x128xf32>
    %mul3A_439 = arith.constant 5.000000e-01 : f32
    %mul3A_440 = vector.broadcast %mul3A_439 : f32 to vector<1024x128xf32>
    %mul3A_441 = arith.mulf %mul3A_440, %tanh3A_438 : vector<1024x128xf32>
    %add3A_442 = arith.constant 5.000000e-01 : f32
    %add3A_443 = vector.broadcast %add3A_442 : f32 to vector<1024x128xf32>
    %add3A_444 = arith.addf %mul3A_441, %add3A_443 : vector<1024x128xf32>
    %mul3A_445 = arith.mulf %add3A_434, %get3A_408 : vector<1024x128xf32>
    %mul3A_446 = arith.mulf %add3A_426, %tanh3A_436 : vector<1024x128xf32>
    %add3A_447 = arith.addf %mul3A_445, %mul3A_446 : vector<1024x128xf32>
    %tanh3A_448 = math.tanh %add3A_447 : vector<1024x128xf32>
    %mul3A_449 = arith.mulf %add3A_444, %tanh3A_448 : vector<1024x128xf32>
    %swap3A_450 = arith.constant 0 : index
    %swap3A_451 = arith.constant 0 : index
    %swap3A_452 = vector.load %arg9[%swap3A_450, %swap3A_451] : memref<1024x128xf32, #tpu.memory_space<vmem>>, vector<1024x128xf32>
    tpu.vector_store %arg9[%swap3A_450, %swap3A_451], %mul3A_449 {strides = array<i32>} : memref<1024x128xf32, #tpu.memory_space<vmem>>, vector<1024x128xf32>,
    %swap3A_453 = arith.constant 0 : index
    %swap3A_454 = arith.constant 0 : index
    %swap3A_455 = vector.load %arg10[%swap3A_453, %swap3A_454] : memref<1024x128xf32, #tpu.memory_space<vmem>>, vector<1024x128xf32>
    tpu.vector_store %arg10[%swap3A_453, %swap3A_454], %add3A_447 {strides = array<i32>} : memref<1024x128xf32, #tpu.memory_space<vmem>>, vector<1024x128xf32>,
    %convert_element_type3A_456 = arith.truncf %mul3A_449 : vector<1024x128xf32> to vector<1024x128xbf16>
    %swap3A_457 = arith.constant 3 : index
    %swap3A_458 = arith.constant 0 : index
    %swap3A_459 = arith.constant 0 : index
    %swap3A_460 = vector.load %arg7[%swap3A_457, %swap3A_458, %swap3A_459] : memref<8x1024x128xbf16, #tpu.memory_space<vmem>>, vector<1x1024x128xbf16>
    %swap3A_461 = vector.shape_cast %swap3A_460 : vector<1x1024x128xbf16> to vector<1024x128xbf16>
    %swap3A_462 = vector.shape_cast %convert_element_type3A_456 : vector<1024x128xbf16> to vector<1x1024x128xbf16>
    tpu.vector_store %arg7[%swap3A_457, %swap3A_458, %swap3A_459], %swap3A_462 {strides = array<i32>} : memref<8x1024x128xbf16, #tpu.memory_space<vmem>>, vector<1x1024x128xbf16>,
    %get3A_463 = arith.constant 4 : index
    %get3A_464 = arith.constant 0 : index
    %get3A_465 = arith.constant 0 : index
    %get3A_466 = vector.load %arg2[%get3A_463, %get3A_464, %get3A_465] : memref<8x1024x64xbf16, #tpu.memory_space<vmem>>, vector<1x1024x64xbf16>
    %get3A_467 = vector.shape_cast %get3A_466 : vector<1x1024x64xbf16> to vector<1024x64xbf16>
    %get3A_468 = arith.constant 0 : index
    %get3A_469 = arith.constant 0 : index
    %get3A_470 = vector.load %arg11[%get3A_468, %get3A_469] : memref<1024x128xf32, #tpu.memory_space<vmem>>, vector<1024x128xf32>
    %convert_element_type3A_471 = arith.truncf %get3A_470 : vector<1024x128xf32> to vector<1024x128xbf16>
    %concatenate3A_472 = tpu.concatenate %get3A_467, %convert_element_type3A_471 in 1 : vector<1024x64xbf16>, vector<1024x128xbf16> -> vector<1024x192xbf16>
    %get3A_473 = arith.constant 0 : index
    %get3A_474 = arith.constant 0 : index
    %get3A_475 = vector.load %arg12[%get3A_473, %get3A_474] : memref<1024x128xf32, #tpu.memory_space<vmem>>, vector<1024x128xf32>
    %get3A_476 = arith.constant 0 : index
    %get3A_477 = arith.constant 0 : index
    %get3A_478 = vector.load %arg4[%get3A_476, %get3A_477] : memref<192x512xbf16, #tpu.memory_space<vmem>>, vector<192x512xbf16>
    %dot_general3A_479 = arith.constant dense<0.000000e+00> : vector<1024x512xf32>
    %dot_general3A_480 = tpu.matmul %concatenate3A_472, %get3A_478, %dot_general3A_479 {dimension_numbers = #tpu.dot_dimension_numbers<[1], [0], [0], [1], [0, 0, 1, 1], [], []>, transpose_lhs_hint = false} : vector<1024x192xbf16>, vector<192x512xbf16>, vector<1024x512xf32> -> vector<1024x512xf32>
    %get3A_481 = arith.constant 0 : index
    %get3A_482 = arith.constant 0 : index
    %get3A_483 = vector.load %arg6[%get3A_481, %get3A_482] : memref<1x512xf32, #tpu.memory_space<vmem>>, vector<1x512xf32>
    %add3A_484 = vector.broadcast %get3A_483 : vector<1x512xf32> to vector<1024x512xf32>
    %add3A_485 = arith.addf %dot_general3A_480, %add3A_484 : vector<1024x512xf32>
    %slice3A_486 = vector.extract_strided_slice %add3A_485 {offsets = [0, 0], sizes = [1024, 128], strides = [1, 1]} : vector<1024x512xf32> to vector<1024x128xf32>
    %tanh3A_487 = math.tanh %slice3A_486 : vector<1024x128xf32>
    %mul3A_488 = arith.constant 5.000000e-01 : f32
    %mul3A_489 = vector.broadcast %mul3A_488 : f32 to vector<1024x128xf32>
    %mul3A_490 = arith.mulf %mul3A_489, %tanh3A_487 : vector<1024x128xf32>
    %add3A_491 = arith.constant 5.000000e-01 : f32
    %add3A_492 = vector.broadcast %add3A_491 : f32 to vector<1024x128xf32>
    %add3A_493 = arith.addf %mul3A_490, %add3A_492 : vector<1024x128xf32>
    %slice3A_494 = vector.extract_strided_slice %add3A_485 {offsets = [0, 128], sizes = [1024, 128], strides = [1, 1]} : vector<1024x512xf32> to vector<1024x128xf32>
    %tanh3A_495 = math.tanh %slice3A_494 : vector<1024x128xf32>
    %mul3A_496 = arith.constant 5.000000e-01 : f32
    %mul3A_497 = vector.broadcast %mul3A_496 : f32 to vector<1024x128xf32>
    %mul3A_498 = arith.mulf %mul3A_497, %tanh3A_495 : vector<1024x128xf32>
    %add3A_499 = arith.constant 5.000000e-01 : f32
    %add3A_500 = vector.broadcast %add3A_499 : f32 to vector<1024x128xf32>
    %add3A_501 = arith.addf %mul3A_498, %add3A_500 : vector<1024x128xf32>
    %slice3A_502 = vector.extract_strided_slice %add3A_485 {offsets = [0, 256], sizes = [1024, 128], strides = [1, 1]} : vector<1024x512xf32> to vector<1024x128xf32>
    %tanh3A_503 = math.tanh %slice3A_502 : vector<1024x128xf32>
    %slice3A_504 = vector.extract_strided_slice %add3A_485 {offsets = [0, 384], sizes = [1024, 128], strides = [1, 1]} : vector<1024x512xf32> to vector<1024x128xf32>
    %tanh3A_505 = math.tanh %slice3A_504 : vector<1024x128xf32>
    %mul3A_506 = arith.constant 5.000000e-01 : f32
    %mul3A_507 = vector.broadcast %mul3A_506 : f32 to vector<1024x128xf32>
    %mul3A_508 = arith.mulf %mul3A_507, %tanh3A_505 : vector<1024x128xf32>
    %add3A_509 = arith.constant 5.000000e-01 : f32
    %add3A_510 = vector.broadcast %add3A_509 : f32 to vector<1024x128xf32>
    %add3A_511 = arith.addf %mul3A_508, %add3A_510 : vector<1024x128xf32>
    %mul3A_512 = arith.mulf %add3A_501, %get3A_475 : vector<1024x128xf32>
    %mul3A_513 = arith.mulf %add3A_493, %tanh3A_503 : vector<1024x128xf32>
    %add3A_514 = arith.addf %mul3A_512, %mul3A_513 : vector<1024x128xf32>
    %tanh3A_515 = math.tanh %add3A_514 : vector<1024x128xf32>
    %mul3A_516 = arith.mulf %add3A_511, %tanh3A_515 : vector<1024x128xf32>
    %swap3A_517 = arith.constant 0 : index
    %swap3A_518 = arith.constant 0 : index
    %swap3A_519 = vector.load %arg11[%swap3A_517, %swap3A_518] : memref<1024x128xf32, #tpu.memory_space<vmem>>, vector<1024x128xf32>
    tpu.vector_store %arg11[%swap3A_517, %swap3A_518], %mul3A_516 {strides = array<i32>} : memref<1024x128xf32, #tpu.memory_space<vmem>>, vector<1024x128xf32>,
    %swap3A_520 = arith.constant 0 : index
    %swap3A_521 = arith.constant 0 : index
    %swap3A_522 = vector.load %arg12[%swap3A_520, %swap3A_521] : memref<1024x128xf32, #tpu.memory_space<vmem>>, vector<1024x128xf32>
    tpu.vector_store %arg12[%swap3A_520, %swap3A_521], %add3A_514 {strides = array<i32>} : memref<1024x128xf32, #tpu.memory_space<vmem>>, vector<1024x128xf32>,
    %convert_element_type3A_523 = arith.truncf %mul3A_516 : vector<1024x128xf32> to vector<1024x128xbf16>
    %swap3A_524 = arith.constant 4 : index
    %swap3A_525 = arith.constant 0 : index
    %swap3A_526 = arith.constant 0 : index
    %swap3A_527 = vector.load %arg8[%swap3A_524, %swap3A_525, %swap3A_526] : memref<8x1024x128xbf16, #tpu.memory_space<vmem>>, vector<1x1024x128xbf16>
    %swap3A_528 = vector.shape_cast %swap3A_527 : vector<1x1024x128xbf16> to vector<1024x128xbf16>
    %swap3A_529 = vector.shape_cast %convert_element_type3A_523 : vector<1024x128xbf16> to vector<1x1024x128xbf16>
    tpu.vector_store %arg8[%swap3A_524, %swap3A_525, %swap3A_526], %swap3A_529 {strides = array<i32>} : memref<8x1024x128xbf16, #tpu.memory_space<vmem>>, vector<1x1024x128xbf16>,
    %get3A_530 = arith.constant 4 : index
    %get3A_531 = arith.constant 0 : index
    %get3A_532 = arith.constant 0 : index
    %get3A_533 = vector.load %arg1[%get3A_530, %get3A_531, %get3A_532] : memref<8x1024x64xbf16, #tpu.memory_space<vmem>>, vector<1x1024x64xbf16>
    %get3A_534 = vector.shape_cast %get3A_533 : vector<1x1024x64xbf16> to vector<1024x64xbf16>
    %get3A_535 = arith.constant 0 : index
    %get3A_536 = arith.constant 0 : index
    %get3A_537 = vector.load %arg9[%get3A_535, %get3A_536] : memref<1024x128xf32, #tpu.memory_space<vmem>>, vector<1024x128xf32>
    %convert_element_type3A_538 = arith.truncf %get3A_537 : vector<1024x128xf32> to vector<1024x128xbf16>
    %concatenate3A_539 = tpu.concatenate %get3A_534, %convert_element_type3A_538 in 1 : vector<1024x64xbf16>, vector<1024x128xbf16> -> vector<1024x192xbf16>
    %get3A_540 = arith.constant 0 : index
    %get3A_541 = arith.constant 0 : index
    %get3A_542 = vector.load %arg10[%get3A_540, %get3A_541] : memref<1024x128xf32, #tpu.memory_space<vmem>>, vector<1024x128xf32>
    %get3A_543 = arith.constant 0 : index
    %get3A_544 = arith.constant 0 : index
    %get3A_545 = vector.load %arg3[%get3A_543, %get3A_544] : memref<192x512xbf16, #tpu.memory_space<vmem>>, vector<192x512xbf16>
    %dot_general3A_546 = arith.constant dense<0.000000e+00> : vector<1024x512xf32>
    %dot_general3A_547 = tpu.matmul %concatenate3A_539, %get3A_545, %dot_general3A_546 {dimension_numbers = #tpu.dot_dimension_numbers<[1], [0], [0], [1], [0, 0, 1, 1], [], []>, transpose_lhs_hint = false} : vector<1024x192xbf16>, vector<192x512xbf16>, vector<1024x512xf32> -> vector<1024x512xf32>
    %get3A_548 = arith.constant 0 : index
    %get3A_549 = arith.constant 0 : index
    %get3A_550 = vector.load %arg5[%get3A_548, %get3A_549] : memref<1x512xf32, #tpu.memory_space<vmem>>, vector<1x512xf32>
    %add3A_551 = vector.broadcast %get3A_550 : vector<1x512xf32> to vector<1024x512xf32>
    %add3A_552 = arith.addf %dot_general3A_547, %add3A_551 : vector<1024x512xf32>
    %slice3A_553 = vector.extract_strided_slice %add3A_552 {offsets = [0, 0], sizes = [1024, 128], strides = [1, 1]} : vector<1024x512xf32> to vector<1024x128xf32>
    %tanh3A_554 = math.tanh %slice3A_553 : vector<1024x128xf32>
    %mul3A_555 = arith.constant 5.000000e-01 : f32
    %mul3A_556 = vector.broadcast %mul3A_555 : f32 to vector<1024x128xf32>
    %mul3A_557 = arith.mulf %mul3A_556, %tanh3A_554 : vector<1024x128xf32>
    %add3A_558 = arith.constant 5.000000e-01 : f32
    %add3A_559 = vector.broadcast %add3A_558 : f32 to vector<1024x128xf32>
    %add3A_560 = arith.addf %mul3A_557, %add3A_559 : vector<1024x128xf32>
    %slice3A_561 = vector.extract_strided_slice %add3A_552 {offsets = [0, 128], sizes = [1024, 128], strides = [1, 1]} : vector<1024x512xf32> to vector<1024x128xf32>
    %tanh3A_562 = math.tanh %slice3A_561 : vector<1024x128xf32>
    %mul3A_563 = arith.constant 5.000000e-01 : f32
    %mul3A_564 = vector.broadcast %mul3A_563 : f32 to vector<1024x128xf32>
    %mul3A_565 = arith.mulf %mul3A_564, %tanh3A_562 : vector<1024x128xf32>
    %add3A_566 = arith.constant 5.000000e-01 : f32
    %add3A_567 = vector.broadcast %add3A_566 : f32 to vector<1024x128xf32>
    %add3A_568 = arith.addf %mul3A_565, %add3A_567 : vector<1024x128xf32>
    %slice3A_569 = vector.extract_strided_slice %add3A_552 {offsets = [0, 256], sizes = [1024, 128], strides = [1, 1]} : vector<1024x512xf32> to vector<1024x128xf32>
    %tanh3A_570 = math.tanh %slice3A_569 : vector<1024x128xf32>
    %slice3A_571 = vector.extract_strided_slice %add3A_552 {offsets = [0, 384], sizes = [1024, 128], strides = [1, 1]} : vector<1024x512xf32> to vector<1024x128xf32>
    %tanh3A_572 = math.tanh %slice3A_571 : vector<1024x128xf32>
    %mul3A_573 = arith.constant 5.000000e-01 : f32
    %mul3A_574 = vector.broadcast %mul3A_573 : f32 to vector<1024x128xf32>
    %mul3A_575 = arith.mulf %mul3A_574, %tanh3A_572 : vector<1024x128xf32>
    %add3A_576 = arith.constant 5.000000e-01 : f32
    %add3A_577 = vector.broadcast %add3A_576 : f32 to vector<1024x128xf32>
    %add3A_578 = arith.addf %mul3A_575, %add3A_577 : vector<1024x128xf32>
    %mul3A_579 = arith.mulf %add3A_568, %get3A_542 : vector<1024x128xf32>
    %mul3A_580 = arith.mulf %add3A_560, %tanh3A_570 : vector<1024x128xf32>
    %add3A_581 = arith.addf %mul3A_579, %mul3A_580 : vector<1024x128xf32>
    %tanh3A_582 = math.tanh %add3A_581 : vector<1024x128xf32>
    %mul3A_583 = arith.mulf %add3A_578, %tanh3A_582 : vector<1024x128xf32>
    %swap3A_584 = arith.constant 0 : index
    %swap3A_585 = arith.constant 0 : index
    %swap3A_586 = vector.load %arg9[%swap3A_584, %swap3A_585] : memref<1024x128xf32, #tpu.memory_space<vmem>>, vector<1024x128xf32>
    tpu.vector_store %arg9[%swap3A_584, %swap3A_585], %mul3A_583 {strides = array<i32>} : memref<1024x128xf32, #tpu.memory_space<vmem>>, vector<1024x128xf32>,
    %swap3A_587 = arith.constant 0 : index
    %swap3A_588 = arith.constant 0 : index
    %swap3A_589 = vector.load %arg10[%swap3A_587, %swap3A_588] : memref<1024x128xf32, #tpu.memory_space<vmem>>, vector<1024x128xf32>
    tpu.vector_store %arg10[%swap3A_587, %swap3A_588], %add3A_581 {strides = array<i32>} : memref<1024x128xf32, #tpu.memory_space<vmem>>, vector<1024x128xf32>,
    %convert_element_type3A_590 = arith.truncf %mul3A_583 : vector<1024x128xf32> to vector<1024x128xbf16>
    %swap3A_591 = arith.constant 4 : index
    %swap3A_592 = arith.constant 0 : index
    %swap3A_593 = arith.constant 0 : index
    %swap3A_594 = vector.load %arg7[%swap3A_591, %swap3A_592, %swap3A_593] : memref<8x1024x128xbf16, #tpu.memory_space<vmem>>, vector<1x1024x128xbf16>
    %swap3A_595 = vector.shape_cast %swap3A_594 : vector<1x1024x128xbf16> to vector<1024x128xbf16>
    %swap3A_596 = vector.shape_cast %convert_element_type3A_590 : vector<1024x128xbf16> to vector<1x1024x128xbf16>
    tpu.vector_store %arg7[%swap3A_591, %swap3A_592, %swap3A_593], %swap3A_596 {strides = array<i32>} : memref<8x1024x128xbf16, #tpu.memory_space<vmem>>, vector<1x1024x128xbf16>,
    %get3A_597 = arith.constant 3 : index
    %get3A_598 = arith.constant 0 : index
    %get3A_599 = arith.constant 0 : index
    %get3A_600 = vector.load %arg2[%get3A_597, %get3A_598, %get3A_599] : memref<8x1024x64xbf16, #tpu.memory_space<vmem>>, vector<1x1024x64xbf16>
    %get3A_601 = vector.shape_cast %get3A_600 : vector<1x1024x64xbf16> to vector<1024x64xbf16>
    %get3A_602 = arith.constant 0 : index
    %get3A_603 = arith.constant 0 : index
    %get3A_604 = vector.load %arg11[%get3A_602, %get3A_603] : memref<1024x128xf32, #tpu.memory_space<vmem>>, vector<1024x128xf32>
    %convert_element_type3A_605 = arith.truncf %get3A_604 : vector<1024x128xf32> to vector<1024x128xbf16>
    %concatenate3A_606 = tpu.concatenate %get3A_601, %convert_element_type3A_605 in 1 : vector<1024x64xbf16>, vector<1024x128xbf16> -> vector<1024x192xbf16>
    %get3A_607 = arith.constant 0 : index
    %get3A_608 = arith.constant 0 : index
    %get3A_609 = vector.load %arg12[%get3A_607, %get3A_608] : memref<1024x128xf32, #tpu.memory_space<vmem>>, vector<1024x128xf32>
    %get3A_610 = arith.constant 0 : index
    %get3A_611 = arith.constant 0 : index
    %get3A_612 = vector.load %arg4[%get3A_610, %get3A_611] : memref<192x512xbf16, #tpu.memory_space<vmem>>, vector<192x512xbf16>
    %dot_general3A_613 = arith.constant dense<0.000000e+00> : vector<1024x512xf32>
    %dot_general3A_614 = tpu.matmul %concatenate3A_606, %get3A_612, %dot_general3A_613 {dimension_numbers = #tpu.dot_dimension_numbers<[1], [0], [0], [1], [0, 0, 1, 1], [], []>, transpose_lhs_hint = false} : vector<1024x192xbf16>, vector<192x512xbf16>, vector<1024x512xf32> -> vector<1024x512xf32>
    %get3A_615 = arith.constant 0 : index
    %get3A_616 = arith.constant 0 : index
    %get3A_617 = vector.load %arg6[%get3A_615, %get3A_616] : memref<1x512xf32, #tpu.memory_space<vmem>>, vector<1x512xf32>
    %add3A_618 = vector.broadcast %get3A_617 : vector<1x512xf32> to vector<1024x512xf32>
    %add3A_619 = arith.addf %dot_general3A_614, %add3A_618 : vector<1024x512xf32>
    %slice3A_620 = vector.extract_strided_slice %add3A_619 {offsets = [0, 0], sizes = [1024, 128], strides = [1, 1]} : vector<1024x512xf32> to vector<1024x128xf32>
    %tanh3A_621 = math.tanh %slice3A_620 : vector<1024x128xf32>
    %mul3A_622 = arith.constant 5.000000e-01 : f32
    %mul3A_623 = vector.broadcast %mul3A_622 : f32 to vector<1024x128xf32>
    %mul3A_624 = arith.mulf %mul3A_623, %tanh3A_621 : vector<1024x128xf32>
    %add3A_625 = arith.constant 5.000000e-01 : f32
    %add3A_626 = vector.broadcast %add3A_625 : f32 to vector<1024x128xf32>
    %add3A_627 = arith.addf %mul3A_624, %add3A_626 : vector<1024x128xf32>
    %slice3A_628 = vector.extract_strided_slice %add3A_619 {offsets = [0, 128], sizes = [1024, 128], strides = [1, 1]} : vector<1024x512xf32> to vector<1024x128xf32>
    %tanh3A_629 = math.tanh %slice3A_628 : vector<1024x128xf32>
    %mul3A_630 = arith.constant 5.000000e-01 : f32
    %mul3A_631 = vector.broadcast %mul3A_630 : f32 to vector<1024x128xf32>
    %mul3A_632 = arith.mulf %mul3A_631, %tanh3A_629 : vector<1024x128xf32>
    %add3A_633 = arith.constant 5.000000e-01 : f32
    %add3A_634 = vector.broadcast %add3A_633 : f32 to vector<1024x128xf32>
    %add3A_635 = arith.addf %mul3A_632, %add3A_634 : vector<1024x128xf32>
    %slice3A_636 = vector.extract_strided_slice %add3A_619 {offsets = [0, 256], sizes = [1024, 128], strides = [1, 1]} : vector<1024x512xf32> to vector<1024x128xf32>
    %tanh3A_637 = math.tanh %slice3A_636 : vector<1024x128xf32>
    %slice3A_638 = vector.extract_strided_slice %add3A_619 {offsets = [0, 384], sizes = [1024, 128], strides = [1, 1]} : vector<1024x512xf32> to vector<1024x128xf32>
    %tanh3A_639 = math.tanh %slice3A_638 : vector<1024x128xf32>
    %mul3A_640 = arith.constant 5.000000e-01 : f32
    %mul3A_641 = vector.broadcast %mul3A_640 : f32 to vector<1024x128xf32>
    %mul3A_642 = arith.mulf %mul3A_641, %tanh3A_639 : vector<1024x128xf32>
    %add3A_643 = arith.constant 5.000000e-01 : f32
    %add3A_644 = vector.broadcast %add3A_643 : f32 to vector<1024x128xf32>
    %add3A_645 = arith.addf %mul3A_642, %add3A_644 : vector<1024x128xf32>
    %mul3A_646 = arith.mulf %add3A_635, %get3A_609 : vector<1024x128xf32>
    %mul3A_647 = arith.mulf %add3A_627, %tanh3A_637 : vector<1024x128xf32>
    %add3A_648 = arith.addf %mul3A_646, %mul3A_647 : vector<1024x128xf32>
    %tanh3A_649 = math.tanh %add3A_648 : vector<1024x128xf32>
    %mul3A_650 = arith.mulf %add3A_645, %tanh3A_649 : vector<1024x128xf32>
    %swap3A_651 = arith.constant 0 : index
    %swap3A_652 = arith.constant 0 : index
    %swap3A_653 = vector.load %arg11[%swap3A_651, %swap3A_652] : memref<1024x128xf32, #tpu.memory_space<vmem>>, vector<1024x128xf32>
    tpu.vector_store %arg11[%swap3A_651, %swap3A_652], %mul3A_650 {strides = array<i32>} : memref<1024x128xf32, #tpu.memory_space<vmem>>, vector<1024x128xf32>,
    %swap3A_654 = arith.constant 0 : index
    %swap3A_655 = arith.constant 0 : index
    %swap3A_656 = vector.load %arg12[%swap3A_654, %swap3A_655] : memref<1024x128xf32, #tpu.memory_space<vmem>>, vector<1024x128xf32>
    tpu.vector_store %arg12[%swap3A_654, %swap3A_655], %add3A_648 {strides = array<i32>} : memref<1024x128xf32, #tpu.memory_space<vmem>>, vector<1024x128xf32>,
    %convert_element_type3A_657 = arith.truncf %mul3A_650 : vector<1024x128xf32> to vector<1024x128xbf16>
    %swap3A_658 = arith.constant 3 : index
    %swap3A_659 = arith.constant 0 : index
    %swap3A_660 = arith.constant 0 : index
    %swap3A_661 = vector.load %arg8[%swap3A_658, %swap3A_659, %swap3A_660] : memref<8x1024x128xbf16, #tpu.memory_space<vmem>>, vector<1x1024x128xbf16>
    %swap3A_662 = vector.shape_cast %swap3A_661 : vector<1x1024x128xbf16> to vector<1024x128xbf16>
    %swap3A_663 = vector.shape_cast %convert_element_type3A_657 : vector<1024x128xbf16> to vector<1x1024x128xbf16>
    tpu.vector_store %arg8[%swap3A_658, %swap3A_659, %swap3A_660], %swap3A_663 {strides = array<i32>} : memref<8x1024x128xbf16, #tpu.memory_space<vmem>>, vector<1x1024x128xbf16>,
    %get3A_664 = arith.constant 5 : index
    %get3A_665 = arith.constant 0 : index
    %get3A_666 = arith.constant 0 : index
    %get3A_667 = vector.load %arg1[%get3A_664, %get3A_665, %get3A_666] : memref<8x1024x64xbf16, #tpu.memory_space<vmem>>, vector<1x1024x64xbf16>
    %get3A_668 = vector.shape_cast %get3A_667 : vector<1x1024x64xbf16> to vector<1024x64xbf16>
    %get3A_669 = arith.constant 0 : index
    %get3A_670 = arith.constant 0 : index
    %get3A_671 = vector.load %arg9[%get3A_669, %get3A_670] : memref<1024x128xf32, #tpu.memory_space<vmem>>, vector<1024x128xf32>
    %convert_element_type3A_672 = arith.truncf %get3A_671 : vector<1024x128xf32> to vector<1024x128xbf16>
    %concatenate3A_673 = tpu.concatenate %get3A_668, %convert_element_type3A_672 in 1 : vector<1024x64xbf16>, vector<1024x128xbf16> -> vector<1024x192xbf16>
    %get3A_674 = arith.constant 0 : index
    %get3A_675 = arith.constant 0 : index
    %get3A_676 = vector.load %arg10[%get3A_674, %get3A_675] : memref<1024x128xf32, #tpu.memory_space<vmem>>, vector<1024x128xf32>
    %get3A_677 = arith.constant 0 : index
    %get3A_678 = arith.constant 0 : index
    %get3A_679 = vector.load %arg3[%get3A_677, %get3A_678] : memref<192x512xbf16, #tpu.memory_space<vmem>>, vector<192x512xbf16>
    %dot_general3A_680 = arith.constant dense<0.000000e+00> : vector<1024x512xf32>
    %dot_general3A_681 = tpu.matmul %concatenate3A_673, %get3A_679, %dot_general3A_680 {dimension_numbers = #tpu.dot_dimension_numbers<[1], [0], [0], [1], [0, 0, 1, 1], [], []>, transpose_lhs_hint = false} : vector<1024x192xbf16>, vector<192x512xbf16>, vector<1024x512xf32> -> vector<1024x512xf32>
    %get3A_682 = arith.constant 0 : index
    %get3A_683 = arith.constant 0 : index
    %get3A_684 = vector.load %arg5[%get3A_682, %get3A_683] : memref<1x512xf32, #tpu.memory_space<vmem>>, vector<1x512xf32>
    %add3A_685 = vector.broadcast %get3A_684 : vector<1x512xf32> to vector<1024x512xf32>
    %add3A_686 = arith.addf %dot_general3A_681, %add3A_685 : vector<1024x512xf32>
    %slice3A_687 = vector.extract_strided_slice %add3A_686 {offsets = [0, 0], sizes = [1024, 128], strides = [1, 1]} : vector<1024x512xf32> to vector<1024x128xf32>
    %tanh3A_688 = math.tanh %slice3A_687 : vector<1024x128xf32>
    %mul3A_689 = arith.constant 5.000000e-01 : f32
    %mul3A_690 = vector.broadcast %mul3A_689 : f32 to vector<1024x128xf32>
    %mul3A_691 = arith.mulf %mul3A_690, %tanh3A_688 : vector<1024x128xf32>
    %add3A_692 = arith.constant 5.000000e-01 : f32
    %add3A_693 = vector.broadcast %add3A_692 : f32 to vector<1024x128xf32>
    %add3A_694 = arith.addf %mul3A_691, %add3A_693 : vector<1024x128xf32>
    %slice3A_695 = vector.extract_strided_slice %add3A_686 {offsets = [0, 128], sizes = [1024, 128], strides = [1, 1]} : vector<1024x512xf32> to vector<1024x128xf32>
    %tanh3A_696 = math.tanh %slice3A_695 : vector<1024x128xf32>
    %mul3A_697 = arith.constant 5.000000e-01 : f32
    %mul3A_698 = vector.broadcast %mul3A_697 : f32 to vector<1024x128xf32>
    %mul3A_699 = arith.mulf %mul3A_698, %tanh3A_696 : vector<1024x128xf32>
    %add3A_700 = arith.constant 5.000000e-01 : f32
    %add3A_701 = vector.broadcast %add3A_700 : f32 to vector<1024x128xf32>
    %add3A_702 = arith.addf %mul3A_699, %add3A_701 : vector<1024x128xf32>
    %slice3A_703 = vector.extract_strided_slice %add3A_686 {offsets = [0, 256], sizes = [1024, 128], strides = [1, 1]} : vector<1024x512xf32> to vector<1024x128xf32>
    %tanh3A_704 = math.tanh %slice3A_703 : vector<1024x128xf32>
    %slice3A_705 = vector.extract_strided_slice %add3A_686 {offsets = [0, 384], sizes = [1024, 128], strides = [1, 1]} : vector<1024x512xf32> to vector<1024x128xf32>
    %tanh3A_706 = math.tanh %slice3A_705 : vector<1024x128xf32>
    %mul3A_707 = arith.constant 5.000000e-01 : f32
    %mul3A_708 = vector.broadcast %mul3A_707 : f32 to vector<1024x128xf32>
    %mul3A_709 = arith.mulf %mul3A_708, %tanh3A_706 : vector<1024x128xf32>
    %add3A_710 = arith.constant 5.000000e-01 : f32
    %add3A_711 = vector.broadcast %add3A_710 : f32 to vector<1024x128xf32>
    %add3A_712 = arith.addf %mul3A_709, %add3A_711 : vector<1024x128xf32>
    %mul3A_713 = arith.mulf %add3A_702, %get3A_676 : vector<1024x128xf32>
    %mul3A_714 = arith.mulf %add3A_694, %tanh3A_704 : vector<1024x128xf32>
    %add3A_715 = arith.addf %mul3A_713, %mul3A_714 : vector<1024x128xf32>
    %tanh3A_716 = math.tanh %add3A_715 : vector<1024x128xf32>
    %mul3A_717 = arith.mulf %add3A_712, %tanh3A_716 : vector<1024x128xf32>
    %swap3A_718 = arith.constant 0 : index
    %swap3A_719 = arith.constant 0 : index
    %swap3A_720 = vector.load %arg9[%swap3A_718, %swap3A_719] : memref<1024x128xf32, #tpu.memory_space<vmem>>, vector<1024x128xf32>
    tpu.vector_store %arg9[%swap3A_718, %swap3A_719], %mul3A_717 {strides = array<i32>} : memref<1024x128xf32, #tpu.memory_space<vmem>>, vector<1024x128xf32>,
    %swap3A_721 = arith.constant 0 : index
    %swap3A_722 = arith.constant 0 : index
    %swap3A_723 = vector.load %arg10[%swap3A_721, %swap3A_722] : memref<1024x128xf32, #tpu.memory_space<vmem>>, vector<1024x128xf32>
    tpu.vector_store %arg10[%swap3A_721, %swap3A_722], %add3A_715 {strides = array<i32>} : memref<1024x128xf32, #tpu.memory_space<vmem>>, vector<1024x128xf32>,
    %convert_element_type3A_724 = arith.truncf %mul3A_717 : vector<1024x128xf32> to vector<1024x128xbf16>
    %swap3A_725 = arith.constant 5 : index
    %swap3A_726 = arith.constant 0 : index
    %swap3A_727 = arith.constant 0 : index
    %swap3A_728 = vector.load %arg7[%swap3A_725, %swap3A_726, %swap3A_727] : memref<8x1024x128xbf16, #tpu.memory_space<vmem>>, vector<1x1024x128xbf16>
    %swap3A_729 = vector.shape_cast %swap3A_728 : vector<1x1024x128xbf16> to vector<1024x128xbf16>
    %swap3A_730 = vector.shape_cast %convert_element_type3A_724 : vector<1024x128xbf16> to vector<1x1024x128xbf16>
    tpu.vector_store %arg7[%swap3A_725, %swap3A_726, %swap3A_727], %swap3A_730 {strides = array<i32>} : memref<8x1024x128xbf16, #tpu.memory_space<vmem>>, vector<1x1024x128xbf16>,
    %get3A_731 = arith.constant 2 : index
    %get3A_732 = arith.constant 0 : index
    %get3A_733 = arith.constant 0 : index
    %get3A_734 = vector.load %arg2[%get3A_731, %get3A_732, %get3A_733] : memref<8x1024x64xbf16, #tpu.memory_space<vmem>>, vector<1x1024x64xbf16>
    %get3A_735 = vector.shape_cast %get3A_734 : vector<1x1024x64xbf16> to vector<1024x64xbf16>
    %get3A_736 = arith.constant 0 : index
    %get3A_737 = arith.constant 0 : index
    %get3A_738 = vector.load %arg11[%get3A_736, %get3A_737] : memref<1024x128xf32, #tpu.memory_space<vmem>>, vector<1024x128xf32>
    %convert_element_type3A_739 = arith.truncf %get3A_738 : vector<1024x128xf32> to vector<1024x128xbf16>
    %concatenate3A_740 = tpu.concatenate %get3A_735, %convert_element_type3A_739 in 1 : vector<1024x64xbf16>, vector<1024x128xbf16> -> vector<1024x192xbf16>
    %get3A_741 = arith.constant 0 : index
    %get3A_742 = arith.constant 0 : index
    %get3A_743 = vector.load %arg12[%get3A_741, %get3A_742] : memref<1024x128xf32, #tpu.memory_space<vmem>>, vector<1024x128xf32>
    %get3A_744 = arith.constant 0 : index
    %get3A_745 = arith.constant 0 : index
    %get3A_746 = vector.load %arg4[%get3A_744, %get3A_745] : memref<192x512xbf16, #tpu.memory_space<vmem>>, vector<192x512xbf16>
    %dot_general3A_747 = arith.constant dense<0.000000e+00> : vector<1024x512xf32>
    %dot_general3A_748 = tpu.matmul %concatenate3A_740, %get3A_746, %dot_general3A_747 {dimension_numbers = #tpu.dot_dimension_numbers<[1], [0], [0], [1], [0, 0, 1, 1], [], []>, transpose_lhs_hint = false} : vector<1024x192xbf16>, vector<192x512xbf16>, vector<1024x512xf32> -> vector<1024x512xf32>
    %get3A_749 = arith.constant 0 : index
    %get3A_750 = arith.constant 0 : index
    %get3A_751 = vector.load %arg6[%get3A_749, %get3A_750] : memref<1x512xf32, #tpu.memory_space<vmem>>, vector<1x512xf32>
    %add3A_752 = vector.broadcast %get3A_751 : vector<1x512xf32> to vector<1024x512xf32>
    %add3A_753 = arith.addf %dot_general3A_748, %add3A_752 : vector<1024x512xf32>
    %slice3A_754 = vector.extract_strided_slice %add3A_753 {offsets = [0, 0], sizes = [1024, 128], strides = [1, 1]} : vector<1024x512xf32> to vector<1024x128xf32>
    %tanh3A_755 = math.tanh %slice3A_754 : vector<1024x128xf32>
    %mul3A_756 = arith.constant 5.000000e-01 : f32
    %mul3A_757 = vector.broadcast %mul3A_756 : f32 to vector<1024x128xf32>
    %mul3A_758 = arith.mulf %mul3A_757, %tanh3A_755 : vector<1024x128xf32>
    %add3A_759 = arith.constant 5.000000e-01 : f32
    %add3A_760 = vector.broadcast %add3A_759 : f32 to vector<1024x128xf32>
    %add3A_761 = arith.addf %mul3A_758, %add3A_760 : vector<1024x128xf32>
    %slice3A_762 = vector.extract_strided_slice %add3A_753 {offsets = [0, 128], sizes = [1024, 128], strides = [1, 1]} : vector<1024x512xf32> to vector<1024x128xf32>
    %tanh3A_763 = math.tanh %slice3A_762 : vector<1024x128xf32>
    %mul3A_764 = arith.constant 5.000000e-01 : f32
    %mul3A_765 = vector.broadcast %mul3A_764 : f32 to vector<1024x128xf32>
    %mul3A_766 = arith.mulf %mul3A_765, %tanh3A_763 : vector<1024x128xf32>
    %add3A_767 = arith.constant 5.000000e-01 : f32
    %add3A_768 = vector.broadcast %add3A_767 : f32 to vector<1024x128xf32>
    %add3A_769 = arith.addf %mul3A_766, %add3A_768 : vector<1024x128xf32>
    %slice3A_770 = vector.extract_strided_slice %add3A_753 {offsets = [0, 256], sizes = [1024, 128], strides = [1, 1]} : vector<1024x512xf32> to vector<1024x128xf32>
    %tanh3A_771 = math.tanh %slice3A_770 : vector<1024x128xf32>
    %slice3A_772 = vector.extract_strided_slice %add3A_753 {offsets = [0, 384], sizes = [1024, 128], strides = [1, 1]} : vector<1024x512xf32> to vector<1024x128xf32>
    %tanh3A_773 = math.tanh %slice3A_772 : vector<1024x128xf32>
    %mul3A_774 = arith.constant 5.000000e-01 : f32
    %mul3A_775 = vector.broadcast %mul3A_774 : f32 to vector<1024x128xf32>
    %mul3A_776 = arith.mulf %mul3A_775, %tanh3A_773 : vector<1024x128xf32>
    %add3A_777 = arith.constant 5.000000e-01 : f32
    %add3A_778 = vector.broadcast %add3A_777 : f32 to vector<1024x128xf32>
    %add3A_779 = arith.addf %mul3A_776, %add3A_778 : vector<1024x128xf32>
    %mul3A_780 = arith.mulf %add3A_769, %get3A_743 : vector<1024x128xf32>
    %mul3A_781 = arith.mulf %add3A_761, %tanh3A_771 : vector<1024x128xf32>
    %add3A_782 = arith.addf %mul3A_780, %mul3A_781 : vector<1024x128xf32>
    %tanh3A_783 = math.tanh %add3A_782 : vector<1024x128xf32>
    %mul3A_784 = arith.mulf %add3A_779, %tanh3A_783 : vector<1024x128xf32>
    %swap3A_785 = arith.constant 0 : index
    %swap3A_786 = arith.constant 0 : index
    %swap3A_787 = vector.load %arg11[%swap3A_785, %swap3A_786] : memref<1024x128xf32, #tpu.memory_space<vmem>>, vector<1024x128xf32>
    tpu.vector_store %arg11[%swap3A_785, %swap3A_786], %mul3A_784 {strides = array<i32>} : memref<1024x128xf32, #tpu.memory_space<vmem>>, vector<1024x128xf32>,
    %swap3A_788 = arith.constant 0 : index
    %swap3A_789 = arith.constant 0 : index
    %swap3A_790 = vector.load %arg12[%swap3A_788, %swap3A_789] : memref<1024x128xf32, #tpu.memory_space<vmem>>, vector<1024x128xf32>
    tpu.vector_store %arg12[%swap3A_788, %swap3A_789], %add3A_782 {strides = array<i32>} : memref<1024x128xf32, #tpu.memory_space<vmem>>, vector<1024x128xf32>,
    %convert_element_type3A_791 = arith.truncf %mul3A_784 : vector<1024x128xf32> to vector<1024x128xbf16>
    %swap3A_792 = arith.constant 2 : index
    %swap3A_793 = arith.constant 0 : index
    %swap3A_794 = arith.constant 0 : index
    %swap3A_795 = vector.load %arg8[%swap3A_792, %swap3A_793, %swap3A_794] : memref<8x1024x128xbf16, #tpu.memory_space<vmem>>, vector<1x1024x128xbf16>
    %swap3A_796 = vector.shape_cast %swap3A_795 : vector<1x1024x128xbf16> to vector<1024x128xbf16>
    %swap3A_797 = vector.shape_cast %convert_element_type3A_791 : vector<1024x128xbf16> to vector<1x1024x128xbf16>
    tpu.vector_store %arg8[%swap3A_792, %swap3A_793, %swap3A_794], %swap3A_797 {strides = array<i32>} : memref<8x1024x128xbf16, #tpu.memory_space<vmem>>, vector<1x1024x128xbf16>,
    %get3A_798 = arith.constant 6 : index
    %get3A_799 = arith.constant 0 : index
    %get3A_800 = arith.constant 0 : index
    %get3A_801 = vector.load %arg1[%get3A_798, %get3A_799, %get3A_800] : memref<8x1024x64xbf16, #tpu.memory_space<vmem>>, vector<1x1024x64xbf16>
    %get3A_802 = vector.shape_cast %get3A_801 : vector<1x1024x64xbf16> to vector<1024x64xbf16>
    %get3A_803 = arith.constant 0 : index
    %get3A_804 = arith.constant 0 : index
    %get3A_805 = vector.load %arg9[%get3A_803, %get3A_804] : memref<1024x128xf32, #tpu.memory_space<vmem>>, vector<1024x128xf32>
    %convert_element_type3A_806 = arith.truncf %get3A_805 : vector<1024x128xf32> to vector<1024x128xbf16>
    %concatenate3A_807 = tpu.concatenate %get3A_802, %convert_element_type3A_806 in 1 : vector<1024x64xbf16>, vector<1024x128xbf16> -> vector<1024x192xbf16>
    %get3A_808 = arith.constant 0 : index
    %get3A_809 = arith.constant 0 : index
    %get3A_810 = vector.load %arg10[%get3A_808, %get3A_809] : memref<1024x128xf32, #tpu.memory_space<vmem>>, vector<1024x128xf32>
    %get3A_811 = arith.constant 0 : index
    %get3A_812 = arith.constant 0 : index
    %get3A_813 = vector.load %arg3[%get3A_811, %get3A_812] : memref<192x512xbf16, #tpu.memory_space<vmem>>, vector<192x512xbf16>
    %dot_general3A_814 = arith.constant dense<0.000000e+00> : vector<1024x512xf32>
    %dot_general3A_815 = tpu.matmul %concatenate3A_807, %get3A_813, %dot_general3A_814 {dimension_numbers = #tpu.dot_dimension_numbers<[1], [0], [0], [1], [0, 0, 1, 1], [], []>, transpose_lhs_hint = false} : vector<1024x192xbf16>, vector<192x512xbf16>, vector<1024x512xf32> -> vector<1024x512xf32>
    %get3A_816 = arith.constant 0 : index
    %get3A_817 = arith.constant 0 : index
    %get3A_818 = vector.load %arg5[%get3A_816, %get3A_817] : memref<1x512xf32, #tpu.memory_space<vmem>>, vector<1x512xf32>
    %add3A_819 = vector.broadcast %get3A_818 : vector<1x512xf32> to vector<1024x512xf32>
    %add3A_820 = arith.addf %dot_general3A_815, %add3A_819 : vector<1024x512xf32>
    %slice3A_821 = vector.extract_strided_slice %add3A_820 {offsets = [0, 0], sizes = [1024, 128], strides = [1, 1]} : vector<1024x512xf32> to vector<1024x128xf32>
    %tanh3A_822 = math.tanh %slice3A_821 : vector<1024x128xf32>
    %mul3A_823 = arith.constant 5.000000e-01 : f32
    %mul3A_824 = vector.broadcast %mul3A_823 : f32 to vector<1024x128xf32>
    %mul3A_825 = arith.mulf %mul3A_824, %tanh3A_822 : vector<1024x128xf32>
    %add3A_826 = arith.constant 5.000000e-01 : f32
    %add3A_827 = vector.broadcast %add3A_826 : f32 to vector<1024x128xf32>
    %add3A_828 = arith.addf %mul3A_825, %add3A_827 : vector<1024x128xf32>
    %slice3A_829 = vector.extract_strided_slice %add3A_820 {offsets = [0, 128], sizes = [1024, 128], strides = [1, 1]} : vector<1024x512xf32> to vector<1024x128xf32>
    %tanh3A_830 = math.tanh %slice3A_829 : vector<1024x128xf32>
    %mul3A_831 = arith.constant 5.000000e-01 : f32
    %mul3A_832 = vector.broadcast %mul3A_831 : f32 to vector<1024x128xf32>
    %mul3A_833 = arith.mulf %mul3A_832, %tanh3A_830 : vector<1024x128xf32>
    %add3A_834 = arith.constant 5.000000e-01 : f32
    %add3A_835 = vector.broadcast %add3A_834 : f32 to vector<1024x128xf32>
    %add3A_836 = arith.addf %mul3A_833, %add3A_835 : vector<1024x128xf32>
    %slice3A_837 = vector.extract_strided_slice %add3A_820 {offsets = [0, 256], sizes = [1024, 128], strides = [1, 1]} : vector<1024x512xf32> to vector<1024x128xf32>
    %tanh3A_838 = math.tanh %slice3A_837 : vector<1024x128xf32>
    %slice3A_839 = vector.extract_strided_slice %add3A_820 {offsets = [0, 384], sizes = [1024, 128], strides = [1, 1]} : vector<1024x512xf32> to vector<1024x128xf32>
    %tanh3A_840 = math.tanh %slice3A_839 : vector<1024x128xf32>
    %mul3A_841 = arith.constant 5.000000e-01 : f32
    %mul3A_842 = vector.broadcast %mul3A_841 : f32 to vector<1024x128xf32>
    %mul3A_843 = arith.mulf %mul3A_842, %tanh3A_840 : vector<1024x128xf32>
    %add3A_844 = arith.constant 5.000000e-01 : f32
    %add3A_845 = vector.broadcast %add3A_844 : f32 to vector<1024x128xf32>
    %add3A_846 = arith.addf %mul3A_843, %add3A_845 : vector<1024x128xf32>
    %mul3A_847 = arith.mulf %add3A_836, %get3A_810 : vector<1024x128xf32>
    %mul3A_848 = arith.mulf %add3A_828, %tanh3A_838 : vector<1024x128xf32>
    %add3A_849 = arith.addf %mul3A_847, %mul3A_848 : vector<1024x128xf32>
    %tanh3A_850 = math.tanh %add3A_849 : vector<1024x128xf32>
    %mul3A_851 = arith.mulf %add3A_846, %tanh3A_850 : vector<1024x128xf32>
    %swap3A_852 = arith.constant 0 : index
    %swap3A_853 = arith.constant 0 : index
    %swap3A_854 = vector.load %arg9[%swap3A_852, %swap3A_853] : memref<1024x128xf32, #tpu.memory_space<vmem>>, vector<1024x128xf32>
    tpu.vector_store %arg9[%swap3A_852, %swap3A_853], %mul3A_851 {strides = array<i32>} : memref<1024x128xf32, #tpu.memory_space<vmem>>, vector<1024x128xf32>,
    %swap3A_855 = arith.constant 0 : index
    %swap3A_856 = arith.constant 0 : index
    %swap3A_857 = vector.load %arg10[%swap3A_855, %swap3A_856] : memref<1024x128xf32, #tpu.memory_space<vmem>>, vector<1024x128xf32>
    tpu.vector_store %arg10[%swap3A_855, %swap3A_856], %add3A_849 {strides = array<i32>} : memref<1024x128xf32, #tpu.memory_space<vmem>>, vector<1024x128xf32>,
    %convert_element_type3A_858 = arith.truncf %mul3A_851 : vector<1024x128xf32> to vector<1024x128xbf16>
    %swap3A_859 = arith.constant 6 : index
    %swap3A_860 = arith.constant 0 : index
    %swap3A_861 = arith.constant 0 : index
    %swap3A_862 = vector.load %arg7[%swap3A_859, %swap3A_860, %swap3A_861] : memref<8x1024x128xbf16, #tpu.memory_space<vmem>>, vector<1x1024x128xbf16>
    %swap3A_863 = vector.shape_cast %swap3A_862 : vector<1x1024x128xbf16> to vector<1024x128xbf16>
    %swap3A_864 = vector.shape_cast %convert_element_type3A_858 : vector<1024x128xbf16> to vector<1x1024x128xbf16>
    tpu.vector_store %arg7[%swap3A_859, %swap3A_860, %swap3A_861], %swap3A_864 {strides = array<i32>} : memref<8x1024x128xbf16, #tpu.memory_space<vmem>>, vector<1x1024x128xbf16>,
    %get3A_865 = arith.constant 1 : index
    %get3A_866 = arith.constant 0 : index
    %get3A_867 = arith.constant 0 : index
    %get3A_868 = vector.load %arg2[%get3A_865, %get3A_866, %get3A_867] : memref<8x1024x64xbf16, #tpu.memory_space<vmem>>, vector<1x1024x64xbf16>
    %get3A_869 = vector.shape_cast %get3A_868 : vector<1x1024x64xbf16> to vector<1024x64xbf16>
    %get3A_870 = arith.constant 0 : index
    %get3A_871 = arith.constant 0 : index
    %get3A_872 = vector.load %arg11[%get3A_870, %get3A_871] : memref<1024x128xf32, #tpu.memory_space<vmem>>, vector<1024x128xf32>
    %convert_element_type3A_873 = arith.truncf %get3A_872 : vector<1024x128xf32> to vector<1024x128xbf16>
    %concatenate3A_874 = tpu.concatenate %get3A_869, %convert_element_type3A_873 in 1 : vector<1024x64xbf16>, vector<1024x128xbf16> -> vector<1024x192xbf16>
    %get3A_875 = arith.constant 0 : index
    %get3A_876 = arith.constant 0 : index
    %get3A_877 = vector.load %arg12[%get3A_875, %get3A_876] : memref<1024x128xf32, #tpu.memory_space<vmem>>, vector<1024x128xf32>
    %get3A_878 = arith.constant 0 : index
    %get3A_879 = arith.constant 0 : index
    %get3A_880 = vector.load %arg4[%get3A_878, %get3A_879] : memref<192x512xbf16, #tpu.memory_space<vmem>>, vector<192x512xbf16>
    %dot_general3A_881 = arith.constant dense<0.000000e+00> : vector<1024x512xf32>
    %dot_general3A_882 = tpu.matmul %concatenate3A_874, %get3A_880, %dot_general3A_881 {dimension_numbers = #tpu.dot_dimension_numbers<[1], [0], [0], [1], [0, 0, 1, 1], [], []>, transpose_lhs_hint = false} : vector<1024x192xbf16>, vector<192x512xbf16>, vector<1024x512xf32> -> vector<1024x512xf32>
    %get3A_883 = arith.constant 0 : index
    %get3A_884 = arith.constant 0 : index
    %get3A_885 = vector.load %arg6[%get3A_883, %get3A_884] : memref<1x512xf32, #tpu.memory_space<vmem>>, vector<1x512xf32>
    %add3A_886 = vector.broadcast %get3A_885 : vector<1x512xf32> to vector<1024x512xf32>
    %add3A_887 = arith.addf %dot_general3A_882, %add3A_886 : vector<1024x512xf32>
    %slice3A_888 = vector.extract_strided_slice %add3A_887 {offsets = [0, 0], sizes = [1024, 128], strides = [1, 1]} : vector<1024x512xf32> to vector<1024x128xf32>
    %tanh3A_889 = math.tanh %slice3A_888 : vector<1024x128xf32>
    %mul3A_890 = arith.constant 5.000000e-01 : f32
    %mul3A_891 = vector.broadcast %mul3A_890 : f32 to vector<1024x128xf32>
    %mul3A_892 = arith.mulf %mul3A_891, %tanh3A_889 : vector<1024x128xf32>
    %add3A_893 = arith.constant 5.000000e-01 : f32
    %add3A_894 = vector.broadcast %add3A_893 : f32 to vector<1024x128xf32>
    %add3A_895 = arith.addf %mul3A_892, %add3A_894 : vector<1024x128xf32>
    %slice3A_896 = vector.extract_strided_slice %add3A_887 {offsets = [0, 128], sizes = [1024, 128], strides = [1, 1]} : vector<1024x512xf32> to vector<1024x128xf32>
    %tanh3A_897 = math.tanh %slice3A_896 : vector<1024x128xf32>
    %mul3A_898 = arith.constant 5.000000e-01 : f32
    %mul3A_899 = vector.broadcast %mul3A_898 : f32 to vector<1024x128xf32>
    %mul3A_900 = arith.mulf %mul3A_899, %tanh3A_897 : vector<1024x128xf32>
    %add3A_901 = arith.constant 5.000000e-01 : f32
    %add3A_902 = vector.broadcast %add3A_901 : f32 to vector<1024x128xf32>
    %add3A_903 = arith.addf %mul3A_900, %add3A_902 : vector<1024x128xf32>
    %slice3A_904 = vector.extract_strided_slice %add3A_887 {offsets = [0, 256], sizes = [1024, 128], strides = [1, 1]} : vector<1024x512xf32> to vector<1024x128xf32>
    %tanh3A_905 = math.tanh %slice3A_904 : vector<1024x128xf32>
    %slice3A_906 = vector.extract_strided_slice %add3A_887 {offsets = [0, 384], sizes = [1024, 128], strides = [1, 1]} : vector<1024x512xf32> to vector<1024x128xf32>
    %tanh3A_907 = math.tanh %slice3A_906 : vector<1024x128xf32>
    %mul3A_908 = arith.constant 5.000000e-01 : f32
    %mul3A_909 = vector.broadcast %mul3A_908 : f32 to vector<1024x128xf32>
    %mul3A_910 = arith.mulf %mul3A_909, %tanh3A_907 : vector<1024x128xf32>
    %add3A_911 = arith.constant 5.000000e-01 : f32
    %add3A_912 = vector.broadcast %add3A_911 : f32 to vector<1024x128xf32>
    %add3A_913 = arith.addf %mul3A_910, %add3A_912 : vector<1024x128xf32>
    %mul3A_914 = arith.mulf %add3A_903, %get3A_877 : vector<1024x128xf32>
    %mul3A_915 = arith.mulf %add3A_895, %tanh3A_905 : vector<1024x128xf32>
    %add3A_916 = arith.addf %mul3A_914, %mul3A_915 : vector<1024x128xf32>
    %tanh3A_917 = math.tanh %add3A_916 : vector<1024x128xf32>
    %mul3A_918 = arith.mulf %add3A_913, %tanh3A_917 : vector<1024x128xf32>
    %swap3A_919 = arith.constant 0 : index
    %swap3A_920 = arith.constant 0 : index
    %swap3A_921 = vector.load %arg11[%swap3A_919, %swap3A_920] : memref<1024x128xf32, #tpu.memory_space<vmem>>, vector<1024x128xf32>
    tpu.vector_store %arg11[%swap3A_919, %swap3A_920], %mul3A_918 {strides = array<i32>} : memref<1024x128xf32, #tpu.memory_space<vmem>>, vector<1024x128xf32>,
    %swap3A_922 = arith.constant 0 : index
    %swap3A_923 = arith.constant 0 : index
    %swap3A_924 = vector.load %arg12[%swap3A_922, %swap3A_923] : memref<1024x128xf32, #tpu.memory_space<vmem>>, vector<1024x128xf32>
    tpu.vector_store %arg12[%swap3A_922, %swap3A_923], %add3A_916 {strides = array<i32>} : memref<1024x128xf32, #tpu.memory_space<vmem>>, vector<1024x128xf32>,
    %convert_element_type3A_925 = arith.truncf %mul3A_918 : vector<1024x128xf32> to vector<1024x128xbf16>
    %swap3A_926 = arith.constant 1 : index
    %swap3A_927 = arith.constant 0 : index
    %swap3A_928 = arith.constant 0 : index
    %swap3A_929 = vector.load %arg8[%swap3A_926, %swap3A_927, %swap3A_928] : memref<8x1024x128xbf16, #tpu.memory_space<vmem>>, vector<1x1024x128xbf16>
    %swap3A_930 = vector.shape_cast %swap3A_929 : vector<1x1024x128xbf16> to vector<1024x128xbf16>
    %swap3A_931 = vector.shape_cast %convert_element_type3A_925 : vector<1024x128xbf16> to vector<1x1024x128xbf16>
    tpu.vector_store %arg8[%swap3A_926, %swap3A_927, %swap3A_928], %swap3A_931 {strides = array<i32>} : memref<8x1024x128xbf16, #tpu.memory_space<vmem>>, vector<1x1024x128xbf16>,
    %get3A_932 = arith.constant 7 : index
    %get3A_933 = arith.constant 0 : index
    %get3A_934 = arith.constant 0 : index
    %get3A_935 = vector.load %arg1[%get3A_932, %get3A_933, %get3A_934] : memref<8x1024x64xbf16, #tpu.memory_space<vmem>>, vector<1x1024x64xbf16>
    %get3A_936 = vector.shape_cast %get3A_935 : vector<1x1024x64xbf16> to vector<1024x64xbf16>
    %get3A_937 = arith.constant 0 : index
    %get3A_938 = arith.constant 0 : index
    %get3A_939 = vector.load %arg9[%get3A_937, %get3A_938] : memref<1024x128xf32, #tpu.memory_space<vmem>>, vector<1024x128xf32>
    %convert_element_type3A_940 = arith.truncf %get3A_939 : vector<1024x128xf32> to vector<1024x128xbf16>
    %concatenate3A_941 = tpu.concatenate %get3A_936, %convert_element_type3A_940 in 1 : vector<1024x64xbf16>, vector<1024x128xbf16> -> vector<1024x192xbf16>
    %get3A_942 = arith.constant 0 : index
    %get3A_943 = arith.constant 0 : index
    %get3A_944 = vector.load %arg10[%get3A_942, %get3A_943] : memref<1024x128xf32, #tpu.memory_space<vmem>>, vector<1024x128xf32>
    %get3A_945 = arith.constant 0 : index
    %get3A_946 = arith.constant 0 : index
    %get3A_947 = vector.load %arg3[%get3A_945, %get3A_946] : memref<192x512xbf16, #tpu.memory_space<vmem>>, vector<192x512xbf16>
    %dot_general3A_948 = arith.constant dense<0.000000e+00> : vector<1024x512xf32>
    %dot_general3A_949 = tpu.matmul %concatenate3A_941, %get3A_947, %dot_general3A_948 {dimension_numbers = #tpu.dot_dimension_numbers<[1], [0], [0], [1], [0, 0, 1, 1], [], []>, transpose_lhs_hint = false} : vector<1024x192xbf16>, vector<192x512xbf16>, vector<1024x512xf32> -> vector<1024x512xf32>
    %get3A_950 = arith.constant 0 : index
    %get3A_951 = arith.constant 0 : index
    %get3A_952 = vector.load %arg5[%get3A_950, %get3A_951] : memref<1x512xf32, #tpu.memory_space<vmem>>, vector<1x512xf32>
    %add3A_953 = vector.broadcast %get3A_952 : vector<1x512xf32> to vector<1024x512xf32>
    %add3A_954 = arith.addf %dot_general3A_949, %add3A_953 : vector<1024x512xf32>
    %slice3A_955 = vector.extract_strided_slice %add3A_954 {offsets = [0, 0], sizes = [1024, 128], strides = [1, 1]} : vector<1024x512xf32> to vector<1024x128xf32>
    %tanh3A_956 = math.tanh %slice3A_955 : vector<1024x128xf32>
    %mul3A_957 = arith.constant 5.000000e-01 : f32
    %mul3A_958 = vector.broadcast %mul3A_957 : f32 to vector<1024x128xf32>
    %mul3A_959 = arith.mulf %mul3A_958, %tanh3A_956 : vector<1024x128xf32>
    %add3A_960 = arith.constant 5.000000e-01 : f32
    %add3A_961 = vector.broadcast %add3A_960 : f32 to vector<1024x128xf32>
    %add3A_962 = arith.addf %mul3A_959, %add3A_961 : vector<1024x128xf32>
    %slice3A_963 = vector.extract_strided_slice %add3A_954 {offsets = [0, 128], sizes = [1024, 128], strides = [1, 1]} : vector<1024x512xf32> to vector<1024x128xf32>
    %tanh3A_964 = math.tanh %slice3A_963 : vector<1024x128xf32>
    %mul3A_965 = arith.constant 5.000000e-01 : f32
    %mul3A_966 = vector.broadcast %mul3A_965 : f32 to vector<1024x128xf32>
    %mul3A_967 = arith.mulf %mul3A_966, %tanh3A_964 : vector<1024x128xf32>
    %add3A_968 = arith.constant 5.000000e-01 : f32
    %add3A_969 = vector.broadcast %add3A_968 : f32 to vector<1024x128xf32>
    %add3A_970 = arith.addf %mul3A_967, %add3A_969 : vector<1024x128xf32>
    %slice3A_971 = vector.extract_strided_slice %add3A_954 {offsets = [0, 256], sizes = [1024, 128], strides = [1, 1]} : vector<1024x512xf32> to vector<1024x128xf32>
    %tanh3A_972 = math.tanh %slice3A_971 : vector<1024x128xf32>
    %slice3A_973 = vector.extract_strided_slice %add3A_954 {offsets = [0, 384], sizes = [1024, 128], strides = [1, 1]} : vector<1024x512xf32> to vector<1024x128xf32>
    %tanh3A_974 = math.tanh %slice3A_973 : vector<1024x128xf32>
    %mul3A_975 = arith.constant 5.000000e-01 : f32
    %mul3A_976 = vector.broadcast %mul3A_975 : f32 to vector<1024x128xf32>
    %mul3A_977 = arith.mulf %mul3A_976, %tanh3A_974 : vector<1024x128xf32>
    %add3A_978 = arith.constant 5.000000e-01 : f32
    %add3A_979 = vector.broadcast %add3A_978 : f32 to vector<1024x128xf32>
    %add3A_980 = arith.addf %mul3A_977, %add3A_979 : vector<1024x128xf32>
    %mul3A_981 = arith.mulf %add3A_970, %get3A_944 : vector<1024x128xf32>
    %mul3A_982 = arith.mulf %add3A_962, %tanh3A_972 : vector<1024x128xf32>
    %add3A_983 = arith.addf %mul3A_981, %mul3A_982 : vector<1024x128xf32>
    %tanh3A_984 = math.tanh %add3A_983 : vector<1024x128xf32>
    %mul3A_985 = arith.mulf %add3A_980, %tanh3A_984 : vector<1024x128xf32>
    %swap3A_986 = arith.constant 0 : index
    %swap3A_987 = arith.constant 0 : index
    %swap3A_988 = vector.load %arg9[%swap3A_986, %swap3A_987] : memref<1024x128xf32, #tpu.memory_space<vmem>>, vector<1024x128xf32>
    tpu.vector_store %arg9[%swap3A_986, %swap3A_987], %mul3A_985 {strides = array<i32>} : memref<1024x128xf32, #tpu.memory_space<vmem>>, vector<1024x128xf32>,
    %swap3A_989 = arith.constant 0 : index
    %swap3A_990 = arith.constant 0 : index
    %swap3A_991 = vector.load %arg10[%swap3A_989, %swap3A_990] : memref<1024x128xf32, #tpu.memory_space<vmem>>, vector<1024x128xf32>
    tpu.vector_store %arg10[%swap3A_989, %swap3A_990], %add3A_983 {strides = array<i32>} : memref<1024x128xf32, #tpu.memory_space<vmem>>, vector<1024x128xf32>,
    %convert_element_type3A_992 = arith.truncf %mul3A_985 : vector<1024x128xf32> to vector<1024x128xbf16>
    %swap3A_993 = arith.constant 7 : index
    %swap3A_994 = arith.constant 0 : index
    %swap3A_995 = arith.constant 0 : index
    %swap3A_996 = vector.load %arg7[%swap3A_993, %swap3A_994, %swap3A_995] : memref<8x1024x128xbf16, #tpu.memory_space<vmem>>, vector<1x1024x128xbf16>
    %swap3A_997 = vector.shape_cast %swap3A_996 : vector<1x1024x128xbf16> to vector<1024x128xbf16>
    %swap3A_998 = vector.shape_cast %convert_element_type3A_992 : vector<1024x128xbf16> to vector<1x1024x128xbf16>
    tpu.vector_store %arg7[%swap3A_993, %swap3A_994, %swap3A_995], %swap3A_998 {strides = array<i32>} : memref<8x1024x128xbf16, #tpu.memory_space<vmem>>, vector<1x1024x128xbf16>,
    %get3A_999 = arith.constant 0 : index
    %get3A_1000 = arith.constant 0 : index
    %get3A_1001 = arith.constant 0 : index
    %get3A_1002 = vector.load %arg2[%get3A_999, %get3A_1000, %get3A_1001] : memref<8x1024x64xbf16, #tpu.memory_space<vmem>>, vector<1x1024x64xbf16>
    %get3A_1003 = vector.shape_cast %get3A_1002 : vector<1x1024x64xbf16> to vector<1024x64xbf16>
    %get3A_1004 = arith.constant 0 : index
    %get3A_1005 = arith.constant 0 : index
    %get3A_1006 = vector.load %arg11[%get3A_1004, %get3A_1005] : memref<1024x128xf32, #tpu.memory_space<vmem>>, vector<1024x128xf32>
    %convert_element_type3A_1007 = arith.truncf %get3A_1006 : vector<1024x128xf32> to vector<1024x128xbf16>
    %concatenate3A_1008 = tpu.concatenate %get3A_1003, %convert_element_type3A_1007 in 1 : vector<1024x64xbf16>, vector<1024x128xbf16> -> vector<1024x192xbf16>
    %get3A_1009 = arith.constant 0 : index
    %get3A_1010 = arith.constant 0 : index
    %get3A_1011 = vector.load %arg12[%get3A_1009, %get3A_1010] : memref<1024x128xf32, #tpu.memory_space<vmem>>, vector<1024x128xf32>
    %get3A_1012 = arith.constant 0 : index
    %get3A_1013 = arith.constant 0 : index
    %get3A_1014 = vector.load %arg4[%get3A_1012, %get3A_1013] : memref<192x512xbf16, #tpu.memory_space<vmem>>, vector<192x512xbf16>
    %dot_general3A_1015 = arith.constant dense<0.000000e+00> : vector<1024x512xf32>
    %dot_general3A_1016 = tpu.matmul %concatenate3A_1008, %get3A_1014, %dot_general3A_1015 {dimension_numbers = #tpu.dot_dimension_numbers<[1], [0], [0], [1], [0, 0, 1, 1], [], []>, transpose_lhs_hint = false} : vector<1024x192xbf16>, vector<192x512xbf16>, vector<1024x512xf32> -> vector<1024x512xf32>
    %get3A_1017 = arith.constant 0 : index
    %get3A_1018 = arith.constant 0 : index
    %get3A_1019 = vector.load %arg6[%get3A_1017, %get3A_1018] : memref<1x512xf32, #tpu.memory_space<vmem>>, vector<1x512xf32>
    %add3A_1020 = vector.broadcast %get3A_1019 : vector<1x512xf32> to vector<1024x512xf32>
    %add3A_1021 = arith.addf %dot_general3A_1016, %add3A_1020 : vector<1024x512xf32>
    %slice3A_1022 = vector.extract_strided_slice %add3A_1021 {offsets = [0, 0], sizes = [1024, 128], strides = [1, 1]} : vector<1024x512xf32> to vector<1024x128xf32>
    %tanh3A_1023 = math.tanh %slice3A_1022 : vector<1024x128xf32>
    %mul3A_1024 = arith.constant 5.000000e-01 : f32
    %mul3A_1025 = vector.broadcast %mul3A_1024 : f32 to vector<1024x128xf32>
    %mul3A_1026 = arith.mulf %mul3A_1025, %tanh3A_1023 : vector<1024x128xf32>
    %add3A_1027 = arith.constant 5.000000e-01 : f32
    %add3A_1028 = vector.broadcast %add3A_1027 : f32 to vector<1024x128xf32>
    %add3A_1029 = arith.addf %mul3A_1026, %add3A_1028 : vector<1024x128xf32>
    %slice3A_1030 = vector.extract_strided_slice %add3A_1021 {offsets = [0, 128], sizes = [1024, 128], strides = [1, 1]} : vector<1024x512xf32> to vector<1024x128xf32>
    %tanh3A_1031 = math.tanh %slice3A_1030 : vector<1024x128xf32>
    %mul3A_1032 = arith.constant 5.000000e-01 : f32
    %mul3A_1033 = vector.broadcast %mul3A_1032 : f32 to vector<1024x128xf32>
    %mul3A_1034 = arith.mulf %mul3A_1033, %tanh3A_1031 : vector<1024x128xf32>
    %add3A_1035 = arith.constant 5.000000e-01 : f32
    %add3A_1036 = vector.broadcast %add3A_1035 : f32 to vector<1024x128xf32>
    %add3A_1037 = arith.addf %mul3A_1034, %add3A_1036 : vector<1024x128xf32>
    %slice3A_1038 = vector.extract_strided_slice %add3A_1021 {offsets = [0, 256], sizes = [1024, 128], strides = [1, 1]} : vector<1024x512xf32> to vector<1024x128xf32>
    %tanh3A_1039 = math.tanh %slice3A_1038 : vector<1024x128xf32>
    %slice3A_1040 = vector.extract_strided_slice %add3A_1021 {offsets = [0, 384], sizes = [1024, 128], strides = [1, 1]} : vector<1024x512xf32> to vector<1024x128xf32>
    %tanh3A_1041 = math.tanh %slice3A_1040 : vector<1024x128xf32>
    %mul3A_1042 = arith.constant 5.000000e-01 : f32
    %mul3A_1043 = vector.broadcast %mul3A_1042 : f32 to vector<1024x128xf32>
    %mul3A_1044 = arith.mulf %mul3A_1043, %tanh3A_1041 : vector<1024x128xf32>
    %add3A_1045 = arith.constant 5.000000e-01 : f32
    %add3A_1046 = vector.broadcast %add3A_1045 : f32 to vector<1024x128xf32>
    %add3A_1047 = arith.addf %mul3A_1044, %add3A_1046 : vector<1024x128xf32>
    %mul3A_1048 = arith.mulf %add3A_1037, %get3A_1011 : vector<1024x128xf32>
    %mul3A_1049 = arith.mulf %add3A_1029, %tanh3A_1039 : vector<1024x128xf32>
    %add3A_1050 = arith.addf %mul3A_1048, %mul3A_1049 : vector<1024x128xf32>
    %tanh3A_1051 = math.tanh %add3A_1050 : vector<1024x128xf32>
    %mul3A_1052 = arith.mulf %add3A_1047, %tanh3A_1051 : vector<1024x128xf32>
    %swap3A_1053 = arith.constant 0 : index
    %swap3A_1054 = arith.constant 0 : index
    %swap3A_1055 = vector.load %arg11[%swap3A_1053, %swap3A_1054] : memref<1024x128xf32, #tpu.memory_space<vmem>>, vector<1024x128xf32>
    tpu.vector_store %arg11[%swap3A_1053, %swap3A_1054], %mul3A_1052 {strides = array<i32>} : memref<1024x128xf32, #tpu.memory_space<vmem>>, vector<1024x128xf32>,
    %swap3A_1056 = arith.constant 0 : index
    %swap3A_1057 = arith.constant 0 : index
    %swap3A_1058 = vector.load %arg12[%swap3A_1056, %swap3A_1057] : memref<1024x128xf32, #tpu.memory_space<vmem>>, vector<1024x128xf32>
    tpu.vector_store %arg12[%swap3A_1056, %swap3A_1057], %add3A_1050 {strides = array<i32>} : memref<1024x128xf32, #tpu.memory_space<vmem>>, vector<1024x128xf32>,
    %convert_element_type3A_1059 = arith.truncf %mul3A_1052 : vector<1024x128xf32> to vector<1024x128xbf16>
    %swap3A_1060 = arith.constant 0 : index
    %swap3A_1061 = arith.constant 0 : index
    %swap3A_1062 = arith.constant 0 : index
    %swap3A_1063 = vector.load %arg8[%swap3A_1060, %swap3A_1061, %swap3A_1062] : memref<8x1024x128xbf16, #tpu.memory_space<vmem>>, vector<1x1024x128xbf16>
    %swap3A_1064 = vector.shape_cast %swap3A_1063 : vector<1x1024x128xbf16> to vector<1024x128xbf16>
    %swap3A_1065 = vector.shape_cast %convert_element_type3A_1059 : vector<1024x128xbf16> to vector<1x1024x128xbf16>
    tpu.vector_store %arg8[%swap3A_1060, %swap3A_1061, %swap3A_1062], %swap3A_1065 {strides = array<i32>} : memref<8x1024x128xbf16, #tpu.memory_space<vmem>>, vector<1x1024x128xbf16>,
    return
  }
  func.func @transform_0(%arg0: i32) -> (i32, i32, i32) {
    %c0_i32 = arith.constant 0 : i32
    %c0_i32_0 = arith.constant 0 : i32
    %c0_i32_1 = arith.constant 0 : i32
    return %arg0, %c0_i32, %c0_i32_0 : i32, i32, i32
  }
  func.func @transform_1(%arg0: i32) -> (i32, i32, i32) {
    %sub3A = arith.constant 24 : i32
    %sub3A_0 = arith.subi %sub3A, %arg0 : i32
    %c0_i32 = arith.constant 0 : i32
    %c0_i32_1 = arith.constant 0 : i32
    %c0_i32_2 = arith.constant 0 : i32
    return %sub3A_0, %c0_i32, %c0_i32_1 : i32, i32, i32
  }
  func.func @transform_2(%arg0: i32) -> (i32, i32) {
    %c0_i32 = arith.constant 0 : i32
    %c0_i32_0 = arith.constant 0 : i32
    %c0_i32_1 = arith.constant 0 : i32
    return %c0_i32, %c0_i32_0 : i32, i32
  }
  func.func @transform_3(%arg0: i32) -> (i32, i32) {
    %c0_i32 = arith.constant 0 : i32
    %c0_i32_0 = arith.constant 0 : i32
    %c0_i32_1 = arith.constant 0 : i32
    return %c0_i32, %c0_i32_0 : i32, i32
  }
  func.func @transform_4(%arg0: i32) -> (i32, i32) {
    %c0_i32 = arith.constant 0 : i32
    %c0_i32_0 = arith.constant 0 : i32
    %c0_i32_1 = arith.constant 0 : i32
    return %c0_i32, %c0_i32_0 : i32, i32
  }
  func.func @transform_5(%arg0: i32) -> (i32, i32) {
    %c0_i32 = arith.constant 0 : i32
    %c0_i32_0 = arith.constant 0 : i32
    %c0_i32_1 = arith.constant 0 : i32
    return %c0_i32, %c0_i32_0 : i32, i32
  }
  func.func @transform_6(%arg0: i32) -> (i32, i32, i32) {
    %c0_i32 = arith.constant 0 : i32
    %c0_i32_0 = arith.constant 0 : i32
    %c0_i32_1 = arith.constant 0 : i32
    return %arg0, %c0_i32, %c0_i32_0 : i32, i32, i32
  }
  func.func @transform_7(%arg0: i32) -> (i32, i32, i32) {
    %sub3A = arith.constant 24 : i32
    %sub3A_0 = arith.subi %sub3A, %arg0 : i32
    %c0_i32 = arith.constant 0 : i32
    %c0_i32_1 = arith.constant 0 : i32
    %c0_i32_2 = arith.constant 0 : i32
    return %sub3A_0, %c0_i32, %c0_i32_1 : i32, i32, i32
  }
}

module attributes {stable_mosaic.version = 14 : i64} {
  func.func @_l1_body(%arg0: i32, %arg1: memref<8x1024x128xbf16, #tpu.memory_space<vmem>>, %arg2: memref<8x1024x128xbf16, #tpu.memory_space<vmem>>, %arg3: memref<384x512xbf16, #tpu.memory_space<vmem>>, %arg4: memref<1x512xf32, #tpu.memory_space<vmem>>, %arg5: memref<256x512xbf16, #tpu.memory_space<vmem>>, %arg6: memref<1x512xf32, #tpu.memory_space<vmem>>, %arg7: memref<256x1xf32, #tpu.memory_space<vmem>>, %arg8: memref<1x1xf32, #tpu.memory_space<vmem>>, %arg9: memref<1024x1xf32, #tpu.memory_space<vmem>>, %arg10: memref<1024x128xf32, #tpu.memory_space<vmem>>, %arg11: memref<1024x128xf32, #tpu.memory_space<vmem>>) attributes {dimension_semantics = [#tpu.dimension_semantics<arbitrary>], iteration_bounds = array<i64: 25>, scalar_prefetch = 0 : i64, scratch_operands = 2 : i64, tpu.core_type = #tpu.core_type<tc>, window_params = [{transform_indices = @transform_0, window_bounds = array<i64: 8, 1024, 128>}, {transform_indices = @transform_1, window_bounds = array<i64: 8, 1024, 128>}, {pipeline_mode = #tpu.pipeline_mode<synchronous>, transform_indices = @transform_2, window_bounds = array<i64: 384, 512>}, {pipeline_mode = #tpu.pipeline_mode<synchronous>, transform_indices = @transform_3, window_bounds = array<i64: 1, 512>}, {pipeline_mode = #tpu.pipeline_mode<synchronous>, transform_indices = @transform_4, window_bounds = array<i64: 256, 512>}, {pipeline_mode = #tpu.pipeline_mode<synchronous>, transform_indices = @transform_5, window_bounds = array<i64: 1, 512>}, {pipeline_mode = #tpu.pipeline_mode<synchronous>, transform_indices = @transform_6, window_bounds = array<i64: 256, 1>}, {pipeline_mode = #tpu.pipeline_mode<synchronous>, transform_indices = @transform_7, window_bounds = array<i64: 1, 1>}, {pipeline_mode = #tpu.pipeline_mode<synchronous>, transform_indices = @transform_8, window_bounds = array<i64: 1024, 1>}]} {
    %eq3A = arith.constant 0 : i32
    %eq3A_0 = arith.cmpi eq, %arg0, %eq3A : i32
    %convert_element_type3A = arith.extui %eq3A_0 : i1 to i32
    %cond3A = arith.constant 0 : i32
    %cond3A_1 = arith.cmpi ne, %convert_element_type3A, %cond3A : i32
    scf.if %cond3A_1 {
      %broadcast_in_dim3A = arith.constant 0.000000e+00 : f32
      %broadcast_in_dim3A_1055 = vector.broadcast %broadcast_in_dim3A : f32 to vector<1024x128xf32>
      %swap3A_1056 = arith.constant 0 : index
      %swap3A_1057 = arith.constant 0 : index
      %swap3A_1058 = vector.load %arg10[%swap3A_1056, %swap3A_1057] : memref<1024x128xf32, #tpu.memory_space<vmem>>, vector<1024x128xf32>
      tpu.vector_store %arg10[%swap3A_1056, %swap3A_1057], %broadcast_in_dim3A_1055 {strides = array<i32>} : memref<1024x128xf32, #tpu.memory_space<vmem>>, vector<1024x128xf32>,
      %broadcast_in_dim3A_1059 = arith.constant 0.000000e+00 : f32
      %broadcast_in_dim3A_1060 = vector.broadcast %broadcast_in_dim3A_1059 : f32 to vector<1024x128xf32>
      %swap3A_1061 = arith.constant 0 : index
      %swap3A_1062 = arith.constant 0 : index
      %swap3A_1063 = vector.load %arg11[%swap3A_1061, %swap3A_1062] : memref<1024x128xf32, #tpu.memory_space<vmem>>, vector<1024x128xf32>
      tpu.vector_store %arg11[%swap3A_1061, %swap3A_1062], %broadcast_in_dim3A_1060 {strides = array<i32>} : memref<1024x128xf32, #tpu.memory_space<vmem>>, vector<1024x128xf32>,
    } else {
    }
    %get3A = arith.constant 0 : index
    %get3A_2 = arith.constant 0 : index
    %get3A_3 = arith.constant 0 : index
    %get3A_4 = vector.load %arg1[%get3A, %get3A_2, %get3A_3] : memref<8x1024x128xbf16, #tpu.memory_space<vmem>>, vector<1x512x128xbf16>
    %get3A_5 = vector.shape_cast %get3A_4 : vector<1x512x128xbf16> to vector<512x128xbf16>
    %get3A_6 = arith.constant 0 : index
    %get3A_7 = arith.constant 0 : index
    %get3A_8 = arith.constant 0 : index
    %get3A_9 = vector.load %arg2[%get3A_6, %get3A_7, %get3A_8] : memref<8x1024x128xbf16, #tpu.memory_space<vmem>>, vector<1x512x128xbf16>
    %get3A_10 = vector.shape_cast %get3A_9 : vector<1x512x128xbf16> to vector<512x128xbf16>
    %concatenate3A = tpu.concatenate %get3A_5, %get3A_10 in 1 : vector<512x128xbf16>, vector<512x128xbf16> -> vector<512x256xbf16>
    %get3A_11 = arith.constant 0 : index
    %get3A_12 = arith.constant 0 : index
    %get3A_13 = vector.load %arg10[%get3A_11, %get3A_12] : memref<1024x128xf32, #tpu.memory_space<vmem>>, vector<512x128xf32>
    %convert_element_type3A_14 = arith.truncf %get3A_13 : vector<512x128xf32> to vector<512x128xbf16>
    %concatenate3A_15 = tpu.concatenate %concatenate3A, %convert_element_type3A_14 in 1 : vector<512x256xbf16>, vector<512x128xbf16> -> vector<512x384xbf16>
    %get3A_16 = arith.constant 0 : index
    %get3A_17 = arith.constant 0 : index
    %get3A_18 = vector.load %arg11[%get3A_16, %get3A_17] : memref<1024x128xf32, #tpu.memory_space<vmem>>, vector<512x128xf32>
    %get3A_19 = arith.constant 0 : index
    %get3A_20 = arith.constant 0 : index
    %get3A_21 = vector.load %arg3[%get3A_19, %get3A_20] : memref<384x512xbf16, #tpu.memory_space<vmem>>, vector<384x512xbf16>
    %dot_general3A = arith.constant dense<0.000000e+00> : vector<512x512xf32>
    %dot_general3A_22 = tpu.matmul %concatenate3A_15, %get3A_21, %dot_general3A {dimension_numbers = #tpu.dot_dimension_numbers<[1], [0], [0], [1], [0, 0, 1, 1], [], []>, transpose_lhs_hint = false} : vector<512x384xbf16>, vector<384x512xbf16>, vector<512x512xf32> -> vector<512x512xf32>
    %get3A_23 = arith.constant 0 : index
    %get3A_24 = arith.constant 0 : index
    %get3A_25 = vector.load %arg4[%get3A_23, %get3A_24] : memref<1x512xf32, #tpu.memory_space<vmem>>, vector<1x512xf32>
    %add3A = vector.broadcast %get3A_25 : vector<1x512xf32> to vector<512x512xf32>
    %add3A_26 = arith.addf %dot_general3A_22, %add3A : vector<512x512xf32>
    %slice3A = vector.extract_strided_slice %add3A_26 {offsets = [0, 0], sizes = [512, 128], strides = [1, 1]} : vector<512x512xf32> to vector<512x128xf32>
    %tanh3A = math.tanh %slice3A : vector<512x128xf32>
    %mul3A = arith.constant 5.000000e-01 : f32
    %mul3A_27 = vector.broadcast %mul3A : f32 to vector<512x128xf32>
    %mul3A_28 = arith.mulf %mul3A_27, %tanh3A : vector<512x128xf32>
    %add3A_29 = arith.constant 5.000000e-01 : f32
    %add3A_30 = vector.broadcast %add3A_29 : f32 to vector<512x128xf32>
    %add3A_31 = arith.addf %mul3A_28, %add3A_30 : vector<512x128xf32>
    %slice3A_32 = vector.extract_strided_slice %add3A_26 {offsets = [0, 128], sizes = [512, 128], strides = [1, 1]} : vector<512x512xf32> to vector<512x128xf32>
    %tanh3A_33 = math.tanh %slice3A_32 : vector<512x128xf32>
    %mul3A_34 = arith.constant 5.000000e-01 : f32
    %mul3A_35 = vector.broadcast %mul3A_34 : f32 to vector<512x128xf32>
    %mul3A_36 = arith.mulf %mul3A_35, %tanh3A_33 : vector<512x128xf32>
    %add3A_37 = arith.constant 5.000000e-01 : f32
    %add3A_38 = vector.broadcast %add3A_37 : f32 to vector<512x128xf32>
    %add3A_39 = arith.addf %mul3A_36, %add3A_38 : vector<512x128xf32>
    %slice3A_40 = vector.extract_strided_slice %add3A_26 {offsets = [0, 256], sizes = [512, 128], strides = [1, 1]} : vector<512x512xf32> to vector<512x128xf32>
    %tanh3A_41 = math.tanh %slice3A_40 : vector<512x128xf32>
    %slice3A_42 = vector.extract_strided_slice %add3A_26 {offsets = [0, 384], sizes = [512, 128], strides = [1, 1]} : vector<512x512xf32> to vector<512x128xf32>
    %tanh3A_43 = math.tanh %slice3A_42 : vector<512x128xf32>
    %mul3A_44 = arith.constant 5.000000e-01 : f32
    %mul3A_45 = vector.broadcast %mul3A_44 : f32 to vector<512x128xf32>
    %mul3A_46 = arith.mulf %mul3A_45, %tanh3A_43 : vector<512x128xf32>
    %add3A_47 = arith.constant 5.000000e-01 : f32
    %add3A_48 = vector.broadcast %add3A_47 : f32 to vector<512x128xf32>
    %add3A_49 = arith.addf %mul3A_46, %add3A_48 : vector<512x128xf32>
    %mul3A_50 = arith.mulf %add3A_39, %get3A_18 : vector<512x128xf32>
    %mul3A_51 = arith.mulf %add3A_31, %tanh3A_41 : vector<512x128xf32>
    %add3A_52 = arith.addf %mul3A_50, %mul3A_51 : vector<512x128xf32>
    %tanh3A_53 = math.tanh %add3A_52 : vector<512x128xf32>
    %mul3A_54 = arith.mulf %add3A_49, %tanh3A_53 : vector<512x128xf32>
    %swap3A = arith.constant 0 : index
    %swap3A_55 = arith.constant 0 : index
    %swap3A_56 = vector.load %arg10[%swap3A, %swap3A_55] : memref<1024x128xf32, #tpu.memory_space<vmem>>, vector<512x128xf32>
    tpu.vector_store %arg10[%swap3A, %swap3A_55], %mul3A_54 {strides = array<i32>} : memref<1024x128xf32, #tpu.memory_space<vmem>>, vector<512x128xf32>,
    %swap3A_57 = arith.constant 0 : index
    %swap3A_58 = arith.constant 0 : index
    %swap3A_59 = vector.load %arg11[%swap3A_57, %swap3A_58] : memref<1024x128xf32, #tpu.memory_space<vmem>>, vector<512x128xf32>
    tpu.vector_store %arg11[%swap3A_57, %swap3A_58], %add3A_52 {strides = array<i32>} : memref<1024x128xf32, #tpu.memory_space<vmem>>, vector<512x128xf32>,
    %get3A_60 = arith.constant 0 : index
    %get3A_61 = arith.constant 512 : index
    %get3A_62 = arith.constant 0 : index
    %get3A_63 = vector.load %arg1[%get3A_60, %get3A_61, %get3A_62] : memref<8x1024x128xbf16, #tpu.memory_space<vmem>>, vector<1x512x128xbf16>
    %get3A_64 = vector.shape_cast %get3A_63 : vector<1x512x128xbf16> to vector<512x128xbf16>
    %get3A_65 = arith.constant 0 : index
    %get3A_66 = arith.constant 512 : index
    %get3A_67 = arith.constant 0 : index
    %get3A_68 = vector.load %arg2[%get3A_65, %get3A_66, %get3A_67] : memref<8x1024x128xbf16, #tpu.memory_space<vmem>>, vector<1x512x128xbf16>
    %get3A_69 = vector.shape_cast %get3A_68 : vector<1x512x128xbf16> to vector<512x128xbf16>
    %concatenate3A_70 = tpu.concatenate %get3A_64, %get3A_69 in 1 : vector<512x128xbf16>, vector<512x128xbf16> -> vector<512x256xbf16>
    %get3A_71 = arith.constant 512 : index
    %get3A_72 = arith.constant 0 : index
    %get3A_73 = vector.load %arg10[%get3A_71, %get3A_72] : memref<1024x128xf32, #tpu.memory_space<vmem>>, vector<512x128xf32>
    %convert_element_type3A_74 = arith.truncf %get3A_73 : vector<512x128xf32> to vector<512x128xbf16>
    %concatenate3A_75 = tpu.concatenate %concatenate3A_70, %convert_element_type3A_74 in 1 : vector<512x256xbf16>, vector<512x128xbf16> -> vector<512x384xbf16>
    %get3A_76 = arith.constant 512 : index
    %get3A_77 = arith.constant 0 : index
    %get3A_78 = vector.load %arg11[%get3A_76, %get3A_77] : memref<1024x128xf32, #tpu.memory_space<vmem>>, vector<512x128xf32>
    %get3A_79 = arith.constant 0 : index
    %get3A_80 = arith.constant 0 : index
    %get3A_81 = vector.load %arg3[%get3A_79, %get3A_80] : memref<384x512xbf16, #tpu.memory_space<vmem>>, vector<384x512xbf16>
    %dot_general3A_82 = arith.constant dense<0.000000e+00> : vector<512x512xf32>
    %dot_general3A_83 = tpu.matmul %concatenate3A_75, %get3A_81, %dot_general3A_82 {dimension_numbers = #tpu.dot_dimension_numbers<[1], [0], [0], [1], [0, 0, 1, 1], [], []>, transpose_lhs_hint = false} : vector<512x384xbf16>, vector<384x512xbf16>, vector<512x512xf32> -> vector<512x512xf32>
    %get3A_84 = arith.constant 0 : index
    %get3A_85 = arith.constant 0 : index
    %get3A_86 = vector.load %arg4[%get3A_84, %get3A_85] : memref<1x512xf32, #tpu.memory_space<vmem>>, vector<1x512xf32>
    %add3A_87 = vector.broadcast %get3A_86 : vector<1x512xf32> to vector<512x512xf32>
    %add3A_88 = arith.addf %dot_general3A_83, %add3A_87 : vector<512x512xf32>
    %slice3A_89 = vector.extract_strided_slice %add3A_88 {offsets = [0, 0], sizes = [512, 128], strides = [1, 1]} : vector<512x512xf32> to vector<512x128xf32>
    %tanh3A_90 = math.tanh %slice3A_89 : vector<512x128xf32>
    %mul3A_91 = arith.constant 5.000000e-01 : f32
    %mul3A_92 = vector.broadcast %mul3A_91 : f32 to vector<512x128xf32>
    %mul3A_93 = arith.mulf %mul3A_92, %tanh3A_90 : vector<512x128xf32>
    %add3A_94 = arith.constant 5.000000e-01 : f32
    %add3A_95 = vector.broadcast %add3A_94 : f32 to vector<512x128xf32>
    %add3A_96 = arith.addf %mul3A_93, %add3A_95 : vector<512x128xf32>
    %slice3A_97 = vector.extract_strided_slice %add3A_88 {offsets = [0, 128], sizes = [512, 128], strides = [1, 1]} : vector<512x512xf32> to vector<512x128xf32>
    %tanh3A_98 = math.tanh %slice3A_97 : vector<512x128xf32>
    %mul3A_99 = arith.constant 5.000000e-01 : f32
    %mul3A_100 = vector.broadcast %mul3A_99 : f32 to vector<512x128xf32>
    %mul3A_101 = arith.mulf %mul3A_100, %tanh3A_98 : vector<512x128xf32>
    %add3A_102 = arith.constant 5.000000e-01 : f32
    %add3A_103 = vector.broadcast %add3A_102 : f32 to vector<512x128xf32>
    %add3A_104 = arith.addf %mul3A_101, %add3A_103 : vector<512x128xf32>
    %slice3A_105 = vector.extract_strided_slice %add3A_88 {offsets = [0, 256], sizes = [512, 128], strides = [1, 1]} : vector<512x512xf32> to vector<512x128xf32>
    %tanh3A_106 = math.tanh %slice3A_105 : vector<512x128xf32>
    %slice3A_107 = vector.extract_strided_slice %add3A_88 {offsets = [0, 384], sizes = [512, 128], strides = [1, 1]} : vector<512x512xf32> to vector<512x128xf32>
    %tanh3A_108 = math.tanh %slice3A_107 : vector<512x128xf32>
    %mul3A_109 = arith.constant 5.000000e-01 : f32
    %mul3A_110 = vector.broadcast %mul3A_109 : f32 to vector<512x128xf32>
    %mul3A_111 = arith.mulf %mul3A_110, %tanh3A_108 : vector<512x128xf32>
    %add3A_112 = arith.constant 5.000000e-01 : f32
    %add3A_113 = vector.broadcast %add3A_112 : f32 to vector<512x128xf32>
    %add3A_114 = arith.addf %mul3A_111, %add3A_113 : vector<512x128xf32>
    %mul3A_115 = arith.mulf %add3A_104, %get3A_78 : vector<512x128xf32>
    %mul3A_116 = arith.mulf %add3A_96, %tanh3A_106 : vector<512x128xf32>
    %add3A_117 = arith.addf %mul3A_115, %mul3A_116 : vector<512x128xf32>
    %tanh3A_118 = math.tanh %add3A_117 : vector<512x128xf32>
    %mul3A_119 = arith.mulf %add3A_114, %tanh3A_118 : vector<512x128xf32>
    %swap3A_120 = arith.constant 512 : index
    %swap3A_121 = arith.constant 0 : index
    %swap3A_122 = vector.load %arg10[%swap3A_120, %swap3A_121] : memref<1024x128xf32, #tpu.memory_space<vmem>>, vector<512x128xf32>
    tpu.vector_store %arg10[%swap3A_120, %swap3A_121], %mul3A_119 {strides = array<i32>} : memref<1024x128xf32, #tpu.memory_space<vmem>>, vector<512x128xf32>,
    %swap3A_123 = arith.constant 512 : index
    %swap3A_124 = arith.constant 0 : index
    %swap3A_125 = vector.load %arg11[%swap3A_123, %swap3A_124] : memref<1024x128xf32, #tpu.memory_space<vmem>>, vector<512x128xf32>
    tpu.vector_store %arg11[%swap3A_123, %swap3A_124], %add3A_117 {strides = array<i32>} : memref<1024x128xf32, #tpu.memory_space<vmem>>, vector<512x128xf32>,
    %get3A_126 = arith.constant 1 : index
    %get3A_127 = arith.constant 0 : index
    %get3A_128 = arith.constant 0 : index
    %get3A_129 = vector.load %arg1[%get3A_126, %get3A_127, %get3A_128] : memref<8x1024x128xbf16, #tpu.memory_space<vmem>>, vector<1x512x128xbf16>
    %get3A_130 = vector.shape_cast %get3A_129 : vector<1x512x128xbf16> to vector<512x128xbf16>
    %get3A_131 = arith.constant 1 : index
    %get3A_132 = arith.constant 0 : index
    %get3A_133 = arith.constant 0 : index
    %get3A_134 = vector.load %arg2[%get3A_131, %get3A_132, %get3A_133] : memref<8x1024x128xbf16, #tpu.memory_space<vmem>>, vector<1x512x128xbf16>
    %get3A_135 = vector.shape_cast %get3A_134 : vector<1x512x128xbf16> to vector<512x128xbf16>
    %concatenate3A_136 = tpu.concatenate %get3A_130, %get3A_135 in 1 : vector<512x128xbf16>, vector<512x128xbf16> -> vector<512x256xbf16>
    %get3A_137 = arith.constant 0 : index
    %get3A_138 = arith.constant 0 : index
    %get3A_139 = vector.load %arg10[%get3A_137, %get3A_138] : memref<1024x128xf32, #tpu.memory_space<vmem>>, vector<512x128xf32>
    %convert_element_type3A_140 = arith.truncf %get3A_139 : vector<512x128xf32> to vector<512x128xbf16>
    %concatenate3A_141 = tpu.concatenate %concatenate3A_136, %convert_element_type3A_140 in 1 : vector<512x256xbf16>, vector<512x128xbf16> -> vector<512x384xbf16>
    %get3A_142 = arith.constant 0 : index
    %get3A_143 = arith.constant 0 : index
    %get3A_144 = vector.load %arg11[%get3A_142, %get3A_143] : memref<1024x128xf32, #tpu.memory_space<vmem>>, vector<512x128xf32>
    %get3A_145 = arith.constant 0 : index
    %get3A_146 = arith.constant 0 : index
    %get3A_147 = vector.load %arg3[%get3A_145, %get3A_146] : memref<384x512xbf16, #tpu.memory_space<vmem>>, vector<384x512xbf16>
    %dot_general3A_148 = arith.constant dense<0.000000e+00> : vector<512x512xf32>
    %dot_general3A_149 = tpu.matmul %concatenate3A_141, %get3A_147, %dot_general3A_148 {dimension_numbers = #tpu.dot_dimension_numbers<[1], [0], [0], [1], [0, 0, 1, 1], [], []>, transpose_lhs_hint = false} : vector<512x384xbf16>, vector<384x512xbf16>, vector<512x512xf32> -> vector<512x512xf32>
    %get3A_150 = arith.constant 0 : index
    %get3A_151 = arith.constant 0 : index
    %get3A_152 = vector.load %arg4[%get3A_150, %get3A_151] : memref<1x512xf32, #tpu.memory_space<vmem>>, vector<1x512xf32>
    %add3A_153 = vector.broadcast %get3A_152 : vector<1x512xf32> to vector<512x512xf32>
    %add3A_154 = arith.addf %dot_general3A_149, %add3A_153 : vector<512x512xf32>
    %slice3A_155 = vector.extract_strided_slice %add3A_154 {offsets = [0, 0], sizes = [512, 128], strides = [1, 1]} : vector<512x512xf32> to vector<512x128xf32>
    %tanh3A_156 = math.tanh %slice3A_155 : vector<512x128xf32>
    %mul3A_157 = arith.constant 5.000000e-01 : f32
    %mul3A_158 = vector.broadcast %mul3A_157 : f32 to vector<512x128xf32>
    %mul3A_159 = arith.mulf %mul3A_158, %tanh3A_156 : vector<512x128xf32>
    %add3A_160 = arith.constant 5.000000e-01 : f32
    %add3A_161 = vector.broadcast %add3A_160 : f32 to vector<512x128xf32>
    %add3A_162 = arith.addf %mul3A_159, %add3A_161 : vector<512x128xf32>
    %slice3A_163 = vector.extract_strided_slice %add3A_154 {offsets = [0, 128], sizes = [512, 128], strides = [1, 1]} : vector<512x512xf32> to vector<512x128xf32>
    %tanh3A_164 = math.tanh %slice3A_163 : vector<512x128xf32>
    %mul3A_165 = arith.constant 5.000000e-01 : f32
    %mul3A_166 = vector.broadcast %mul3A_165 : f32 to vector<512x128xf32>
    %mul3A_167 = arith.mulf %mul3A_166, %tanh3A_164 : vector<512x128xf32>
    %add3A_168 = arith.constant 5.000000e-01 : f32
    %add3A_169 = vector.broadcast %add3A_168 : f32 to vector<512x128xf32>
    %add3A_170 = arith.addf %mul3A_167, %add3A_169 : vector<512x128xf32>
    %slice3A_171 = vector.extract_strided_slice %add3A_154 {offsets = [0, 256], sizes = [512, 128], strides = [1, 1]} : vector<512x512xf32> to vector<512x128xf32>
    %tanh3A_172 = math.tanh %slice3A_171 : vector<512x128xf32>
    %slice3A_173 = vector.extract_strided_slice %add3A_154 {offsets = [0, 384], sizes = [512, 128], strides = [1, 1]} : vector<512x512xf32> to vector<512x128xf32>
    %tanh3A_174 = math.tanh %slice3A_173 : vector<512x128xf32>
    %mul3A_175 = arith.constant 5.000000e-01 : f32
    %mul3A_176 = vector.broadcast %mul3A_175 : f32 to vector<512x128xf32>
    %mul3A_177 = arith.mulf %mul3A_176, %tanh3A_174 : vector<512x128xf32>
    %add3A_178 = arith.constant 5.000000e-01 : f32
    %add3A_179 = vector.broadcast %add3A_178 : f32 to vector<512x128xf32>
    %add3A_180 = arith.addf %mul3A_177, %add3A_179 : vector<512x128xf32>
    %mul3A_181 = arith.mulf %add3A_170, %get3A_144 : vector<512x128xf32>
    %mul3A_182 = arith.mulf %add3A_162, %tanh3A_172 : vector<512x128xf32>
    %add3A_183 = arith.addf %mul3A_181, %mul3A_182 : vector<512x128xf32>
    %tanh3A_184 = math.tanh %add3A_183 : vector<512x128xf32>
    %mul3A_185 = arith.mulf %add3A_180, %tanh3A_184 : vector<512x128xf32>
    %swap3A_186 = arith.constant 0 : index
    %swap3A_187 = arith.constant 0 : index
    %swap3A_188 = vector.load %arg10[%swap3A_186, %swap3A_187] : memref<1024x128xf32, #tpu.memory_space<vmem>>, vector<512x128xf32>
    tpu.vector_store %arg10[%swap3A_186, %swap3A_187], %mul3A_185 {strides = array<i32>} : memref<1024x128xf32, #tpu.memory_space<vmem>>, vector<512x128xf32>,
    %swap3A_189 = arith.constant 0 : index
    %swap3A_190 = arith.constant 0 : index
    %swap3A_191 = vector.load %arg11[%swap3A_189, %swap3A_190] : memref<1024x128xf32, #tpu.memory_space<vmem>>, vector<512x128xf32>
    tpu.vector_store %arg11[%swap3A_189, %swap3A_190], %add3A_183 {strides = array<i32>} : memref<1024x128xf32, #tpu.memory_space<vmem>>, vector<512x128xf32>,
    %get3A_192 = arith.constant 1 : index
    %get3A_193 = arith.constant 512 : index
    %get3A_194 = arith.constant 0 : index
    %get3A_195 = vector.load %arg1[%get3A_192, %get3A_193, %get3A_194] : memref<8x1024x128xbf16, #tpu.memory_space<vmem>>, vector<1x512x128xbf16>
    %get3A_196 = vector.shape_cast %get3A_195 : vector<1x512x128xbf16> to vector<512x128xbf16>
    %get3A_197 = arith.constant 1 : index
    %get3A_198 = arith.constant 512 : index
    %get3A_199 = arith.constant 0 : index
    %get3A_200 = vector.load %arg2[%get3A_197, %get3A_198, %get3A_199] : memref<8x1024x128xbf16, #tpu.memory_space<vmem>>, vector<1x512x128xbf16>
    %get3A_201 = vector.shape_cast %get3A_200 : vector<1x512x128xbf16> to vector<512x128xbf16>
    %concatenate3A_202 = tpu.concatenate %get3A_196, %get3A_201 in 1 : vector<512x128xbf16>, vector<512x128xbf16> -> vector<512x256xbf16>
    %get3A_203 = arith.constant 512 : index
    %get3A_204 = arith.constant 0 : index
    %get3A_205 = vector.load %arg10[%get3A_203, %get3A_204] : memref<1024x128xf32, #tpu.memory_space<vmem>>, vector<512x128xf32>
    %convert_element_type3A_206 = arith.truncf %get3A_205 : vector<512x128xf32> to vector<512x128xbf16>
    %concatenate3A_207 = tpu.concatenate %concatenate3A_202, %convert_element_type3A_206 in 1 : vector<512x256xbf16>, vector<512x128xbf16> -> vector<512x384xbf16>
    %get3A_208 = arith.constant 512 : index
    %get3A_209 = arith.constant 0 : index
    %get3A_210 = vector.load %arg11[%get3A_208, %get3A_209] : memref<1024x128xf32, #tpu.memory_space<vmem>>, vector<512x128xf32>
    %get3A_211 = arith.constant 0 : index
    %get3A_212 = arith.constant 0 : index
    %get3A_213 = vector.load %arg3[%get3A_211, %get3A_212] : memref<384x512xbf16, #tpu.memory_space<vmem>>, vector<384x512xbf16>
    %dot_general3A_214 = arith.constant dense<0.000000e+00> : vector<512x512xf32>
    %dot_general3A_215 = tpu.matmul %concatenate3A_207, %get3A_213, %dot_general3A_214 {dimension_numbers = #tpu.dot_dimension_numbers<[1], [0], [0], [1], [0, 0, 1, 1], [], []>, transpose_lhs_hint = false} : vector<512x384xbf16>, vector<384x512xbf16>, vector<512x512xf32> -> vector<512x512xf32>
    %get3A_216 = arith.constant 0 : index
    %get3A_217 = arith.constant 0 : index
    %get3A_218 = vector.load %arg4[%get3A_216, %get3A_217] : memref<1x512xf32, #tpu.memory_space<vmem>>, vector<1x512xf32>
    %add3A_219 = vector.broadcast %get3A_218 : vector<1x512xf32> to vector<512x512xf32>
    %add3A_220 = arith.addf %dot_general3A_215, %add3A_219 : vector<512x512xf32>
    %slice3A_221 = vector.extract_strided_slice %add3A_220 {offsets = [0, 0], sizes = [512, 128], strides = [1, 1]} : vector<512x512xf32> to vector<512x128xf32>
    %tanh3A_222 = math.tanh %slice3A_221 : vector<512x128xf32>
    %mul3A_223 = arith.constant 5.000000e-01 : f32
    %mul3A_224 = vector.broadcast %mul3A_223 : f32 to vector<512x128xf32>
    %mul3A_225 = arith.mulf %mul3A_224, %tanh3A_222 : vector<512x128xf32>
    %add3A_226 = arith.constant 5.000000e-01 : f32
    %add3A_227 = vector.broadcast %add3A_226 : f32 to vector<512x128xf32>
    %add3A_228 = arith.addf %mul3A_225, %add3A_227 : vector<512x128xf32>
    %slice3A_229 = vector.extract_strided_slice %add3A_220 {offsets = [0, 128], sizes = [512, 128], strides = [1, 1]} : vector<512x512xf32> to vector<512x128xf32>
    %tanh3A_230 = math.tanh %slice3A_229 : vector<512x128xf32>
    %mul3A_231 = arith.constant 5.000000e-01 : f32
    %mul3A_232 = vector.broadcast %mul3A_231 : f32 to vector<512x128xf32>
    %mul3A_233 = arith.mulf %mul3A_232, %tanh3A_230 : vector<512x128xf32>
    %add3A_234 = arith.constant 5.000000e-01 : f32
    %add3A_235 = vector.broadcast %add3A_234 : f32 to vector<512x128xf32>
    %add3A_236 = arith.addf %mul3A_233, %add3A_235 : vector<512x128xf32>
    %slice3A_237 = vector.extract_strided_slice %add3A_220 {offsets = [0, 256], sizes = [512, 128], strides = [1, 1]} : vector<512x512xf32> to vector<512x128xf32>
    %tanh3A_238 = math.tanh %slice3A_237 : vector<512x128xf32>
    %slice3A_239 = vector.extract_strided_slice %add3A_220 {offsets = [0, 384], sizes = [512, 128], strides = [1, 1]} : vector<512x512xf32> to vector<512x128xf32>
    %tanh3A_240 = math.tanh %slice3A_239 : vector<512x128xf32>
    %mul3A_241 = arith.constant 5.000000e-01 : f32
    %mul3A_242 = vector.broadcast %mul3A_241 : f32 to vector<512x128xf32>
    %mul3A_243 = arith.mulf %mul3A_242, %tanh3A_240 : vector<512x128xf32>
    %add3A_244 = arith.constant 5.000000e-01 : f32
    %add3A_245 = vector.broadcast %add3A_244 : f32 to vector<512x128xf32>
    %add3A_246 = arith.addf %mul3A_243, %add3A_245 : vector<512x128xf32>
    %mul3A_247 = arith.mulf %add3A_236, %get3A_210 : vector<512x128xf32>
    %mul3A_248 = arith.mulf %add3A_228, %tanh3A_238 : vector<512x128xf32>
    %add3A_249 = arith.addf %mul3A_247, %mul3A_248 : vector<512x128xf32>
    %tanh3A_250 = math.tanh %add3A_249 : vector<512x128xf32>
    %mul3A_251 = arith.mulf %add3A_246, %tanh3A_250 : vector<512x128xf32>
    %swap3A_252 = arith.constant 512 : index
    %swap3A_253 = arith.constant 0 : index
    %swap3A_254 = vector.load %arg10[%swap3A_252, %swap3A_253] : memref<1024x128xf32, #tpu.memory_space<vmem>>, vector<512x128xf32>
    tpu.vector_store %arg10[%swap3A_252, %swap3A_253], %mul3A_251 {strides = array<i32>} : memref<1024x128xf32, #tpu.memory_space<vmem>>, vector<512x128xf32>,
    %swap3A_255 = arith.constant 512 : index
    %swap3A_256 = arith.constant 0 : index
    %swap3A_257 = vector.load %arg11[%swap3A_255, %swap3A_256] : memref<1024x128xf32, #tpu.memory_space<vmem>>, vector<512x128xf32>
    tpu.vector_store %arg11[%swap3A_255, %swap3A_256], %add3A_249 {strides = array<i32>} : memref<1024x128xf32, #tpu.memory_space<vmem>>, vector<512x128xf32>,
    %get3A_258 = arith.constant 2 : index
    %get3A_259 = arith.constant 0 : index
    %get3A_260 = arith.constant 0 : index
    %get3A_261 = vector.load %arg1[%get3A_258, %get3A_259, %get3A_260] : memref<8x1024x128xbf16, #tpu.memory_space<vmem>>, vector<1x512x128xbf16>
    %get3A_262 = vector.shape_cast %get3A_261 : vector<1x512x128xbf16> to vector<512x128xbf16>
    %get3A_263 = arith.constant 2 : index
    %get3A_264 = arith.constant 0 : index
    %get3A_265 = arith.constant 0 : index
    %get3A_266 = vector.load %arg2[%get3A_263, %get3A_264, %get3A_265] : memref<8x1024x128xbf16, #tpu.memory_space<vmem>>, vector<1x512x128xbf16>
    %get3A_267 = vector.shape_cast %get3A_266 : vector<1x512x128xbf16> to vector<512x128xbf16>
    %concatenate3A_268 = tpu.concatenate %get3A_262, %get3A_267 in 1 : vector<512x128xbf16>, vector<512x128xbf16> -> vector<512x256xbf16>
    %get3A_269 = arith.constant 0 : index
    %get3A_270 = arith.constant 0 : index
    %get3A_271 = vector.load %arg10[%get3A_269, %get3A_270] : memref<1024x128xf32, #tpu.memory_space<vmem>>, vector<512x128xf32>
    %convert_element_type3A_272 = arith.truncf %get3A_271 : vector<512x128xf32> to vector<512x128xbf16>
    %concatenate3A_273 = tpu.concatenate %concatenate3A_268, %convert_element_type3A_272 in 1 : vector<512x256xbf16>, vector<512x128xbf16> -> vector<512x384xbf16>
    %get3A_274 = arith.constant 0 : index
    %get3A_275 = arith.constant 0 : index
    %get3A_276 = vector.load %arg11[%get3A_274, %get3A_275] : memref<1024x128xf32, #tpu.memory_space<vmem>>, vector<512x128xf32>
    %get3A_277 = arith.constant 0 : index
    %get3A_278 = arith.constant 0 : index
    %get3A_279 = vector.load %arg3[%get3A_277, %get3A_278] : memref<384x512xbf16, #tpu.memory_space<vmem>>, vector<384x512xbf16>
    %dot_general3A_280 = arith.constant dense<0.000000e+00> : vector<512x512xf32>
    %dot_general3A_281 = tpu.matmul %concatenate3A_273, %get3A_279, %dot_general3A_280 {dimension_numbers = #tpu.dot_dimension_numbers<[1], [0], [0], [1], [0, 0, 1, 1], [], []>, transpose_lhs_hint = false} : vector<512x384xbf16>, vector<384x512xbf16>, vector<512x512xf32> -> vector<512x512xf32>
    %get3A_282 = arith.constant 0 : index
    %get3A_283 = arith.constant 0 : index
    %get3A_284 = vector.load %arg4[%get3A_282, %get3A_283] : memref<1x512xf32, #tpu.memory_space<vmem>>, vector<1x512xf32>
    %add3A_285 = vector.broadcast %get3A_284 : vector<1x512xf32> to vector<512x512xf32>
    %add3A_286 = arith.addf %dot_general3A_281, %add3A_285 : vector<512x512xf32>
    %slice3A_287 = vector.extract_strided_slice %add3A_286 {offsets = [0, 0], sizes = [512, 128], strides = [1, 1]} : vector<512x512xf32> to vector<512x128xf32>
    %tanh3A_288 = math.tanh %slice3A_287 : vector<512x128xf32>
    %mul3A_289 = arith.constant 5.000000e-01 : f32
    %mul3A_290 = vector.broadcast %mul3A_289 : f32 to vector<512x128xf32>
    %mul3A_291 = arith.mulf %mul3A_290, %tanh3A_288 : vector<512x128xf32>
    %add3A_292 = arith.constant 5.000000e-01 : f32
    %add3A_293 = vector.broadcast %add3A_292 : f32 to vector<512x128xf32>
    %add3A_294 = arith.addf %mul3A_291, %add3A_293 : vector<512x128xf32>
    %slice3A_295 = vector.extract_strided_slice %add3A_286 {offsets = [0, 128], sizes = [512, 128], strides = [1, 1]} : vector<512x512xf32> to vector<512x128xf32>
    %tanh3A_296 = math.tanh %slice3A_295 : vector<512x128xf32>
    %mul3A_297 = arith.constant 5.000000e-01 : f32
    %mul3A_298 = vector.broadcast %mul3A_297 : f32 to vector<512x128xf32>
    %mul3A_299 = arith.mulf %mul3A_298, %tanh3A_296 : vector<512x128xf32>
    %add3A_300 = arith.constant 5.000000e-01 : f32
    %add3A_301 = vector.broadcast %add3A_300 : f32 to vector<512x128xf32>
    %add3A_302 = arith.addf %mul3A_299, %add3A_301 : vector<512x128xf32>
    %slice3A_303 = vector.extract_strided_slice %add3A_286 {offsets = [0, 256], sizes = [512, 128], strides = [1, 1]} : vector<512x512xf32> to vector<512x128xf32>
    %tanh3A_304 = math.tanh %slice3A_303 : vector<512x128xf32>
    %slice3A_305 = vector.extract_strided_slice %add3A_286 {offsets = [0, 384], sizes = [512, 128], strides = [1, 1]} : vector<512x512xf32> to vector<512x128xf32>
    %tanh3A_306 = math.tanh %slice3A_305 : vector<512x128xf32>
    %mul3A_307 = arith.constant 5.000000e-01 : f32
    %mul3A_308 = vector.broadcast %mul3A_307 : f32 to vector<512x128xf32>
    %mul3A_309 = arith.mulf %mul3A_308, %tanh3A_306 : vector<512x128xf32>
    %add3A_310 = arith.constant 5.000000e-01 : f32
    %add3A_311 = vector.broadcast %add3A_310 : f32 to vector<512x128xf32>
    %add3A_312 = arith.addf %mul3A_309, %add3A_311 : vector<512x128xf32>
    %mul3A_313 = arith.mulf %add3A_302, %get3A_276 : vector<512x128xf32>
    %mul3A_314 = arith.mulf %add3A_294, %tanh3A_304 : vector<512x128xf32>
    %add3A_315 = arith.addf %mul3A_313, %mul3A_314 : vector<512x128xf32>
    %tanh3A_316 = math.tanh %add3A_315 : vector<512x128xf32>
    %mul3A_317 = arith.mulf %add3A_312, %tanh3A_316 : vector<512x128xf32>
    %swap3A_318 = arith.constant 0 : index
    %swap3A_319 = arith.constant 0 : index
    %swap3A_320 = vector.load %arg10[%swap3A_318, %swap3A_319] : memref<1024x128xf32, #tpu.memory_space<vmem>>, vector<512x128xf32>
    tpu.vector_store %arg10[%swap3A_318, %swap3A_319], %mul3A_317 {strides = array<i32>} : memref<1024x128xf32, #tpu.memory_space<vmem>>, vector<512x128xf32>,
    %swap3A_321 = arith.constant 0 : index
    %swap3A_322 = arith.constant 0 : index
    %swap3A_323 = vector.load %arg11[%swap3A_321, %swap3A_322] : memref<1024x128xf32, #tpu.memory_space<vmem>>, vector<512x128xf32>
    tpu.vector_store %arg11[%swap3A_321, %swap3A_322], %add3A_315 {strides = array<i32>} : memref<1024x128xf32, #tpu.memory_space<vmem>>, vector<512x128xf32>,
    %get3A_324 = arith.constant 2 : index
    %get3A_325 = arith.constant 512 : index
    %get3A_326 = arith.constant 0 : index
    %get3A_327 = vector.load %arg1[%get3A_324, %get3A_325, %get3A_326] : memref<8x1024x128xbf16, #tpu.memory_space<vmem>>, vector<1x512x128xbf16>
    %get3A_328 = vector.shape_cast %get3A_327 : vector<1x512x128xbf16> to vector<512x128xbf16>
    %get3A_329 = arith.constant 2 : index
    %get3A_330 = arith.constant 512 : index
    %get3A_331 = arith.constant 0 : index
    %get3A_332 = vector.load %arg2[%get3A_329, %get3A_330, %get3A_331] : memref<8x1024x128xbf16, #tpu.memory_space<vmem>>, vector<1x512x128xbf16>
    %get3A_333 = vector.shape_cast %get3A_332 : vector<1x512x128xbf16> to vector<512x128xbf16>
    %concatenate3A_334 = tpu.concatenate %get3A_328, %get3A_333 in 1 : vector<512x128xbf16>, vector<512x128xbf16> -> vector<512x256xbf16>
    %get3A_335 = arith.constant 512 : index
    %get3A_336 = arith.constant 0 : index
    %get3A_337 = vector.load %arg10[%get3A_335, %get3A_336] : memref<1024x128xf32, #tpu.memory_space<vmem>>, vector<512x128xf32>
    %convert_element_type3A_338 = arith.truncf %get3A_337 : vector<512x128xf32> to vector<512x128xbf16>
    %concatenate3A_339 = tpu.concatenate %concatenate3A_334, %convert_element_type3A_338 in 1 : vector<512x256xbf16>, vector<512x128xbf16> -> vector<512x384xbf16>
    %get3A_340 = arith.constant 512 : index
    %get3A_341 = arith.constant 0 : index
    %get3A_342 = vector.load %arg11[%get3A_340, %get3A_341] : memref<1024x128xf32, #tpu.memory_space<vmem>>, vector<512x128xf32>
    %get3A_343 = arith.constant 0 : index
    %get3A_344 = arith.constant 0 : index
    %get3A_345 = vector.load %arg3[%get3A_343, %get3A_344] : memref<384x512xbf16, #tpu.memory_space<vmem>>, vector<384x512xbf16>
    %dot_general3A_346 = arith.constant dense<0.000000e+00> : vector<512x512xf32>
    %dot_general3A_347 = tpu.matmul %concatenate3A_339, %get3A_345, %dot_general3A_346 {dimension_numbers = #tpu.dot_dimension_numbers<[1], [0], [0], [1], [0, 0, 1, 1], [], []>, transpose_lhs_hint = false} : vector<512x384xbf16>, vector<384x512xbf16>, vector<512x512xf32> -> vector<512x512xf32>
    %get3A_348 = arith.constant 0 : index
    %get3A_349 = arith.constant 0 : index
    %get3A_350 = vector.load %arg4[%get3A_348, %get3A_349] : memref<1x512xf32, #tpu.memory_space<vmem>>, vector<1x512xf32>
    %add3A_351 = vector.broadcast %get3A_350 : vector<1x512xf32> to vector<512x512xf32>
    %add3A_352 = arith.addf %dot_general3A_347, %add3A_351 : vector<512x512xf32>
    %slice3A_353 = vector.extract_strided_slice %add3A_352 {offsets = [0, 0], sizes = [512, 128], strides = [1, 1]} : vector<512x512xf32> to vector<512x128xf32>
    %tanh3A_354 = math.tanh %slice3A_353 : vector<512x128xf32>
    %mul3A_355 = arith.constant 5.000000e-01 : f32
    %mul3A_356 = vector.broadcast %mul3A_355 : f32 to vector<512x128xf32>
    %mul3A_357 = arith.mulf %mul3A_356, %tanh3A_354 : vector<512x128xf32>
    %add3A_358 = arith.constant 5.000000e-01 : f32
    %add3A_359 = vector.broadcast %add3A_358 : f32 to vector<512x128xf32>
    %add3A_360 = arith.addf %mul3A_357, %add3A_359 : vector<512x128xf32>
    %slice3A_361 = vector.extract_strided_slice %add3A_352 {offsets = [0, 128], sizes = [512, 128], strides = [1, 1]} : vector<512x512xf32> to vector<512x128xf32>
    %tanh3A_362 = math.tanh %slice3A_361 : vector<512x128xf32>
    %mul3A_363 = arith.constant 5.000000e-01 : f32
    %mul3A_364 = vector.broadcast %mul3A_363 : f32 to vector<512x128xf32>
    %mul3A_365 = arith.mulf %mul3A_364, %tanh3A_362 : vector<512x128xf32>
    %add3A_366 = arith.constant 5.000000e-01 : f32
    %add3A_367 = vector.broadcast %add3A_366 : f32 to vector<512x128xf32>
    %add3A_368 = arith.addf %mul3A_365, %add3A_367 : vector<512x128xf32>
    %slice3A_369 = vector.extract_strided_slice %add3A_352 {offsets = [0, 256], sizes = [512, 128], strides = [1, 1]} : vector<512x512xf32> to vector<512x128xf32>
    %tanh3A_370 = math.tanh %slice3A_369 : vector<512x128xf32>
    %slice3A_371 = vector.extract_strided_slice %add3A_352 {offsets = [0, 384], sizes = [512, 128], strides = [1, 1]} : vector<512x512xf32> to vector<512x128xf32>
    %tanh3A_372 = math.tanh %slice3A_371 : vector<512x128xf32>
    %mul3A_373 = arith.constant 5.000000e-01 : f32
    %mul3A_374 = vector.broadcast %mul3A_373 : f32 to vector<512x128xf32>
    %mul3A_375 = arith.mulf %mul3A_374, %tanh3A_372 : vector<512x128xf32>
    %add3A_376 = arith.constant 5.000000e-01 : f32
    %add3A_377 = vector.broadcast %add3A_376 : f32 to vector<512x128xf32>
    %add3A_378 = arith.addf %mul3A_375, %add3A_377 : vector<512x128xf32>
    %mul3A_379 = arith.mulf %add3A_368, %get3A_342 : vector<512x128xf32>
    %mul3A_380 = arith.mulf %add3A_360, %tanh3A_370 : vector<512x128xf32>
    %add3A_381 = arith.addf %mul3A_379, %mul3A_380 : vector<512x128xf32>
    %tanh3A_382 = math.tanh %add3A_381 : vector<512x128xf32>
    %mul3A_383 = arith.mulf %add3A_378, %tanh3A_382 : vector<512x128xf32>
    %swap3A_384 = arith.constant 512 : index
    %swap3A_385 = arith.constant 0 : index
    %swap3A_386 = vector.load %arg10[%swap3A_384, %swap3A_385] : memref<1024x128xf32, #tpu.memory_space<vmem>>, vector<512x128xf32>
    tpu.vector_store %arg10[%swap3A_384, %swap3A_385], %mul3A_383 {strides = array<i32>} : memref<1024x128xf32, #tpu.memory_space<vmem>>, vector<512x128xf32>,
    %swap3A_387 = arith.constant 512 : index
    %swap3A_388 = arith.constant 0 : index
    %swap3A_389 = vector.load %arg11[%swap3A_387, %swap3A_388] : memref<1024x128xf32, #tpu.memory_space<vmem>>, vector<512x128xf32>
    tpu.vector_store %arg11[%swap3A_387, %swap3A_388], %add3A_381 {strides = array<i32>} : memref<1024x128xf32, #tpu.memory_space<vmem>>, vector<512x128xf32>,
    %get3A_390 = arith.constant 3 : index
    %get3A_391 = arith.constant 0 : index
    %get3A_392 = arith.constant 0 : index
    %get3A_393 = vector.load %arg1[%get3A_390, %get3A_391, %get3A_392] : memref<8x1024x128xbf16, #tpu.memory_space<vmem>>, vector<1x512x128xbf16>
    %get3A_394 = vector.shape_cast %get3A_393 : vector<1x512x128xbf16> to vector<512x128xbf16>
    %get3A_395 = arith.constant 3 : index
    %get3A_396 = arith.constant 0 : index
    %get3A_397 = arith.constant 0 : index
    %get3A_398 = vector.load %arg2[%get3A_395, %get3A_396, %get3A_397] : memref<8x1024x128xbf16, #tpu.memory_space<vmem>>, vector<1x512x128xbf16>
    %get3A_399 = vector.shape_cast %get3A_398 : vector<1x512x128xbf16> to vector<512x128xbf16>
    %concatenate3A_400 = tpu.concatenate %get3A_394, %get3A_399 in 1 : vector<512x128xbf16>, vector<512x128xbf16> -> vector<512x256xbf16>
    %get3A_401 = arith.constant 0 : index
    %get3A_402 = arith.constant 0 : index
    %get3A_403 = vector.load %arg10[%get3A_401, %get3A_402] : memref<1024x128xf32, #tpu.memory_space<vmem>>, vector<512x128xf32>
    %convert_element_type3A_404 = arith.truncf %get3A_403 : vector<512x128xf32> to vector<512x128xbf16>
    %concatenate3A_405 = tpu.concatenate %concatenate3A_400, %convert_element_type3A_404 in 1 : vector<512x256xbf16>, vector<512x128xbf16> -> vector<512x384xbf16>
    %get3A_406 = arith.constant 0 : index
    %get3A_407 = arith.constant 0 : index
    %get3A_408 = vector.load %arg11[%get3A_406, %get3A_407] : memref<1024x128xf32, #tpu.memory_space<vmem>>, vector<512x128xf32>
    %get3A_409 = arith.constant 0 : index
    %get3A_410 = arith.constant 0 : index
    %get3A_411 = vector.load %arg3[%get3A_409, %get3A_410] : memref<384x512xbf16, #tpu.memory_space<vmem>>, vector<384x512xbf16>
    %dot_general3A_412 = arith.constant dense<0.000000e+00> : vector<512x512xf32>
    %dot_general3A_413 = tpu.matmul %concatenate3A_405, %get3A_411, %dot_general3A_412 {dimension_numbers = #tpu.dot_dimension_numbers<[1], [0], [0], [1], [0, 0, 1, 1], [], []>, transpose_lhs_hint = false} : vector<512x384xbf16>, vector<384x512xbf16>, vector<512x512xf32> -> vector<512x512xf32>
    %get3A_414 = arith.constant 0 : index
    %get3A_415 = arith.constant 0 : index
    %get3A_416 = vector.load %arg4[%get3A_414, %get3A_415] : memref<1x512xf32, #tpu.memory_space<vmem>>, vector<1x512xf32>
    %add3A_417 = vector.broadcast %get3A_416 : vector<1x512xf32> to vector<512x512xf32>
    %add3A_418 = arith.addf %dot_general3A_413, %add3A_417 : vector<512x512xf32>
    %slice3A_419 = vector.extract_strided_slice %add3A_418 {offsets = [0, 0], sizes = [512, 128], strides = [1, 1]} : vector<512x512xf32> to vector<512x128xf32>
    %tanh3A_420 = math.tanh %slice3A_419 : vector<512x128xf32>
    %mul3A_421 = arith.constant 5.000000e-01 : f32
    %mul3A_422 = vector.broadcast %mul3A_421 : f32 to vector<512x128xf32>
    %mul3A_423 = arith.mulf %mul3A_422, %tanh3A_420 : vector<512x128xf32>
    %add3A_424 = arith.constant 5.000000e-01 : f32
    %add3A_425 = vector.broadcast %add3A_424 : f32 to vector<512x128xf32>
    %add3A_426 = arith.addf %mul3A_423, %add3A_425 : vector<512x128xf32>
    %slice3A_427 = vector.extract_strided_slice %add3A_418 {offsets = [0, 128], sizes = [512, 128], strides = [1, 1]} : vector<512x512xf32> to vector<512x128xf32>
    %tanh3A_428 = math.tanh %slice3A_427 : vector<512x128xf32>
    %mul3A_429 = arith.constant 5.000000e-01 : f32
    %mul3A_430 = vector.broadcast %mul3A_429 : f32 to vector<512x128xf32>
    %mul3A_431 = arith.mulf %mul3A_430, %tanh3A_428 : vector<512x128xf32>
    %add3A_432 = arith.constant 5.000000e-01 : f32
    %add3A_433 = vector.broadcast %add3A_432 : f32 to vector<512x128xf32>
    %add3A_434 = arith.addf %mul3A_431, %add3A_433 : vector<512x128xf32>
    %slice3A_435 = vector.extract_strided_slice %add3A_418 {offsets = [0, 256], sizes = [512, 128], strides = [1, 1]} : vector<512x512xf32> to vector<512x128xf32>
    %tanh3A_436 = math.tanh %slice3A_435 : vector<512x128xf32>
    %slice3A_437 = vector.extract_strided_slice %add3A_418 {offsets = [0, 384], sizes = [512, 128], strides = [1, 1]} : vector<512x512xf32> to vector<512x128xf32>
    %tanh3A_438 = math.tanh %slice3A_437 : vector<512x128xf32>
    %mul3A_439 = arith.constant 5.000000e-01 : f32
    %mul3A_440 = vector.broadcast %mul3A_439 : f32 to vector<512x128xf32>
    %mul3A_441 = arith.mulf %mul3A_440, %tanh3A_438 : vector<512x128xf32>
    %add3A_442 = arith.constant 5.000000e-01 : f32
    %add3A_443 = vector.broadcast %add3A_442 : f32 to vector<512x128xf32>
    %add3A_444 = arith.addf %mul3A_441, %add3A_443 : vector<512x128xf32>
    %mul3A_445 = arith.mulf %add3A_434, %get3A_408 : vector<512x128xf32>
    %mul3A_446 = arith.mulf %add3A_426, %tanh3A_436 : vector<512x128xf32>
    %add3A_447 = arith.addf %mul3A_445, %mul3A_446 : vector<512x128xf32>
    %tanh3A_448 = math.tanh %add3A_447 : vector<512x128xf32>
    %mul3A_449 = arith.mulf %add3A_444, %tanh3A_448 : vector<512x128xf32>
    %swap3A_450 = arith.constant 0 : index
    %swap3A_451 = arith.constant 0 : index
    %swap3A_452 = vector.load %arg10[%swap3A_450, %swap3A_451] : memref<1024x128xf32, #tpu.memory_space<vmem>>, vector<512x128xf32>
    tpu.vector_store %arg10[%swap3A_450, %swap3A_451], %mul3A_449 {strides = array<i32>} : memref<1024x128xf32, #tpu.memory_space<vmem>>, vector<512x128xf32>,
    %swap3A_453 = arith.constant 0 : index
    %swap3A_454 = arith.constant 0 : index
    %swap3A_455 = vector.load %arg11[%swap3A_453, %swap3A_454] : memref<1024x128xf32, #tpu.memory_space<vmem>>, vector<512x128xf32>
    tpu.vector_store %arg11[%swap3A_453, %swap3A_454], %add3A_447 {strides = array<i32>} : memref<1024x128xf32, #tpu.memory_space<vmem>>, vector<512x128xf32>,
    %get3A_456 = arith.constant 3 : index
    %get3A_457 = arith.constant 512 : index
    %get3A_458 = arith.constant 0 : index
    %get3A_459 = vector.load %arg1[%get3A_456, %get3A_457, %get3A_458] : memref<8x1024x128xbf16, #tpu.memory_space<vmem>>, vector<1x512x128xbf16>
    %get3A_460 = vector.shape_cast %get3A_459 : vector<1x512x128xbf16> to vector<512x128xbf16>
    %get3A_461 = arith.constant 3 : index
    %get3A_462 = arith.constant 512 : index
    %get3A_463 = arith.constant 0 : index
    %get3A_464 = vector.load %arg2[%get3A_461, %get3A_462, %get3A_463] : memref<8x1024x128xbf16, #tpu.memory_space<vmem>>, vector<1x512x128xbf16>
    %get3A_465 = vector.shape_cast %get3A_464 : vector<1x512x128xbf16> to vector<512x128xbf16>
    %concatenate3A_466 = tpu.concatenate %get3A_460, %get3A_465 in 1 : vector<512x128xbf16>, vector<512x128xbf16> -> vector<512x256xbf16>
    %get3A_467 = arith.constant 512 : index
    %get3A_468 = arith.constant 0 : index
    %get3A_469 = vector.load %arg10[%get3A_467, %get3A_468] : memref<1024x128xf32, #tpu.memory_space<vmem>>, vector<512x128xf32>
    %convert_element_type3A_470 = arith.truncf %get3A_469 : vector<512x128xf32> to vector<512x128xbf16>
    %concatenate3A_471 = tpu.concatenate %concatenate3A_466, %convert_element_type3A_470 in 1 : vector<512x256xbf16>, vector<512x128xbf16> -> vector<512x384xbf16>
    %get3A_472 = arith.constant 512 : index
    %get3A_473 = arith.constant 0 : index
    %get3A_474 = vector.load %arg11[%get3A_472, %get3A_473] : memref<1024x128xf32, #tpu.memory_space<vmem>>, vector<512x128xf32>
    %get3A_475 = arith.constant 0 : index
    %get3A_476 = arith.constant 0 : index
    %get3A_477 = vector.load %arg3[%get3A_475, %get3A_476] : memref<384x512xbf16, #tpu.memory_space<vmem>>, vector<384x512xbf16>
    %dot_general3A_478 = arith.constant dense<0.000000e+00> : vector<512x512xf32>
    %dot_general3A_479 = tpu.matmul %concatenate3A_471, %get3A_477, %dot_general3A_478 {dimension_numbers = #tpu.dot_dimension_numbers<[1], [0], [0], [1], [0, 0, 1, 1], [], []>, transpose_lhs_hint = false} : vector<512x384xbf16>, vector<384x512xbf16>, vector<512x512xf32> -> vector<512x512xf32>
    %get3A_480 = arith.constant 0 : index
    %get3A_481 = arith.constant 0 : index
    %get3A_482 = vector.load %arg4[%get3A_480, %get3A_481] : memref<1x512xf32, #tpu.memory_space<vmem>>, vector<1x512xf32>
    %add3A_483 = vector.broadcast %get3A_482 : vector<1x512xf32> to vector<512x512xf32>
    %add3A_484 = arith.addf %dot_general3A_479, %add3A_483 : vector<512x512xf32>
    %slice3A_485 = vector.extract_strided_slice %add3A_484 {offsets = [0, 0], sizes = [512, 128], strides = [1, 1]} : vector<512x512xf32> to vector<512x128xf32>
    %tanh3A_486 = math.tanh %slice3A_485 : vector<512x128xf32>
    %mul3A_487 = arith.constant 5.000000e-01 : f32
    %mul3A_488 = vector.broadcast %mul3A_487 : f32 to vector<512x128xf32>
    %mul3A_489 = arith.mulf %mul3A_488, %tanh3A_486 : vector<512x128xf32>
    %add3A_490 = arith.constant 5.000000e-01 : f32
    %add3A_491 = vector.broadcast %add3A_490 : f32 to vector<512x128xf32>
    %add3A_492 = arith.addf %mul3A_489, %add3A_491 : vector<512x128xf32>
    %slice3A_493 = vector.extract_strided_slice %add3A_484 {offsets = [0, 128], sizes = [512, 128], strides = [1, 1]} : vector<512x512xf32> to vector<512x128xf32>
    %tanh3A_494 = math.tanh %slice3A_493 : vector<512x128xf32>
    %mul3A_495 = arith.constant 5.000000e-01 : f32
    %mul3A_496 = vector.broadcast %mul3A_495 : f32 to vector<512x128xf32>
    %mul3A_497 = arith.mulf %mul3A_496, %tanh3A_494 : vector<512x128xf32>
    %add3A_498 = arith.constant 5.000000e-01 : f32
    %add3A_499 = vector.broadcast %add3A_498 : f32 to vector<512x128xf32>
    %add3A_500 = arith.addf %mul3A_497, %add3A_499 : vector<512x128xf32>
    %slice3A_501 = vector.extract_strided_slice %add3A_484 {offsets = [0, 256], sizes = [512, 128], strides = [1, 1]} : vector<512x512xf32> to vector<512x128xf32>
    %tanh3A_502 = math.tanh %slice3A_501 : vector<512x128xf32>
    %slice3A_503 = vector.extract_strided_slice %add3A_484 {offsets = [0, 384], sizes = [512, 128], strides = [1, 1]} : vector<512x512xf32> to vector<512x128xf32>
    %tanh3A_504 = math.tanh %slice3A_503 : vector<512x128xf32>
    %mul3A_505 = arith.constant 5.000000e-01 : f32
    %mul3A_506 = vector.broadcast %mul3A_505 : f32 to vector<512x128xf32>
    %mul3A_507 = arith.mulf %mul3A_506, %tanh3A_504 : vector<512x128xf32>
    %add3A_508 = arith.constant 5.000000e-01 : f32
    %add3A_509 = vector.broadcast %add3A_508 : f32 to vector<512x128xf32>
    %add3A_510 = arith.addf %mul3A_507, %add3A_509 : vector<512x128xf32>
    %mul3A_511 = arith.mulf %add3A_500, %get3A_474 : vector<512x128xf32>
    %mul3A_512 = arith.mulf %add3A_492, %tanh3A_502 : vector<512x128xf32>
    %add3A_513 = arith.addf %mul3A_511, %mul3A_512 : vector<512x128xf32>
    %tanh3A_514 = math.tanh %add3A_513 : vector<512x128xf32>
    %mul3A_515 = arith.mulf %add3A_510, %tanh3A_514 : vector<512x128xf32>
    %swap3A_516 = arith.constant 512 : index
    %swap3A_517 = arith.constant 0 : index
    %swap3A_518 = vector.load %arg10[%swap3A_516, %swap3A_517] : memref<1024x128xf32, #tpu.memory_space<vmem>>, vector<512x128xf32>
    tpu.vector_store %arg10[%swap3A_516, %swap3A_517], %mul3A_515 {strides = array<i32>} : memref<1024x128xf32, #tpu.memory_space<vmem>>, vector<512x128xf32>,
    %swap3A_519 = arith.constant 512 : index
    %swap3A_520 = arith.constant 0 : index
    %swap3A_521 = vector.load %arg11[%swap3A_519, %swap3A_520] : memref<1024x128xf32, #tpu.memory_space<vmem>>, vector<512x128xf32>
    tpu.vector_store %arg11[%swap3A_519, %swap3A_520], %add3A_513 {strides = array<i32>} : memref<1024x128xf32, #tpu.memory_space<vmem>>, vector<512x128xf32>,
    %get3A_522 = arith.constant 4 : index
    %get3A_523 = arith.constant 0 : index
    %get3A_524 = arith.constant 0 : index
    %get3A_525 = vector.load %arg1[%get3A_522, %get3A_523, %get3A_524] : memref<8x1024x128xbf16, #tpu.memory_space<vmem>>, vector<1x512x128xbf16>
    %get3A_526 = vector.shape_cast %get3A_525 : vector<1x512x128xbf16> to vector<512x128xbf16>
    %get3A_527 = arith.constant 4 : index
    %get3A_528 = arith.constant 0 : index
    %get3A_529 = arith.constant 0 : index
    %get3A_530 = vector.load %arg2[%get3A_527, %get3A_528, %get3A_529] : memref<8x1024x128xbf16, #tpu.memory_space<vmem>>, vector<1x512x128xbf16>
    %get3A_531 = vector.shape_cast %get3A_530 : vector<1x512x128xbf16> to vector<512x128xbf16>
    %concatenate3A_532 = tpu.concatenate %get3A_526, %get3A_531 in 1 : vector<512x128xbf16>, vector<512x128xbf16> -> vector<512x256xbf16>
    %get3A_533 = arith.constant 0 : index
    %get3A_534 = arith.constant 0 : index
    %get3A_535 = vector.load %arg10[%get3A_533, %get3A_534] : memref<1024x128xf32, #tpu.memory_space<vmem>>, vector<512x128xf32>
    %convert_element_type3A_536 = arith.truncf %get3A_535 : vector<512x128xf32> to vector<512x128xbf16>
    %concatenate3A_537 = tpu.concatenate %concatenate3A_532, %convert_element_type3A_536 in 1 : vector<512x256xbf16>, vector<512x128xbf16> -> vector<512x384xbf16>
    %get3A_538 = arith.constant 0 : index
    %get3A_539 = arith.constant 0 : index
    %get3A_540 = vector.load %arg11[%get3A_538, %get3A_539] : memref<1024x128xf32, #tpu.memory_space<vmem>>, vector<512x128xf32>
    %get3A_541 = arith.constant 0 : index
    %get3A_542 = arith.constant 0 : index
    %get3A_543 = vector.load %arg3[%get3A_541, %get3A_542] : memref<384x512xbf16, #tpu.memory_space<vmem>>, vector<384x512xbf16>
    %dot_general3A_544 = arith.constant dense<0.000000e+00> : vector<512x512xf32>
    %dot_general3A_545 = tpu.matmul %concatenate3A_537, %get3A_543, %dot_general3A_544 {dimension_numbers = #tpu.dot_dimension_numbers<[1], [0], [0], [1], [0, 0, 1, 1], [], []>, transpose_lhs_hint = false} : vector<512x384xbf16>, vector<384x512xbf16>, vector<512x512xf32> -> vector<512x512xf32>
    %get3A_546 = arith.constant 0 : index
    %get3A_547 = arith.constant 0 : index
    %get3A_548 = vector.load %arg4[%get3A_546, %get3A_547] : memref<1x512xf32, #tpu.memory_space<vmem>>, vector<1x512xf32>
    %add3A_549 = vector.broadcast %get3A_548 : vector<1x512xf32> to vector<512x512xf32>
    %add3A_550 = arith.addf %dot_general3A_545, %add3A_549 : vector<512x512xf32>
    %slice3A_551 = vector.extract_strided_slice %add3A_550 {offsets = [0, 0], sizes = [512, 128], strides = [1, 1]} : vector<512x512xf32> to vector<512x128xf32>
    %tanh3A_552 = math.tanh %slice3A_551 : vector<512x128xf32>
    %mul3A_553 = arith.constant 5.000000e-01 : f32
    %mul3A_554 = vector.broadcast %mul3A_553 : f32 to vector<512x128xf32>
    %mul3A_555 = arith.mulf %mul3A_554, %tanh3A_552 : vector<512x128xf32>
    %add3A_556 = arith.constant 5.000000e-01 : f32
    %add3A_557 = vector.broadcast %add3A_556 : f32 to vector<512x128xf32>
    %add3A_558 = arith.addf %mul3A_555, %add3A_557 : vector<512x128xf32>
    %slice3A_559 = vector.extract_strided_slice %add3A_550 {offsets = [0, 128], sizes = [512, 128], strides = [1, 1]} : vector<512x512xf32> to vector<512x128xf32>
    %tanh3A_560 = math.tanh %slice3A_559 : vector<512x128xf32>
    %mul3A_561 = arith.constant 5.000000e-01 : f32
    %mul3A_562 = vector.broadcast %mul3A_561 : f32 to vector<512x128xf32>
    %mul3A_563 = arith.mulf %mul3A_562, %tanh3A_560 : vector<512x128xf32>
    %add3A_564 = arith.constant 5.000000e-01 : f32
    %add3A_565 = vector.broadcast %add3A_564 : f32 to vector<512x128xf32>
    %add3A_566 = arith.addf %mul3A_563, %add3A_565 : vector<512x128xf32>
    %slice3A_567 = vector.extract_strided_slice %add3A_550 {offsets = [0, 256], sizes = [512, 128], strides = [1, 1]} : vector<512x512xf32> to vector<512x128xf32>
    %tanh3A_568 = math.tanh %slice3A_567 : vector<512x128xf32>
    %slice3A_569 = vector.extract_strided_slice %add3A_550 {offsets = [0, 384], sizes = [512, 128], strides = [1, 1]} : vector<512x512xf32> to vector<512x128xf32>
    %tanh3A_570 = math.tanh %slice3A_569 : vector<512x128xf32>
    %mul3A_571 = arith.constant 5.000000e-01 : f32
    %mul3A_572 = vector.broadcast %mul3A_571 : f32 to vector<512x128xf32>
    %mul3A_573 = arith.mulf %mul3A_572, %tanh3A_570 : vector<512x128xf32>
    %add3A_574 = arith.constant 5.000000e-01 : f32
    %add3A_575 = vector.broadcast %add3A_574 : f32 to vector<512x128xf32>
    %add3A_576 = arith.addf %mul3A_573, %add3A_575 : vector<512x128xf32>
    %mul3A_577 = arith.mulf %add3A_566, %get3A_540 : vector<512x128xf32>
    %mul3A_578 = arith.mulf %add3A_558, %tanh3A_568 : vector<512x128xf32>
    %add3A_579 = arith.addf %mul3A_577, %mul3A_578 : vector<512x128xf32>
    %tanh3A_580 = math.tanh %add3A_579 : vector<512x128xf32>
    %mul3A_581 = arith.mulf %add3A_576, %tanh3A_580 : vector<512x128xf32>
    %swap3A_582 = arith.constant 0 : index
    %swap3A_583 = arith.constant 0 : index
    %swap3A_584 = vector.load %arg10[%swap3A_582, %swap3A_583] : memref<1024x128xf32, #tpu.memory_space<vmem>>, vector<512x128xf32>
    tpu.vector_store %arg10[%swap3A_582, %swap3A_583], %mul3A_581 {strides = array<i32>} : memref<1024x128xf32, #tpu.memory_space<vmem>>, vector<512x128xf32>,
    %swap3A_585 = arith.constant 0 : index
    %swap3A_586 = arith.constant 0 : index
    %swap3A_587 = vector.load %arg11[%swap3A_585, %swap3A_586] : memref<1024x128xf32, #tpu.memory_space<vmem>>, vector<512x128xf32>
    tpu.vector_store %arg11[%swap3A_585, %swap3A_586], %add3A_579 {strides = array<i32>} : memref<1024x128xf32, #tpu.memory_space<vmem>>, vector<512x128xf32>,
    %get3A_588 = arith.constant 4 : index
    %get3A_589 = arith.constant 512 : index
    %get3A_590 = arith.constant 0 : index
    %get3A_591 = vector.load %arg1[%get3A_588, %get3A_589, %get3A_590] : memref<8x1024x128xbf16, #tpu.memory_space<vmem>>, vector<1x512x128xbf16>
    %get3A_592 = vector.shape_cast %get3A_591 : vector<1x512x128xbf16> to vector<512x128xbf16>
    %get3A_593 = arith.constant 4 : index
    %get3A_594 = arith.constant 512 : index
    %get3A_595 = arith.constant 0 : index
    %get3A_596 = vector.load %arg2[%get3A_593, %get3A_594, %get3A_595] : memref<8x1024x128xbf16, #tpu.memory_space<vmem>>, vector<1x512x128xbf16>
    %get3A_597 = vector.shape_cast %get3A_596 : vector<1x512x128xbf16> to vector<512x128xbf16>
    %concatenate3A_598 = tpu.concatenate %get3A_592, %get3A_597 in 1 : vector<512x128xbf16>, vector<512x128xbf16> -> vector<512x256xbf16>
    %get3A_599 = arith.constant 512 : index
    %get3A_600 = arith.constant 0 : index
    %get3A_601 = vector.load %arg10[%get3A_599, %get3A_600] : memref<1024x128xf32, #tpu.memory_space<vmem>>, vector<512x128xf32>
    %convert_element_type3A_602 = arith.truncf %get3A_601 : vector<512x128xf32> to vector<512x128xbf16>
    %concatenate3A_603 = tpu.concatenate %concatenate3A_598, %convert_element_type3A_602 in 1 : vector<512x256xbf16>, vector<512x128xbf16> -> vector<512x384xbf16>
    %get3A_604 = arith.constant 512 : index
    %get3A_605 = arith.constant 0 : index
    %get3A_606 = vector.load %arg11[%get3A_604, %get3A_605] : memref<1024x128xf32, #tpu.memory_space<vmem>>, vector<512x128xf32>
    %get3A_607 = arith.constant 0 : index
    %get3A_608 = arith.constant 0 : index
    %get3A_609 = vector.load %arg3[%get3A_607, %get3A_608] : memref<384x512xbf16, #tpu.memory_space<vmem>>, vector<384x512xbf16>
    %dot_general3A_610 = arith.constant dense<0.000000e+00> : vector<512x512xf32>
    %dot_general3A_611 = tpu.matmul %concatenate3A_603, %get3A_609, %dot_general3A_610 {dimension_numbers = #tpu.dot_dimension_numbers<[1], [0], [0], [1], [0, 0, 1, 1], [], []>, transpose_lhs_hint = false} : vector<512x384xbf16>, vector<384x512xbf16>, vector<512x512xf32> -> vector<512x512xf32>
    %get3A_612 = arith.constant 0 : index
    %get3A_613 = arith.constant 0 : index
    %get3A_614 = vector.load %arg4[%get3A_612, %get3A_613] : memref<1x512xf32, #tpu.memory_space<vmem>>, vector<1x512xf32>
    %add3A_615 = vector.broadcast %get3A_614 : vector<1x512xf32> to vector<512x512xf32>
    %add3A_616 = arith.addf %dot_general3A_611, %add3A_615 : vector<512x512xf32>
    %slice3A_617 = vector.extract_strided_slice %add3A_616 {offsets = [0, 0], sizes = [512, 128], strides = [1, 1]} : vector<512x512xf32> to vector<512x128xf32>
    %tanh3A_618 = math.tanh %slice3A_617 : vector<512x128xf32>
    %mul3A_619 = arith.constant 5.000000e-01 : f32
    %mul3A_620 = vector.broadcast %mul3A_619 : f32 to vector<512x128xf32>
    %mul3A_621 = arith.mulf %mul3A_620, %tanh3A_618 : vector<512x128xf32>
    %add3A_622 = arith.constant 5.000000e-01 : f32
    %add3A_623 = vector.broadcast %add3A_622 : f32 to vector<512x128xf32>
    %add3A_624 = arith.addf %mul3A_621, %add3A_623 : vector<512x128xf32>
    %slice3A_625 = vector.extract_strided_slice %add3A_616 {offsets = [0, 128], sizes = [512, 128], strides = [1, 1]} : vector<512x512xf32> to vector<512x128xf32>
    %tanh3A_626 = math.tanh %slice3A_625 : vector<512x128xf32>
    %mul3A_627 = arith.constant 5.000000e-01 : f32
    %mul3A_628 = vector.broadcast %mul3A_627 : f32 to vector<512x128xf32>
    %mul3A_629 = arith.mulf %mul3A_628, %tanh3A_626 : vector<512x128xf32>
    %add3A_630 = arith.constant 5.000000e-01 : f32
    %add3A_631 = vector.broadcast %add3A_630 : f32 to vector<512x128xf32>
    %add3A_632 = arith.addf %mul3A_629, %add3A_631 : vector<512x128xf32>
    %slice3A_633 = vector.extract_strided_slice %add3A_616 {offsets = [0, 256], sizes = [512, 128], strides = [1, 1]} : vector<512x512xf32> to vector<512x128xf32>
    %tanh3A_634 = math.tanh %slice3A_633 : vector<512x128xf32>
    %slice3A_635 = vector.extract_strided_slice %add3A_616 {offsets = [0, 384], sizes = [512, 128], strides = [1, 1]} : vector<512x512xf32> to vector<512x128xf32>
    %tanh3A_636 = math.tanh %slice3A_635 : vector<512x128xf32>
    %mul3A_637 = arith.constant 5.000000e-01 : f32
    %mul3A_638 = vector.broadcast %mul3A_637 : f32 to vector<512x128xf32>
    %mul3A_639 = arith.mulf %mul3A_638, %tanh3A_636 : vector<512x128xf32>
    %add3A_640 = arith.constant 5.000000e-01 : f32
    %add3A_641 = vector.broadcast %add3A_640 : f32 to vector<512x128xf32>
    %add3A_642 = arith.addf %mul3A_639, %add3A_641 : vector<512x128xf32>
    %mul3A_643 = arith.mulf %add3A_632, %get3A_606 : vector<512x128xf32>
    %mul3A_644 = arith.mulf %add3A_624, %tanh3A_634 : vector<512x128xf32>
    %add3A_645 = arith.addf %mul3A_643, %mul3A_644 : vector<512x128xf32>
    %tanh3A_646 = math.tanh %add3A_645 : vector<512x128xf32>
    %mul3A_647 = arith.mulf %add3A_642, %tanh3A_646 : vector<512x128xf32>
    %swap3A_648 = arith.constant 512 : index
    %swap3A_649 = arith.constant 0 : index
    %swap3A_650 = vector.load %arg10[%swap3A_648, %swap3A_649] : memref<1024x128xf32, #tpu.memory_space<vmem>>, vector<512x128xf32>
    tpu.vector_store %arg10[%swap3A_648, %swap3A_649], %mul3A_647 {strides = array<i32>} : memref<1024x128xf32, #tpu.memory_space<vmem>>, vector<512x128xf32>,
    %swap3A_651 = arith.constant 512 : index
    %swap3A_652 = arith.constant 0 : index
    %swap3A_653 = vector.load %arg11[%swap3A_651, %swap3A_652] : memref<1024x128xf32, #tpu.memory_space<vmem>>, vector<512x128xf32>
    tpu.vector_store %arg11[%swap3A_651, %swap3A_652], %add3A_645 {strides = array<i32>} : memref<1024x128xf32, #tpu.memory_space<vmem>>, vector<512x128xf32>,
    %get3A_654 = arith.constant 5 : index
    %get3A_655 = arith.constant 0 : index
    %get3A_656 = arith.constant 0 : index
    %get3A_657 = vector.load %arg1[%get3A_654, %get3A_655, %get3A_656] : memref<8x1024x128xbf16, #tpu.memory_space<vmem>>, vector<1x512x128xbf16>
    %get3A_658 = vector.shape_cast %get3A_657 : vector<1x512x128xbf16> to vector<512x128xbf16>
    %get3A_659 = arith.constant 5 : index
    %get3A_660 = arith.constant 0 : index
    %get3A_661 = arith.constant 0 : index
    %get3A_662 = vector.load %arg2[%get3A_659, %get3A_660, %get3A_661] : memref<8x1024x128xbf16, #tpu.memory_space<vmem>>, vector<1x512x128xbf16>
    %get3A_663 = vector.shape_cast %get3A_662 : vector<1x512x128xbf16> to vector<512x128xbf16>
    %concatenate3A_664 = tpu.concatenate %get3A_658, %get3A_663 in 1 : vector<512x128xbf16>, vector<512x128xbf16> -> vector<512x256xbf16>
    %get3A_665 = arith.constant 0 : index
    %get3A_666 = arith.constant 0 : index
    %get3A_667 = vector.load %arg10[%get3A_665, %get3A_666] : memref<1024x128xf32, #tpu.memory_space<vmem>>, vector<512x128xf32>
    %convert_element_type3A_668 = arith.truncf %get3A_667 : vector<512x128xf32> to vector<512x128xbf16>
    %concatenate3A_669 = tpu.concatenate %concatenate3A_664, %convert_element_type3A_668 in 1 : vector<512x256xbf16>, vector<512x128xbf16> -> vector<512x384xbf16>
    %get3A_670 = arith.constant 0 : index
    %get3A_671 = arith.constant 0 : index
    %get3A_672 = vector.load %arg11[%get3A_670, %get3A_671] : memref<1024x128xf32, #tpu.memory_space<vmem>>, vector<512x128xf32>
    %get3A_673 = arith.constant 0 : index
    %get3A_674 = arith.constant 0 : index
    %get3A_675 = vector.load %arg3[%get3A_673, %get3A_674] : memref<384x512xbf16, #tpu.memory_space<vmem>>, vector<384x512xbf16>
    %dot_general3A_676 = arith.constant dense<0.000000e+00> : vector<512x512xf32>
    %dot_general3A_677 = tpu.matmul %concatenate3A_669, %get3A_675, %dot_general3A_676 {dimension_numbers = #tpu.dot_dimension_numbers<[1], [0], [0], [1], [0, 0, 1, 1], [], []>, transpose_lhs_hint = false} : vector<512x384xbf16>, vector<384x512xbf16>, vector<512x512xf32> -> vector<512x512xf32>
    %get3A_678 = arith.constant 0 : index
    %get3A_679 = arith.constant 0 : index
    %get3A_680 = vector.load %arg4[%get3A_678, %get3A_679] : memref<1x512xf32, #tpu.memory_space<vmem>>, vector<1x512xf32>
    %add3A_681 = vector.broadcast %get3A_680 : vector<1x512xf32> to vector<512x512xf32>
    %add3A_682 = arith.addf %dot_general3A_677, %add3A_681 : vector<512x512xf32>
    %slice3A_683 = vector.extract_strided_slice %add3A_682 {offsets = [0, 0], sizes = [512, 128], strides = [1, 1]} : vector<512x512xf32> to vector<512x128xf32>
    %tanh3A_684 = math.tanh %slice3A_683 : vector<512x128xf32>
    %mul3A_685 = arith.constant 5.000000e-01 : f32
    %mul3A_686 = vector.broadcast %mul3A_685 : f32 to vector<512x128xf32>
    %mul3A_687 = arith.mulf %mul3A_686, %tanh3A_684 : vector<512x128xf32>
    %add3A_688 = arith.constant 5.000000e-01 : f32
    %add3A_689 = vector.broadcast %add3A_688 : f32 to vector<512x128xf32>
    %add3A_690 = arith.addf %mul3A_687, %add3A_689 : vector<512x128xf32>
    %slice3A_691 = vector.extract_strided_slice %add3A_682 {offsets = [0, 128], sizes = [512, 128], strides = [1, 1]} : vector<512x512xf32> to vector<512x128xf32>
    %tanh3A_692 = math.tanh %slice3A_691 : vector<512x128xf32>
    %mul3A_693 = arith.constant 5.000000e-01 : f32
    %mul3A_694 = vector.broadcast %mul3A_693 : f32 to vector<512x128xf32>
    %mul3A_695 = arith.mulf %mul3A_694, %tanh3A_692 : vector<512x128xf32>
    %add3A_696 = arith.constant 5.000000e-01 : f32
    %add3A_697 = vector.broadcast %add3A_696 : f32 to vector<512x128xf32>
    %add3A_698 = arith.addf %mul3A_695, %add3A_697 : vector<512x128xf32>
    %slice3A_699 = vector.extract_strided_slice %add3A_682 {offsets = [0, 256], sizes = [512, 128], strides = [1, 1]} : vector<512x512xf32> to vector<512x128xf32>
    %tanh3A_700 = math.tanh %slice3A_699 : vector<512x128xf32>
    %slice3A_701 = vector.extract_strided_slice %add3A_682 {offsets = [0, 384], sizes = [512, 128], strides = [1, 1]} : vector<512x512xf32> to vector<512x128xf32>
    %tanh3A_702 = math.tanh %slice3A_701 : vector<512x128xf32>
    %mul3A_703 = arith.constant 5.000000e-01 : f32
    %mul3A_704 = vector.broadcast %mul3A_703 : f32 to vector<512x128xf32>
    %mul3A_705 = arith.mulf %mul3A_704, %tanh3A_702 : vector<512x128xf32>
    %add3A_706 = arith.constant 5.000000e-01 : f32
    %add3A_707 = vector.broadcast %add3A_706 : f32 to vector<512x128xf32>
    %add3A_708 = arith.addf %mul3A_705, %add3A_707 : vector<512x128xf32>
    %mul3A_709 = arith.mulf %add3A_698, %get3A_672 : vector<512x128xf32>
    %mul3A_710 = arith.mulf %add3A_690, %tanh3A_700 : vector<512x128xf32>
    %add3A_711 = arith.addf %mul3A_709, %mul3A_710 : vector<512x128xf32>
    %tanh3A_712 = math.tanh %add3A_711 : vector<512x128xf32>
    %mul3A_713 = arith.mulf %add3A_708, %tanh3A_712 : vector<512x128xf32>
    %swap3A_714 = arith.constant 0 : index
    %swap3A_715 = arith.constant 0 : index
    %swap3A_716 = vector.load %arg10[%swap3A_714, %swap3A_715] : memref<1024x128xf32, #tpu.memory_space<vmem>>, vector<512x128xf32>
    tpu.vector_store %arg10[%swap3A_714, %swap3A_715], %mul3A_713 {strides = array<i32>} : memref<1024x128xf32, #tpu.memory_space<vmem>>, vector<512x128xf32>,
    %swap3A_717 = arith.constant 0 : index
    %swap3A_718 = arith.constant 0 : index
    %swap3A_719 = vector.load %arg11[%swap3A_717, %swap3A_718] : memref<1024x128xf32, #tpu.memory_space<vmem>>, vector<512x128xf32>
    tpu.vector_store %arg11[%swap3A_717, %swap3A_718], %add3A_711 {strides = array<i32>} : memref<1024x128xf32, #tpu.memory_space<vmem>>, vector<512x128xf32>,
    %get3A_720 = arith.constant 5 : index
    %get3A_721 = arith.constant 512 : index
    %get3A_722 = arith.constant 0 : index
    %get3A_723 = vector.load %arg1[%get3A_720, %get3A_721, %get3A_722] : memref<8x1024x128xbf16, #tpu.memory_space<vmem>>, vector<1x512x128xbf16>
    %get3A_724 = vector.shape_cast %get3A_723 : vector<1x512x128xbf16> to vector<512x128xbf16>
    %get3A_725 = arith.constant 5 : index
    %get3A_726 = arith.constant 512 : index
    %get3A_727 = arith.constant 0 : index
    %get3A_728 = vector.load %arg2[%get3A_725, %get3A_726, %get3A_727] : memref<8x1024x128xbf16, #tpu.memory_space<vmem>>, vector<1x512x128xbf16>
    %get3A_729 = vector.shape_cast %get3A_728 : vector<1x512x128xbf16> to vector<512x128xbf16>
    %concatenate3A_730 = tpu.concatenate %get3A_724, %get3A_729 in 1 : vector<512x128xbf16>, vector<512x128xbf16> -> vector<512x256xbf16>
    %get3A_731 = arith.constant 512 : index
    %get3A_732 = arith.constant 0 : index
    %get3A_733 = vector.load %arg10[%get3A_731, %get3A_732] : memref<1024x128xf32, #tpu.memory_space<vmem>>, vector<512x128xf32>
    %convert_element_type3A_734 = arith.truncf %get3A_733 : vector<512x128xf32> to vector<512x128xbf16>
    %concatenate3A_735 = tpu.concatenate %concatenate3A_730, %convert_element_type3A_734 in 1 : vector<512x256xbf16>, vector<512x128xbf16> -> vector<512x384xbf16>
    %get3A_736 = arith.constant 512 : index
    %get3A_737 = arith.constant 0 : index
    %get3A_738 = vector.load %arg11[%get3A_736, %get3A_737] : memref<1024x128xf32, #tpu.memory_space<vmem>>, vector<512x128xf32>
    %get3A_739 = arith.constant 0 : index
    %get3A_740 = arith.constant 0 : index
    %get3A_741 = vector.load %arg3[%get3A_739, %get3A_740] : memref<384x512xbf16, #tpu.memory_space<vmem>>, vector<384x512xbf16>
    %dot_general3A_742 = arith.constant dense<0.000000e+00> : vector<512x512xf32>
    %dot_general3A_743 = tpu.matmul %concatenate3A_735, %get3A_741, %dot_general3A_742 {dimension_numbers = #tpu.dot_dimension_numbers<[1], [0], [0], [1], [0, 0, 1, 1], [], []>, transpose_lhs_hint = false} : vector<512x384xbf16>, vector<384x512xbf16>, vector<512x512xf32> -> vector<512x512xf32>
    %get3A_744 = arith.constant 0 : index
    %get3A_745 = arith.constant 0 : index
    %get3A_746 = vector.load %arg4[%get3A_744, %get3A_745] : memref<1x512xf32, #tpu.memory_space<vmem>>, vector<1x512xf32>
    %add3A_747 = vector.broadcast %get3A_746 : vector<1x512xf32> to vector<512x512xf32>
    %add3A_748 = arith.addf %dot_general3A_743, %add3A_747 : vector<512x512xf32>
    %slice3A_749 = vector.extract_strided_slice %add3A_748 {offsets = [0, 0], sizes = [512, 128], strides = [1, 1]} : vector<512x512xf32> to vector<512x128xf32>
    %tanh3A_750 = math.tanh %slice3A_749 : vector<512x128xf32>
    %mul3A_751 = arith.constant 5.000000e-01 : f32
    %mul3A_752 = vector.broadcast %mul3A_751 : f32 to vector<512x128xf32>
    %mul3A_753 = arith.mulf %mul3A_752, %tanh3A_750 : vector<512x128xf32>
    %add3A_754 = arith.constant 5.000000e-01 : f32
    %add3A_755 = vector.broadcast %add3A_754 : f32 to vector<512x128xf32>
    %add3A_756 = arith.addf %mul3A_753, %add3A_755 : vector<512x128xf32>
    %slice3A_757 = vector.extract_strided_slice %add3A_748 {offsets = [0, 128], sizes = [512, 128], strides = [1, 1]} : vector<512x512xf32> to vector<512x128xf32>
    %tanh3A_758 = math.tanh %slice3A_757 : vector<512x128xf32>
    %mul3A_759 = arith.constant 5.000000e-01 : f32
    %mul3A_760 = vector.broadcast %mul3A_759 : f32 to vector<512x128xf32>
    %mul3A_761 = arith.mulf %mul3A_760, %tanh3A_758 : vector<512x128xf32>
    %add3A_762 = arith.constant 5.000000e-01 : f32
    %add3A_763 = vector.broadcast %add3A_762 : f32 to vector<512x128xf32>
    %add3A_764 = arith.addf %mul3A_761, %add3A_763 : vector<512x128xf32>
    %slice3A_765 = vector.extract_strided_slice %add3A_748 {offsets = [0, 256], sizes = [512, 128], strides = [1, 1]} : vector<512x512xf32> to vector<512x128xf32>
    %tanh3A_766 = math.tanh %slice3A_765 : vector<512x128xf32>
    %slice3A_767 = vector.extract_strided_slice %add3A_748 {offsets = [0, 384], sizes = [512, 128], strides = [1, 1]} : vector<512x512xf32> to vector<512x128xf32>
    %tanh3A_768 = math.tanh %slice3A_767 : vector<512x128xf32>
    %mul3A_769 = arith.constant 5.000000e-01 : f32
    %mul3A_770 = vector.broadcast %mul3A_769 : f32 to vector<512x128xf32>
    %mul3A_771 = arith.mulf %mul3A_770, %tanh3A_768 : vector<512x128xf32>
    %add3A_772 = arith.constant 5.000000e-01 : f32
    %add3A_773 = vector.broadcast %add3A_772 : f32 to vector<512x128xf32>
    %add3A_774 = arith.addf %mul3A_771, %add3A_773 : vector<512x128xf32>
    %mul3A_775 = arith.mulf %add3A_764, %get3A_738 : vector<512x128xf32>
    %mul3A_776 = arith.mulf %add3A_756, %tanh3A_766 : vector<512x128xf32>
    %add3A_777 = arith.addf %mul3A_775, %mul3A_776 : vector<512x128xf32>
    %tanh3A_778 = math.tanh %add3A_777 : vector<512x128xf32>
    %mul3A_779 = arith.mulf %add3A_774, %tanh3A_778 : vector<512x128xf32>
    %swap3A_780 = arith.constant 512 : index
    %swap3A_781 = arith.constant 0 : index
    %swap3A_782 = vector.load %arg10[%swap3A_780, %swap3A_781] : memref<1024x128xf32, #tpu.memory_space<vmem>>, vector<512x128xf32>
    tpu.vector_store %arg10[%swap3A_780, %swap3A_781], %mul3A_779 {strides = array<i32>} : memref<1024x128xf32, #tpu.memory_space<vmem>>, vector<512x128xf32>,
    %swap3A_783 = arith.constant 512 : index
    %swap3A_784 = arith.constant 0 : index
    %swap3A_785 = vector.load %arg11[%swap3A_783, %swap3A_784] : memref<1024x128xf32, #tpu.memory_space<vmem>>, vector<512x128xf32>
    tpu.vector_store %arg11[%swap3A_783, %swap3A_784], %add3A_777 {strides = array<i32>} : memref<1024x128xf32, #tpu.memory_space<vmem>>, vector<512x128xf32>,
    %get3A_786 = arith.constant 6 : index
    %get3A_787 = arith.constant 0 : index
    %get3A_788 = arith.constant 0 : index
    %get3A_789 = vector.load %arg1[%get3A_786, %get3A_787, %get3A_788] : memref<8x1024x128xbf16, #tpu.memory_space<vmem>>, vector<1x512x128xbf16>
    %get3A_790 = vector.shape_cast %get3A_789 : vector<1x512x128xbf16> to vector<512x128xbf16>
    %get3A_791 = arith.constant 6 : index
    %get3A_792 = arith.constant 0 : index
    %get3A_793 = arith.constant 0 : index
    %get3A_794 = vector.load %arg2[%get3A_791, %get3A_792, %get3A_793] : memref<8x1024x128xbf16, #tpu.memory_space<vmem>>, vector<1x512x128xbf16>
    %get3A_795 = vector.shape_cast %get3A_794 : vector<1x512x128xbf16> to vector<512x128xbf16>
    %concatenate3A_796 = tpu.concatenate %get3A_790, %get3A_795 in 1 : vector<512x128xbf16>, vector<512x128xbf16> -> vector<512x256xbf16>
    %get3A_797 = arith.constant 0 : index
    %get3A_798 = arith.constant 0 : index
    %get3A_799 = vector.load %arg10[%get3A_797, %get3A_798] : memref<1024x128xf32, #tpu.memory_space<vmem>>, vector<512x128xf32>
    %convert_element_type3A_800 = arith.truncf %get3A_799 : vector<512x128xf32> to vector<512x128xbf16>
    %concatenate3A_801 = tpu.concatenate %concatenate3A_796, %convert_element_type3A_800 in 1 : vector<512x256xbf16>, vector<512x128xbf16> -> vector<512x384xbf16>
    %get3A_802 = arith.constant 0 : index
    %get3A_803 = arith.constant 0 : index
    %get3A_804 = vector.load %arg11[%get3A_802, %get3A_803] : memref<1024x128xf32, #tpu.memory_space<vmem>>, vector<512x128xf32>
    %get3A_805 = arith.constant 0 : index
    %get3A_806 = arith.constant 0 : index
    %get3A_807 = vector.load %arg3[%get3A_805, %get3A_806] : memref<384x512xbf16, #tpu.memory_space<vmem>>, vector<384x512xbf16>
    %dot_general3A_808 = arith.constant dense<0.000000e+00> : vector<512x512xf32>
    %dot_general3A_809 = tpu.matmul %concatenate3A_801, %get3A_807, %dot_general3A_808 {dimension_numbers = #tpu.dot_dimension_numbers<[1], [0], [0], [1], [0, 0, 1, 1], [], []>, transpose_lhs_hint = false} : vector<512x384xbf16>, vector<384x512xbf16>, vector<512x512xf32> -> vector<512x512xf32>
    %get3A_810 = arith.constant 0 : index
    %get3A_811 = arith.constant 0 : index
    %get3A_812 = vector.load %arg4[%get3A_810, %get3A_811] : memref<1x512xf32, #tpu.memory_space<vmem>>, vector<1x512xf32>
    %add3A_813 = vector.broadcast %get3A_812 : vector<1x512xf32> to vector<512x512xf32>
    %add3A_814 = arith.addf %dot_general3A_809, %add3A_813 : vector<512x512xf32>
    %slice3A_815 = vector.extract_strided_slice %add3A_814 {offsets = [0, 0], sizes = [512, 128], strides = [1, 1]} : vector<512x512xf32> to vector<512x128xf32>
    %tanh3A_816 = math.tanh %slice3A_815 : vector<512x128xf32>
    %mul3A_817 = arith.constant 5.000000e-01 : f32
    %mul3A_818 = vector.broadcast %mul3A_817 : f32 to vector<512x128xf32>
    %mul3A_819 = arith.mulf %mul3A_818, %tanh3A_816 : vector<512x128xf32>
    %add3A_820 = arith.constant 5.000000e-01 : f32
    %add3A_821 = vector.broadcast %add3A_820 : f32 to vector<512x128xf32>
    %add3A_822 = arith.addf %mul3A_819, %add3A_821 : vector<512x128xf32>
    %slice3A_823 = vector.extract_strided_slice %add3A_814 {offsets = [0, 128], sizes = [512, 128], strides = [1, 1]} : vector<512x512xf32> to vector<512x128xf32>
    %tanh3A_824 = math.tanh %slice3A_823 : vector<512x128xf32>
    %mul3A_825 = arith.constant 5.000000e-01 : f32
    %mul3A_826 = vector.broadcast %mul3A_825 : f32 to vector<512x128xf32>
    %mul3A_827 = arith.mulf %mul3A_826, %tanh3A_824 : vector<512x128xf32>
    %add3A_828 = arith.constant 5.000000e-01 : f32
    %add3A_829 = vector.broadcast %add3A_828 : f32 to vector<512x128xf32>
    %add3A_830 = arith.addf %mul3A_827, %add3A_829 : vector<512x128xf32>
    %slice3A_831 = vector.extract_strided_slice %add3A_814 {offsets = [0, 256], sizes = [512, 128], strides = [1, 1]} : vector<512x512xf32> to vector<512x128xf32>
    %tanh3A_832 = math.tanh %slice3A_831 : vector<512x128xf32>
    %slice3A_833 = vector.extract_strided_slice %add3A_814 {offsets = [0, 384], sizes = [512, 128], strides = [1, 1]} : vector<512x512xf32> to vector<512x128xf32>
    %tanh3A_834 = math.tanh %slice3A_833 : vector<512x128xf32>
    %mul3A_835 = arith.constant 5.000000e-01 : f32
    %mul3A_836 = vector.broadcast %mul3A_835 : f32 to vector<512x128xf32>
    %mul3A_837 = arith.mulf %mul3A_836, %tanh3A_834 : vector<512x128xf32>
    %add3A_838 = arith.constant 5.000000e-01 : f32
    %add3A_839 = vector.broadcast %add3A_838 : f32 to vector<512x128xf32>
    %add3A_840 = arith.addf %mul3A_837, %add3A_839 : vector<512x128xf32>
    %mul3A_841 = arith.mulf %add3A_830, %get3A_804 : vector<512x128xf32>
    %mul3A_842 = arith.mulf %add3A_822, %tanh3A_832 : vector<512x128xf32>
    %add3A_843 = arith.addf %mul3A_841, %mul3A_842 : vector<512x128xf32>
    %tanh3A_844 = math.tanh %add3A_843 : vector<512x128xf32>
    %mul3A_845 = arith.mulf %add3A_840, %tanh3A_844 : vector<512x128xf32>
    %swap3A_846 = arith.constant 0 : index
    %swap3A_847 = arith.constant 0 : index
    %swap3A_848 = vector.load %arg10[%swap3A_846, %swap3A_847] : memref<1024x128xf32, #tpu.memory_space<vmem>>, vector<512x128xf32>
    tpu.vector_store %arg10[%swap3A_846, %swap3A_847], %mul3A_845 {strides = array<i32>} : memref<1024x128xf32, #tpu.memory_space<vmem>>, vector<512x128xf32>,
    %swap3A_849 = arith.constant 0 : index
    %swap3A_850 = arith.constant 0 : index
    %swap3A_851 = vector.load %arg11[%swap3A_849, %swap3A_850] : memref<1024x128xf32, #tpu.memory_space<vmem>>, vector<512x128xf32>
    tpu.vector_store %arg11[%swap3A_849, %swap3A_850], %add3A_843 {strides = array<i32>} : memref<1024x128xf32, #tpu.memory_space<vmem>>, vector<512x128xf32>,
    %get3A_852 = arith.constant 6 : index
    %get3A_853 = arith.constant 512 : index
    %get3A_854 = arith.constant 0 : index
    %get3A_855 = vector.load %arg1[%get3A_852, %get3A_853, %get3A_854] : memref<8x1024x128xbf16, #tpu.memory_space<vmem>>, vector<1x512x128xbf16>
    %get3A_856 = vector.shape_cast %get3A_855 : vector<1x512x128xbf16> to vector<512x128xbf16>
    %get3A_857 = arith.constant 6 : index
    %get3A_858 = arith.constant 512 : index
    %get3A_859 = arith.constant 0 : index
    %get3A_860 = vector.load %arg2[%get3A_857, %get3A_858, %get3A_859] : memref<8x1024x128xbf16, #tpu.memory_space<vmem>>, vector<1x512x128xbf16>
    %get3A_861 = vector.shape_cast %get3A_860 : vector<1x512x128xbf16> to vector<512x128xbf16>
    %concatenate3A_862 = tpu.concatenate %get3A_856, %get3A_861 in 1 : vector<512x128xbf16>, vector<512x128xbf16> -> vector<512x256xbf16>
    %get3A_863 = arith.constant 512 : index
    %get3A_864 = arith.constant 0 : index
    %get3A_865 = vector.load %arg10[%get3A_863, %get3A_864] : memref<1024x128xf32, #tpu.memory_space<vmem>>, vector<512x128xf32>
    %convert_element_type3A_866 = arith.truncf %get3A_865 : vector<512x128xf32> to vector<512x128xbf16>
    %concatenate3A_867 = tpu.concatenate %concatenate3A_862, %convert_element_type3A_866 in 1 : vector<512x256xbf16>, vector<512x128xbf16> -> vector<512x384xbf16>
    %get3A_868 = arith.constant 512 : index
    %get3A_869 = arith.constant 0 : index
    %get3A_870 = vector.load %arg11[%get3A_868, %get3A_869] : memref<1024x128xf32, #tpu.memory_space<vmem>>, vector<512x128xf32>
    %get3A_871 = arith.constant 0 : index
    %get3A_872 = arith.constant 0 : index
    %get3A_873 = vector.load %arg3[%get3A_871, %get3A_872] : memref<384x512xbf16, #tpu.memory_space<vmem>>, vector<384x512xbf16>
    %dot_general3A_874 = arith.constant dense<0.000000e+00> : vector<512x512xf32>
    %dot_general3A_875 = tpu.matmul %concatenate3A_867, %get3A_873, %dot_general3A_874 {dimension_numbers = #tpu.dot_dimension_numbers<[1], [0], [0], [1], [0, 0, 1, 1], [], []>, transpose_lhs_hint = false} : vector<512x384xbf16>, vector<384x512xbf16>, vector<512x512xf32> -> vector<512x512xf32>
    %get3A_876 = arith.constant 0 : index
    %get3A_877 = arith.constant 0 : index
    %get3A_878 = vector.load %arg4[%get3A_876, %get3A_877] : memref<1x512xf32, #tpu.memory_space<vmem>>, vector<1x512xf32>
    %add3A_879 = vector.broadcast %get3A_878 : vector<1x512xf32> to vector<512x512xf32>
    %add3A_880 = arith.addf %dot_general3A_875, %add3A_879 : vector<512x512xf32>
    %slice3A_881 = vector.extract_strided_slice %add3A_880 {offsets = [0, 0], sizes = [512, 128], strides = [1, 1]} : vector<512x512xf32> to vector<512x128xf32>
    %tanh3A_882 = math.tanh %slice3A_881 : vector<512x128xf32>
    %mul3A_883 = arith.constant 5.000000e-01 : f32
    %mul3A_884 = vector.broadcast %mul3A_883 : f32 to vector<512x128xf32>
    %mul3A_885 = arith.mulf %mul3A_884, %tanh3A_882 : vector<512x128xf32>
    %add3A_886 = arith.constant 5.000000e-01 : f32
    %add3A_887 = vector.broadcast %add3A_886 : f32 to vector<512x128xf32>
    %add3A_888 = arith.addf %mul3A_885, %add3A_887 : vector<512x128xf32>
    %slice3A_889 = vector.extract_strided_slice %add3A_880 {offsets = [0, 128], sizes = [512, 128], strides = [1, 1]} : vector<512x512xf32> to vector<512x128xf32>
    %tanh3A_890 = math.tanh %slice3A_889 : vector<512x128xf32>
    %mul3A_891 = arith.constant 5.000000e-01 : f32
    %mul3A_892 = vector.broadcast %mul3A_891 : f32 to vector<512x128xf32>
    %mul3A_893 = arith.mulf %mul3A_892, %tanh3A_890 : vector<512x128xf32>
    %add3A_894 = arith.constant 5.000000e-01 : f32
    %add3A_895 = vector.broadcast %add3A_894 : f32 to vector<512x128xf32>
    %add3A_896 = arith.addf %mul3A_893, %add3A_895 : vector<512x128xf32>
    %slice3A_897 = vector.extract_strided_slice %add3A_880 {offsets = [0, 256], sizes = [512, 128], strides = [1, 1]} : vector<512x512xf32> to vector<512x128xf32>
    %tanh3A_898 = math.tanh %slice3A_897 : vector<512x128xf32>
    %slice3A_899 = vector.extract_strided_slice %add3A_880 {offsets = [0, 384], sizes = [512, 128], strides = [1, 1]} : vector<512x512xf32> to vector<512x128xf32>
    %tanh3A_900 = math.tanh %slice3A_899 : vector<512x128xf32>
    %mul3A_901 = arith.constant 5.000000e-01 : f32
    %mul3A_902 = vector.broadcast %mul3A_901 : f32 to vector<512x128xf32>
    %mul3A_903 = arith.mulf %mul3A_902, %tanh3A_900 : vector<512x128xf32>
    %add3A_904 = arith.constant 5.000000e-01 : f32
    %add3A_905 = vector.broadcast %add3A_904 : f32 to vector<512x128xf32>
    %add3A_906 = arith.addf %mul3A_903, %add3A_905 : vector<512x128xf32>
    %mul3A_907 = arith.mulf %add3A_896, %get3A_870 : vector<512x128xf32>
    %mul3A_908 = arith.mulf %add3A_888, %tanh3A_898 : vector<512x128xf32>
    %add3A_909 = arith.addf %mul3A_907, %mul3A_908 : vector<512x128xf32>
    %tanh3A_910 = math.tanh %add3A_909 : vector<512x128xf32>
    %mul3A_911 = arith.mulf %add3A_906, %tanh3A_910 : vector<512x128xf32>
    %swap3A_912 = arith.constant 512 : index
    %swap3A_913 = arith.constant 0 : index
    %swap3A_914 = vector.load %arg10[%swap3A_912, %swap3A_913] : memref<1024x128xf32, #tpu.memory_space<vmem>>, vector<512x128xf32>
    tpu.vector_store %arg10[%swap3A_912, %swap3A_913], %mul3A_911 {strides = array<i32>} : memref<1024x128xf32, #tpu.memory_space<vmem>>, vector<512x128xf32>,
    %swap3A_915 = arith.constant 512 : index
    %swap3A_916 = arith.constant 0 : index
    %swap3A_917 = vector.load %arg11[%swap3A_915, %swap3A_916] : memref<1024x128xf32, #tpu.memory_space<vmem>>, vector<512x128xf32>
    tpu.vector_store %arg11[%swap3A_915, %swap3A_916], %add3A_909 {strides = array<i32>} : memref<1024x128xf32, #tpu.memory_space<vmem>>, vector<512x128xf32>,
    %get3A_918 = arith.constant 7 : index
    %get3A_919 = arith.constant 0 : index
    %get3A_920 = arith.constant 0 : index
    %get3A_921 = vector.load %arg1[%get3A_918, %get3A_919, %get3A_920] : memref<8x1024x128xbf16, #tpu.memory_space<vmem>>, vector<1x512x128xbf16>
    %get3A_922 = vector.shape_cast %get3A_921 : vector<1x512x128xbf16> to vector<512x128xbf16>
    %get3A_923 = arith.constant 7 : index
    %get3A_924 = arith.constant 0 : index
    %get3A_925 = arith.constant 0 : index
    %get3A_926 = vector.load %arg2[%get3A_923, %get3A_924, %get3A_925] : memref<8x1024x128xbf16, #tpu.memory_space<vmem>>, vector<1x512x128xbf16>
    %get3A_927 = vector.shape_cast %get3A_926 : vector<1x512x128xbf16> to vector<512x128xbf16>
    %concatenate3A_928 = tpu.concatenate %get3A_922, %get3A_927 in 1 : vector<512x128xbf16>, vector<512x128xbf16> -> vector<512x256xbf16>
    %get3A_929 = arith.constant 0 : index
    %get3A_930 = arith.constant 0 : index
    %get3A_931 = vector.load %arg10[%get3A_929, %get3A_930] : memref<1024x128xf32, #tpu.memory_space<vmem>>, vector<512x128xf32>
    %convert_element_type3A_932 = arith.truncf %get3A_931 : vector<512x128xf32> to vector<512x128xbf16>
    %concatenate3A_933 = tpu.concatenate %concatenate3A_928, %convert_element_type3A_932 in 1 : vector<512x256xbf16>, vector<512x128xbf16> -> vector<512x384xbf16>
    %get3A_934 = arith.constant 0 : index
    %get3A_935 = arith.constant 0 : index
    %get3A_936 = vector.load %arg11[%get3A_934, %get3A_935] : memref<1024x128xf32, #tpu.memory_space<vmem>>, vector<512x128xf32>
    %get3A_937 = arith.constant 0 : index
    %get3A_938 = arith.constant 0 : index
    %get3A_939 = vector.load %arg3[%get3A_937, %get3A_938] : memref<384x512xbf16, #tpu.memory_space<vmem>>, vector<384x512xbf16>
    %dot_general3A_940 = arith.constant dense<0.000000e+00> : vector<512x512xf32>
    %dot_general3A_941 = tpu.matmul %concatenate3A_933, %get3A_939, %dot_general3A_940 {dimension_numbers = #tpu.dot_dimension_numbers<[1], [0], [0], [1], [0, 0, 1, 1], [], []>, transpose_lhs_hint = false} : vector<512x384xbf16>, vector<384x512xbf16>, vector<512x512xf32> -> vector<512x512xf32>
    %get3A_942 = arith.constant 0 : index
    %get3A_943 = arith.constant 0 : index
    %get3A_944 = vector.load %arg4[%get3A_942, %get3A_943] : memref<1x512xf32, #tpu.memory_space<vmem>>, vector<1x512xf32>
    %add3A_945 = vector.broadcast %get3A_944 : vector<1x512xf32> to vector<512x512xf32>
    %add3A_946 = arith.addf %dot_general3A_941, %add3A_945 : vector<512x512xf32>
    %slice3A_947 = vector.extract_strided_slice %add3A_946 {offsets = [0, 0], sizes = [512, 128], strides = [1, 1]} : vector<512x512xf32> to vector<512x128xf32>
    %tanh3A_948 = math.tanh %slice3A_947 : vector<512x128xf32>
    %mul3A_949 = arith.constant 5.000000e-01 : f32
    %mul3A_950 = vector.broadcast %mul3A_949 : f32 to vector<512x128xf32>
    %mul3A_951 = arith.mulf %mul3A_950, %tanh3A_948 : vector<512x128xf32>
    %add3A_952 = arith.constant 5.000000e-01 : f32
    %add3A_953 = vector.broadcast %add3A_952 : f32 to vector<512x128xf32>
    %add3A_954 = arith.addf %mul3A_951, %add3A_953 : vector<512x128xf32>
    %slice3A_955 = vector.extract_strided_slice %add3A_946 {offsets = [0, 128], sizes = [512, 128], strides = [1, 1]} : vector<512x512xf32> to vector<512x128xf32>
    %tanh3A_956 = math.tanh %slice3A_955 : vector<512x128xf32>
    %mul3A_957 = arith.constant 5.000000e-01 : f32
    %mul3A_958 = vector.broadcast %mul3A_957 : f32 to vector<512x128xf32>
    %mul3A_959 = arith.mulf %mul3A_958, %tanh3A_956 : vector<512x128xf32>
    %add3A_960 = arith.constant 5.000000e-01 : f32
    %add3A_961 = vector.broadcast %add3A_960 : f32 to vector<512x128xf32>
    %add3A_962 = arith.addf %mul3A_959, %add3A_961 : vector<512x128xf32>
    %slice3A_963 = vector.extract_strided_slice %add3A_946 {offsets = [0, 256], sizes = [512, 128], strides = [1, 1]} : vector<512x512xf32> to vector<512x128xf32>
    %tanh3A_964 = math.tanh %slice3A_963 : vector<512x128xf32>
    %slice3A_965 = vector.extract_strided_slice %add3A_946 {offsets = [0, 384], sizes = [512, 128], strides = [1, 1]} : vector<512x512xf32> to vector<512x128xf32>
    %tanh3A_966 = math.tanh %slice3A_965 : vector<512x128xf32>
    %mul3A_967 = arith.constant 5.000000e-01 : f32
    %mul3A_968 = vector.broadcast %mul3A_967 : f32 to vector<512x128xf32>
    %mul3A_969 = arith.mulf %mul3A_968, %tanh3A_966 : vector<512x128xf32>
    %add3A_970 = arith.constant 5.000000e-01 : f32
    %add3A_971 = vector.broadcast %add3A_970 : f32 to vector<512x128xf32>
    %add3A_972 = arith.addf %mul3A_969, %add3A_971 : vector<512x128xf32>
    %mul3A_973 = arith.mulf %add3A_962, %get3A_936 : vector<512x128xf32>
    %mul3A_974 = arith.mulf %add3A_954, %tanh3A_964 : vector<512x128xf32>
    %add3A_975 = arith.addf %mul3A_973, %mul3A_974 : vector<512x128xf32>
    %tanh3A_976 = math.tanh %add3A_975 : vector<512x128xf32>
    %mul3A_977 = arith.mulf %add3A_972, %tanh3A_976 : vector<512x128xf32>
    %swap3A_978 = arith.constant 0 : index
    %swap3A_979 = arith.constant 0 : index
    %swap3A_980 = vector.load %arg10[%swap3A_978, %swap3A_979] : memref<1024x128xf32, #tpu.memory_space<vmem>>, vector<512x128xf32>
    tpu.vector_store %arg10[%swap3A_978, %swap3A_979], %mul3A_977 {strides = array<i32>} : memref<1024x128xf32, #tpu.memory_space<vmem>>, vector<512x128xf32>,
    %swap3A_981 = arith.constant 0 : index
    %swap3A_982 = arith.constant 0 : index
    %swap3A_983 = vector.load %arg11[%swap3A_981, %swap3A_982] : memref<1024x128xf32, #tpu.memory_space<vmem>>, vector<512x128xf32>
    tpu.vector_store %arg11[%swap3A_981, %swap3A_982], %add3A_975 {strides = array<i32>} : memref<1024x128xf32, #tpu.memory_space<vmem>>, vector<512x128xf32>,
    %get3A_984 = arith.constant 7 : index
    %get3A_985 = arith.constant 512 : index
    %get3A_986 = arith.constant 0 : index
    %get3A_987 = vector.load %arg1[%get3A_984, %get3A_985, %get3A_986] : memref<8x1024x128xbf16, #tpu.memory_space<vmem>>, vector<1x512x128xbf16>
    %get3A_988 = vector.shape_cast %get3A_987 : vector<1x512x128xbf16> to vector<512x128xbf16>
    %get3A_989 = arith.constant 7 : index
    %get3A_990 = arith.constant 512 : index
    %get3A_991 = arith.constant 0 : index
    %get3A_992 = vector.load %arg2[%get3A_989, %get3A_990, %get3A_991] : memref<8x1024x128xbf16, #tpu.memory_space<vmem>>, vector<1x512x128xbf16>
    %get3A_993 = vector.shape_cast %get3A_992 : vector<1x512x128xbf16> to vector<512x128xbf16>
    %concatenate3A_994 = tpu.concatenate %get3A_988, %get3A_993 in 1 : vector<512x128xbf16>, vector<512x128xbf16> -> vector<512x256xbf16>
    %get3A_995 = arith.constant 512 : index
    %get3A_996 = arith.constant 0 : index
    %get3A_997 = vector.load %arg10[%get3A_995, %get3A_996] : memref<1024x128xf32, #tpu.memory_space<vmem>>, vector<512x128xf32>
    %convert_element_type3A_998 = arith.truncf %get3A_997 : vector<512x128xf32> to vector<512x128xbf16>
    %concatenate3A_999 = tpu.concatenate %concatenate3A_994, %convert_element_type3A_998 in 1 : vector<512x256xbf16>, vector<512x128xbf16> -> vector<512x384xbf16>
    %get3A_1000 = arith.constant 512 : index
    %get3A_1001 = arith.constant 0 : index
    %get3A_1002 = vector.load %arg11[%get3A_1000, %get3A_1001] : memref<1024x128xf32, #tpu.memory_space<vmem>>, vector<512x128xf32>
    %get3A_1003 = arith.constant 0 : index
    %get3A_1004 = arith.constant 0 : index
    %get3A_1005 = vector.load %arg3[%get3A_1003, %get3A_1004] : memref<384x512xbf16, #tpu.memory_space<vmem>>, vector<384x512xbf16>
    %dot_general3A_1006 = arith.constant dense<0.000000e+00> : vector<512x512xf32>
    %dot_general3A_1007 = tpu.matmul %concatenate3A_999, %get3A_1005, %dot_general3A_1006 {dimension_numbers = #tpu.dot_dimension_numbers<[1], [0], [0], [1], [0, 0, 1, 1], [], []>, transpose_lhs_hint = false} : vector<512x384xbf16>, vector<384x512xbf16>, vector<512x512xf32> -> vector<512x512xf32>
    %get3A_1008 = arith.constant 0 : index
    %get3A_1009 = arith.constant 0 : index
    %get3A_1010 = vector.load %arg4[%get3A_1008, %get3A_1009] : memref<1x512xf32, #tpu.memory_space<vmem>>, vector<1x512xf32>
    %add3A_1011 = vector.broadcast %get3A_1010 : vector<1x512xf32> to vector<512x512xf32>
    %add3A_1012 = arith.addf %dot_general3A_1007, %add3A_1011 : vector<512x512xf32>
    %slice3A_1013 = vector.extract_strided_slice %add3A_1012 {offsets = [0, 0], sizes = [512, 128], strides = [1, 1]} : vector<512x512xf32> to vector<512x128xf32>
    %tanh3A_1014 = math.tanh %slice3A_1013 : vector<512x128xf32>
    %mul3A_1015 = arith.constant 5.000000e-01 : f32
    %mul3A_1016 = vector.broadcast %mul3A_1015 : f32 to vector<512x128xf32>
    %mul3A_1017 = arith.mulf %mul3A_1016, %tanh3A_1014 : vector<512x128xf32>
    %add3A_1018 = arith.constant 5.000000e-01 : f32
    %add3A_1019 = vector.broadcast %add3A_1018 : f32 to vector<512x128xf32>
    %add3A_1020 = arith.addf %mul3A_1017, %add3A_1019 : vector<512x128xf32>
    %slice3A_1021 = vector.extract_strided_slice %add3A_1012 {offsets = [0, 128], sizes = [512, 128], strides = [1, 1]} : vector<512x512xf32> to vector<512x128xf32>
    %tanh3A_1022 = math.tanh %slice3A_1021 : vector<512x128xf32>
    %mul3A_1023 = arith.constant 5.000000e-01 : f32
    %mul3A_1024 = vector.broadcast %mul3A_1023 : f32 to vector<512x128xf32>
    %mul3A_1025 = arith.mulf %mul3A_1024, %tanh3A_1022 : vector<512x128xf32>
    %add3A_1026 = arith.constant 5.000000e-01 : f32
    %add3A_1027 = vector.broadcast %add3A_1026 : f32 to vector<512x128xf32>
    %add3A_1028 = arith.addf %mul3A_1025, %add3A_1027 : vector<512x128xf32>
    %slice3A_1029 = vector.extract_strided_slice %add3A_1012 {offsets = [0, 256], sizes = [512, 128], strides = [1, 1]} : vector<512x512xf32> to vector<512x128xf32>
    %tanh3A_1030 = math.tanh %slice3A_1029 : vector<512x128xf32>
    %slice3A_1031 = vector.extract_strided_slice %add3A_1012 {offsets = [0, 384], sizes = [512, 128], strides = [1, 1]} : vector<512x512xf32> to vector<512x128xf32>
    %tanh3A_1032 = math.tanh %slice3A_1031 : vector<512x128xf32>
    %mul3A_1033 = arith.constant 5.000000e-01 : f32
    %mul3A_1034 = vector.broadcast %mul3A_1033 : f32 to vector<512x128xf32>
    %mul3A_1035 = arith.mulf %mul3A_1034, %tanh3A_1032 : vector<512x128xf32>
    %add3A_1036 = arith.constant 5.000000e-01 : f32
    %add3A_1037 = vector.broadcast %add3A_1036 : f32 to vector<512x128xf32>
    %add3A_1038 = arith.addf %mul3A_1035, %add3A_1037 : vector<512x128xf32>
    %mul3A_1039 = arith.mulf %add3A_1028, %get3A_1002 : vector<512x128xf32>
    %mul3A_1040 = arith.mulf %add3A_1020, %tanh3A_1030 : vector<512x128xf32>
    %add3A_1041 = arith.addf %mul3A_1039, %mul3A_1040 : vector<512x128xf32>
    %tanh3A_1042 = math.tanh %add3A_1041 : vector<512x128xf32>
    %mul3A_1043 = arith.mulf %add3A_1038, %tanh3A_1042 : vector<512x128xf32>
    %swap3A_1044 = arith.constant 512 : index
    %swap3A_1045 = arith.constant 0 : index
    %swap3A_1046 = vector.load %arg10[%swap3A_1044, %swap3A_1045] : memref<1024x128xf32, #tpu.memory_space<vmem>>, vector<512x128xf32>
    tpu.vector_store %arg10[%swap3A_1044, %swap3A_1045], %mul3A_1043 {strides = array<i32>} : memref<1024x128xf32, #tpu.memory_space<vmem>>, vector<512x128xf32>,
    %swap3A_1047 = arith.constant 512 : index
    %swap3A_1048 = arith.constant 0 : index
    %swap3A_1049 = vector.load %arg11[%swap3A_1047, %swap3A_1048] : memref<1024x128xf32, #tpu.memory_space<vmem>>, vector<512x128xf32>
    tpu.vector_store %arg11[%swap3A_1047, %swap3A_1048], %add3A_1041 {strides = array<i32>} : memref<1024x128xf32, #tpu.memory_space<vmem>>, vector<512x128xf32>,
    %eq3A_1050 = arith.constant 24 : i32
    %eq3A_1051 = arith.cmpi eq, %arg0, %eq3A_1050 : i32
    %convert_element_type3A_1052 = arith.extui %eq3A_1051 : i1 to i32
    %cond3A_1053 = arith.constant 0 : i32
    %cond3A_1054 = arith.cmpi ne, %convert_element_type3A_1052, %cond3A_1053 : i32
    scf.if %cond3A_1054 {
      %get3A_1055 = arith.constant 0 : index
      %get3A_1056 = arith.constant 0 : index
      %get3A_1057 = vector.load %arg5[%get3A_1055, %get3A_1056] : memref<256x512xbf16, #tpu.memory_space<vmem>>, vector<256x512xbf16>
      %dot_general3A_1058 = arith.constant dense<0.000000e+00> : vector<512x512xf32>
      %dot_general3A_1059 = tpu.matmul %concatenate3A_928, %get3A_1057, %dot_general3A_1058 {dimension_numbers = #tpu.dot_dimension_numbers<[1], [0], [0], [1], [0, 0, 1, 1], [], []>, transpose_lhs_hint = false} : vector<512x256xbf16>, vector<256x512xbf16>, vector<512x512xf32> -> vector<512x512xf32>
      %get3A_1060 = arith.constant 0 : index
      %get3A_1061 = arith.constant 0 : index
      %get3A_1062 = vector.load %arg6[%get3A_1060, %get3A_1061] : memref<1x512xf32, #tpu.memory_space<vmem>>, vector<1x512xf32>
      %add3A_1063 = vector.broadcast %get3A_1062 : vector<1x512xf32> to vector<512x512xf32>
      %add3A_1064 = arith.addf %dot_general3A_1059, %add3A_1063 : vector<512x512xf32>
      %slice3A_1065 = vector.extract_strided_slice %add3A_1064 {offsets = [0, 0], sizes = [512, 128], strides = [1, 1]} : vector<512x512xf32> to vector<512x128xf32>
      %tanh3A_1066 = math.tanh %slice3A_1065 : vector<512x128xf32>
      %mul3A_1067 = arith.constant 5.000000e-01 : f32
      %mul3A_1068 = vector.broadcast %mul3A_1067 : f32 to vector<512x128xf32>
      %mul3A_1069 = arith.mulf %mul3A_1068, %tanh3A_1066 : vector<512x128xf32>
      %add3A_1070 = arith.constant 5.000000e-01 : f32
      %add3A_1071 = vector.broadcast %add3A_1070 : f32 to vector<512x128xf32>
      %add3A_1072 = arith.addf %mul3A_1069, %add3A_1071 : vector<512x128xf32>
      %slice3A_1073 = vector.extract_strided_slice %add3A_1064 {offsets = [0, 256], sizes = [512, 128], strides = [1, 1]} : vector<512x512xf32> to vector<512x128xf32>
      %tanh3A_1074 = math.tanh %slice3A_1073 : vector<512x128xf32>
      %slice3A_1075 = vector.extract_strided_slice %add3A_1064 {offsets = [0, 384], sizes = [512, 128], strides = [1, 1]} : vector<512x512xf32> to vector<512x128xf32>
      %tanh3A_1076 = math.tanh %slice3A_1075 : vector<512x128xf32>
      %mul3A_1077 = arith.constant 5.000000e-01 : f32
      %mul3A_1078 = vector.broadcast %mul3A_1077 : f32 to vector<512x128xf32>
      %mul3A_1079 = arith.mulf %mul3A_1078, %tanh3A_1076 : vector<512x128xf32>
      %add3A_1080 = arith.constant 5.000000e-01 : f32
      %add3A_1081 = vector.broadcast %add3A_1080 : f32 to vector<512x128xf32>
      %add3A_1082 = arith.addf %mul3A_1079, %add3A_1081 : vector<512x128xf32>
      %mul3A_1083 = arith.mulf %add3A_1072, %tanh3A_1074 : vector<512x128xf32>
      %tanh3A_1084 = math.tanh %mul3A_1083 : vector<512x128xf32>
      %mul3A_1085 = arith.mulf %add3A_1082, %tanh3A_1084 : vector<512x128xf32>
      %concatenate3A_1086 = tpu.concatenate %mul3A_977, %mul3A_1085 in 1 : vector<512x128xf32>, vector<512x128xf32> -> vector<512x256xf32>
      %get3A_1087 = arith.constant 0 : index
      %get3A_1088 = arith.constant 0 : index
      %get3A_1089 = vector.load %arg7[%get3A_1087, %get3A_1088] : memref<256x1xf32, #tpu.memory_space<vmem>>, vector<256x1xf32>
      %dot_general3A_1090 = arith.constant dense<0.000000e+00> : vector<512x1xf32>
      %dot_general3A_1091 = tpu.matmul %concatenate3A_1086, %get3A_1089, %dot_general3A_1090 {dimension_numbers = #tpu.dot_dimension_numbers<[1], [0], [0], [1], [0, 0, 1, 1], [], []>, transpose_lhs_hint = false} : vector<512x256xf32>, vector<256x1xf32>, vector<512x1xf32> -> vector<512x1xf32>
      %get3A_1092 = arith.constant 0 : index
      %get3A_1093 = arith.constant 0 : index
      %get3A_1094 = vector.load %arg8[%get3A_1092, %get3A_1093] : memref<1x1xf32, #tpu.memory_space<vmem>>, vector<1x1xf32>
      %add3A_1095 = vector.broadcast %get3A_1094 : vector<1x1xf32> to vector<512x1xf32>
      %add3A_1096 = arith.addf %dot_general3A_1091, %add3A_1095 : vector<512x1xf32>
      %swap3A_1097 = arith.constant 0 : index
      %swap3A_1098 = arith.constant 0 : index
      %swap3A_1099 = vector.load %arg9[%swap3A_1097, %swap3A_1098] : memref<1024x1xf32, #tpu.memory_space<vmem>>, vector<512x1xf32>
      tpu.vector_store %arg9[%swap3A_1097, %swap3A_1098], %add3A_1096 {strides = array<i32>} : memref<1024x1xf32, #tpu.memory_space<vmem>>, vector<512x1xf32>,
      %get3A_1100 = arith.constant 0 : index
      %get3A_1101 = arith.constant 0 : index
      %get3A_1102 = vector.load %arg5[%get3A_1100, %get3A_1101] : memref<256x512xbf16, #tpu.memory_space<vmem>>, vector<256x512xbf16>
      %dot_general3A_1103 = arith.constant dense<0.000000e+00> : vector<512x512xf32>
      %dot_general3A_1104 = tpu.matmul %concatenate3A_994, %get3A_1102, %dot_general3A_1103 {dimension_numbers = #tpu.dot_dimension_numbers<[1], [0], [0], [1], [0, 0, 1, 1], [], []>, transpose_lhs_hint = false} : vector<512x256xbf16>, vector<256x512xbf16>, vector<512x512xf32> -> vector<512x512xf32>
      %get3A_1105 = arith.constant 0 : index
      %get3A_1106 = arith.constant 0 : index
      %get3A_1107 = vector.load %arg6[%get3A_1105, %get3A_1106] : memref<1x512xf32, #tpu.memory_space<vmem>>, vector<1x512xf32>
      %add3A_1108 = vector.broadcast %get3A_1107 : vector<1x512xf32> to vector<512x512xf32>
      %add3A_1109 = arith.addf %dot_general3A_1104, %add3A_1108 : vector<512x512xf32>
      %slice3A_1110 = vector.extract_strided_slice %add3A_1109 {offsets = [0, 0], sizes = [512, 128], strides = [1, 1]} : vector<512x512xf32> to vector<512x128xf32>
      %tanh3A_1111 = math.tanh %slice3A_1110 : vector<512x128xf32>
      %mul3A_1112 = arith.constant 5.000000e-01 : f32
      %mul3A_1113 = vector.broadcast %mul3A_1112 : f32 to vector<512x128xf32>
      %mul3A_1114 = arith.mulf %mul3A_1113, %tanh3A_1111 : vector<512x128xf32>
      %add3A_1115 = arith.constant 5.000000e-01 : f32
      %add3A_1116 = vector.broadcast %add3A_1115 : f32 to vector<512x128xf32>
      %add3A_1117 = arith.addf %mul3A_1114, %add3A_1116 : vector<512x128xf32>
      %slice3A_1118 = vector.extract_strided_slice %add3A_1109 {offsets = [0, 256], sizes = [512, 128], strides = [1, 1]} : vector<512x512xf32> to vector<512x128xf32>
      %tanh3A_1119 = math.tanh %slice3A_1118 : vector<512x128xf32>
      %slice3A_1120 = vector.extract_strided_slice %add3A_1109 {offsets = [0, 384], sizes = [512, 128], strides = [1, 1]} : vector<512x512xf32> to vector<512x128xf32>
      %tanh3A_1121 = math.tanh %slice3A_1120 : vector<512x128xf32>
      %mul3A_1122 = arith.constant 5.000000e-01 : f32
      %mul3A_1123 = vector.broadcast %mul3A_1122 : f32 to vector<512x128xf32>
      %mul3A_1124 = arith.mulf %mul3A_1123, %tanh3A_1121 : vector<512x128xf32>
      %add3A_1125 = arith.constant 5.000000e-01 : f32
      %add3A_1126 = vector.broadcast %add3A_1125 : f32 to vector<512x128xf32>
      %add3A_1127 = arith.addf %mul3A_1124, %add3A_1126 : vector<512x128xf32>
      %mul3A_1128 = arith.mulf %add3A_1117, %tanh3A_1119 : vector<512x128xf32>
      %tanh3A_1129 = math.tanh %mul3A_1128 : vector<512x128xf32>
      %mul3A_1130 = arith.mulf %add3A_1127, %tanh3A_1129 : vector<512x128xf32>
      %concatenate3A_1131 = tpu.concatenate %mul3A_1043, %mul3A_1130 in 1 : vector<512x128xf32>, vector<512x128xf32> -> vector<512x256xf32>
      %get3A_1132 = arith.constant 0 : index
      %get3A_1133 = arith.constant 0 : index
      %get3A_1134 = vector.load %arg7[%get3A_1132, %get3A_1133] : memref<256x1xf32, #tpu.memory_space<vmem>>, vector<256x1xf32>
      %dot_general3A_1135 = arith.constant dense<0.000000e+00> : vector<512x1xf32>
      %dot_general3A_1136 = tpu.matmul %concatenate3A_1131, %get3A_1134, %dot_general3A_1135 {dimension_numbers = #tpu.dot_dimension_numbers<[1], [0], [0], [1], [0, 0, 1, 1], [], []>, transpose_lhs_hint = false} : vector<512x256xf32>, vector<256x1xf32>, vector<512x1xf32> -> vector<512x1xf32>
      %get3A_1137 = arith.constant 0 : index
      %get3A_1138 = arith.constant 0 : index
      %get3A_1139 = vector.load %arg8[%get3A_1137, %get3A_1138] : memref<1x1xf32, #tpu.memory_space<vmem>>, vector<1x1xf32>
      %add3A_1140 = vector.broadcast %get3A_1139 : vector<1x1xf32> to vector<512x1xf32>
      %add3A_1141 = arith.addf %dot_general3A_1136, %add3A_1140 : vector<512x1xf32>
      %swap3A_1142 = arith.constant 512 : index
      %swap3A_1143 = arith.constant 0 : index
      %swap3A_1144 = vector.load %arg9[%swap3A_1142, %swap3A_1143] : memref<1024x1xf32, #tpu.memory_space<vmem>>, vector<512x1xf32>
      tpu.vector_store %arg9[%swap3A_1142, %swap3A_1143], %add3A_1141 {strides = array<i32>} : memref<1024x1xf32, #tpu.memory_space<vmem>>, vector<512x1xf32>,
    } else {
    }
    return
  }
  func.func @transform_0(%arg0: i32) -> (i32, i32, i32) {
    %c0_i32 = arith.constant 0 : i32
    %c0_i32_0 = arith.constant 0 : i32
    %c0_i32_1 = arith.constant 0 : i32
    return %arg0, %c0_i32, %c0_i32_0 : i32, i32, i32
  }
  func.func @transform_1(%arg0: i32) -> (i32, i32, i32) {
    %c0_i32 = arith.constant 0 : i32
    %c0_i32_0 = arith.constant 0 : i32
    %c0_i32_1 = arith.constant 0 : i32
    return %arg0, %c0_i32, %c0_i32_0 : i32, i32, i32
  }
  func.func @transform_2(%arg0: i32) -> (i32, i32) {
    %c0_i32 = arith.constant 0 : i32
    %c0_i32_0 = arith.constant 0 : i32
    %c0_i32_1 = arith.constant 0 : i32
    return %c0_i32, %c0_i32_0 : i32, i32
  }
  func.func @transform_3(%arg0: i32) -> (i32, i32) {
    %c0_i32 = arith.constant 0 : i32
    %c0_i32_0 = arith.constant 0 : i32
    %c0_i32_1 = arith.constant 0 : i32
    return %c0_i32, %c0_i32_0 : i32, i32
  }
  func.func @transform_4(%arg0: i32) -> (i32, i32) {
    %c0_i32 = arith.constant 0 : i32
    %c0_i32_0 = arith.constant 0 : i32
    %c0_i32_1 = arith.constant 0 : i32
    return %c0_i32, %c0_i32_0 : i32, i32
  }
  func.func @transform_5(%arg0: i32) -> (i32, i32) {
    %c0_i32 = arith.constant 0 : i32
    %c0_i32_0 = arith.constant 0 : i32
    %c0_i32_1 = arith.constant 0 : i32
    return %c0_i32, %c0_i32_0 : i32, i32
  }
  func.func @transform_6(%arg0: i32) -> (i32, i32) {
    %c0_i32 = arith.constant 0 : i32
    %c0_i32_0 = arith.constant 0 : i32
    %c0_i32_1 = arith.constant 0 : i32
    return %c0_i32, %c0_i32_0 : i32, i32
  }
  func.func @transform_7(%arg0: i32) -> (i32, i32) {
    %c0_i32 = arith.constant 0 : i32
    %c0_i32_0 = arith.constant 0 : i32
    %c0_i32_1 = arith.constant 0 : i32
    return %c0_i32, %c0_i32_0 : i32, i32
  }
  func.func @transform_8(%arg0: i32) -> (i32, i32) {
    %c0_i32 = arith.constant 0 : i32
    %c0_i32_0 = arith.constant 0 : i32
    %c0_i32_1 = arith.constant 0 : i32
    return %c0_i32, %c0_i32_0 : i32, i32
  }
}

</mosaic_0001>

<sc_bundles>
// kernel: kernel.5.cloned.1.call-start
scs
__scs_entry_jumppad:
0x0: {  	(pc) =	sbr.rel $0x88, $3  }
0x1: {  	(tag) =	ssettag $0x0;
	lr =	simm.s32 $0x1  }
0x2: {  	[smem:$0x3F8E] =	sst lr;
	_ =	strace $0xD0000000  }
0x3: {  	_ = 	snop  }
0x4: {  	_ = 	snop  }
0x5: {  	_ = 	snop  }
0x6: {  	_ = 	snop  }
0x7: {  	_ = 	snop  }
__scs_overlays_trampoline_lowered:
0x8: {  	[smem:$0x3F9D] =	sst s0  }
0x9: {  	[smem:$0x3F9E] =	sst s1  }
0xa: {  	[smem:$0x3F9F] =	sst s2  }
0xb: {  	[smem:$0x3FA0] =	sst s3  }
0xc: {  	[smem:$0x3FA1] =	sst s4  }
0xd: {  	[smem:$0x3FA2] =	sst s5  }
0xe: {  	[smem:$0x3FA3] =	sst s6  }
0xf: {  	[smem:$0x3FA4] =	sst s7  }
0x10: {  	[smem:$0x3FA5] =	sst s8  }
0x11: {  	[smem:$0x3FA6] =	sst s9;
	s0 =	simm.s32 @!p0 $0x0  }
0x12: {  	s1 =	sld [smem:$0x3F8C];
	s0 =	simm.s32 @p0 $0x1  }
0x13: {  	[smem:$0x3FA7] =	sst s0;
	s0 =	simm.s32 @!p1 $0x0  }
0x14: {  	s2 =	sld [smem:$0x3F8B];
	s0 =	simm.s32 @p1 $0x1  }
0x15: {  	[smem:$0x3FA8] =	sst s0;
	s0 =	simm.s32 @!p2 $0x0  }
0x16: {  	s3 =	sld [smem:$0x3FDB];
	s0 =	simm.s32 @p2 $0x1  }
0x17: {  	s4 =	simm.s32 $0x1BF5;
	[smem:$0x3FAA] =	sst s0  }
0x18: {  	s0 =	sld [smem:$0x3F8D];
	_ =	swait.ge [sflag:s4], $0x0  }
0x19: {  	s7 =	sld [smem:$0x3F8E]  }
0x1a: {  	s8 =	sadd.s32 $0xFFFFE003, lr  }
0x1b: {  	s9 =	sadd.s32 $0xFFFFFEF7, lr;
	s5 =	simm.s32 $0xFFFFFFFF;
	p2 =	slt.u32 s8, $0xFFFFF086  }
0x1c: {  	p1 =	slt.u32 s9, $0xF7A;
	s5 =	simm.s32 @!p2 $0x0  }
0x1d: {  	s5 =	simm.s32 @p1 $0x1;
	p0 =	seq.s32 s7, s2  }
0x1e: {  	s7 =	smul.u32 @!p0 $0xF7A, s2;
	p2 =	seq.s32 @!p0 s5, $0x0  }
0x1f: {  	s9 =	smul.u32 $0xF7A, s1;
	s8 =	simm.s32 @!p0 $0x1BF5;
	p2 =	por !p2, p0  }
0x20: {  	[sflag:s8] =	ssyncset.s32 @!p0 $0xFFFFF086;
	s6 =	sadd.s32 @!p0 s3, s7;
	s7 =	simm.s32 @!p0 $0x108  }
0x21: {  	s3 =	sadd.s32 s3, s9;
	s6 =	sadd.s32 @!p0 $0x88, s6;
	s7 =	simm.s32 @p2 $0x1082  }
0x22: {  	[simem:s7], [sflag:s8] =	dma.local @!p0 [hbm:s6], $0xF7A  }
0x23: {  	s9 =	sor.u32 $0xD0000000, s2;
	s6 =	simm.s32 $0x108;
	_ =	swait.ge @!p0 [sflag:s8], $0x0  }
0x24: {  	s3 =	sadd.s32 $0x88, s3;
	s6 =	simm.s32 @!p1 $0x1082;
	[sflag:s4] =	ssyncset.s32 $0xFFFFF086  }
0x25: {  	[simem:s6], [sflag:s4] =	dma.local [hbm:s3], $0xF7A  }
0x26: {  	[smem:$0x3F8E] =	sst s1;
	(tag) =	ssettag s2;
	_ =	strace s9  }
0x27: {  	s1 =	sld [smem:$0x3F9E]  }
0x28: {  	s2 =	sld [smem:$0x3F9F]  }
0x29: {  	s4 =	sld [smem:$0x3FA1]  }
0x2a: {  	p0 =	seq.s32 s5, $0x0;
	s5 =	sld [smem:$0x3FA2]  }
0x2b: {  	s6 =	sld [smem:$0x3FA3]  }
0x2c: {  	s7 =	sld [smem:$0x3FA4]  }
0x2d: {  	s3 =	simm.s32 $0x108;
	s8 =	sld [smem:$0x3FA5]  }
0x2e: {  	s3 =	simm.s32 @!p0 $0x1082;
	s9 =	sld [smem:$0x3FA6]  }
0x2f: {  	lr =	sadd.s32 s0, s3;
	s0 =	sld [smem:$0x3F9D]  }
0x30: {  	s3 =	sld [smem:$0x3FA0]  }
0x31: {  	[smem:$0x3FA9] =	sst s10  }
0x32: {  	s10 =	sld [smem:$0x3FA7];
	_ =	sdelay $0x3  }
0x33: {  	p0 =	seq.s32 s10, $0x1;
	s10 =	sld [smem:$0x3FA9];
	_ =	sdelay $0x3  }
0x34: {  	[smem:$0x3FA9] =	sst s10  }
0x35: {  	s10 =	sld [smem:$0x3FA8];
	_ =	sdelay $0x3  }
0x36: {  	p1 =	seq.s32 s10, $0x1;
	s10 =	sld [smem:$0x3FA9];
	_ =	sdelay $0x3  }
0x37: {  	[smem:$0x3FA9] =	sst s10  }
0x38: {  	s10 =	sld [smem:$0x3FAA]  }
0x39: {  	_ = 	snop;
	(pc) =	sbr.ind lr, $3  }
0x3a: {  	_ = 	snop  }
0x3b: {  	_ = 	snop  }
0x3c: {  	p2 =	seq.s32 s10, $0x1;
	s10 =	sld [smem:$0x3FA9]  }
0x3d: {  	_ =	shalt  }
0x3e: {  	_ =	shalt  }
0x3f: {  	_ =	shalt  }
0x40: {  	_ =	shalt  }
0x41: {  	_ =	shalt  }
0x42: {  	_ =	shalt  }
0x43: {  	_ =	shalt  }
0x44: {  	_ =	shalt  }
0x45: {  	_ =	shalt  }
0x46: {  	_ =	shalt  }
0x47: {  	_ =	shalt  }
0x48: {  	_ =	shalt  }
0x49: {  	_ =	shalt  }
0x4a: {  	_ =	shalt  }
0x4b: {  	_ =	shalt  }
0x4c: {  	_ =	shalt  }
0x4d: {  	_ =	shalt  }
0x4e: {  	_ =	shalt  }
0x4f: {  	_ =	shalt  }
0x50: {  	_ =	shalt  }
0x51: {  	_ =	shalt  }
0x52: {  	_ =	shalt  }
0x53: {  	_ =	shalt  }
0x54: {  	_ =	shalt  }
0x55: {  	_ =	shalt  }
0x56: {  	_ =	shalt  }
0x57: {  	_ =	shalt  }
0x58: {  	_ =	shalt  }
0x59: {  	_ =	shalt  }
0x5a: {  	_ =	shalt  }
0x5b: {  	_ =	shalt  }
0x5c: {  	_ =	shalt  }
0x5d: {  	_ =	shalt  }
0x5e: {  	_ =	shalt  }
0x5f: {  	_ =	shalt  }
0x60: {  	_ =	shalt  }
0x61: {  	_ =	shalt  }
0x62: {  	_ =	shalt  }
0x63: {  	_ =	shalt  }
0x64: {  	_ =	shalt  }
0x65: {  	_ =	shalt  }
0x66: {  	_ =	shalt  }
0x67: {  	_ =	shalt  }
0x68: {  	_ =	shalt  }
0x69: {  	_ =	shalt  }
0x6a: {  	_ =	shalt  }
0x6b: {  	_ =	shalt  }
0x6c: {  	_ =	shalt  }
0x6d: {  	_ =	shalt  }
0x6e: {  	_ =	shalt  }
0x6f: {  	_ =	shalt  }
0x70: {  	_ =	shalt  }
0x71: {  	_ =	shalt  }
0x72: {  	_ =	shalt  }
0x73: {  	_ =	shalt  }
0x74: {  	_ =	shalt  }
0x75: {  	_ =	shalt  }
0x76: {  	_ =	shalt  }
0x77: {  	_ =	shalt  }
0x78: {  	_ =	shalt  }
0x79: {  	_ =	shalt  }
0x7a: {  	_ =	shalt  }
0x7b: {  	_ =	shalt  }
0x7c: {  	_ =	shalt  }
0x7d: {  	_ =	shalt  }
0x7e: {  	_ =	shalt  }
0x7f: {  	_ =	shalt  }
0x80: {  	_ =	shalt  }
0x81: {  	_ =	shalt  }
0x82: {  	_ =	shalt  }
0x83: {  	_ =	shalt  }
0x84: {  	_ =	shalt  }
0x85: {  	_ =	shalt  }
0x86: {  	_ =	shalt  }
0x87: {  	_ =	shalt  }
.Lfunc_end0:
.L_simem_size_0:
called_computation_lowered:
.L_overlay_start_0:
0x88: {  	s2 =	sld [smem:$0x3FD9]  }
0x89: {  	s3 =	sld [smem:$0x3FFE];
	_ =	sdelay $0x1  }
0x8a: {  	s1 =	srdreg.scid  }
0x8b: {  	s0 =	sand.u32 $0x1, s1  }
0x8c: {  	s16 =	sshll.u32 s0, $0xA;
	s2 =	sadd.s32 s3, s2  }
0x8d: {  	s2 =	sadd.s32 s2, s16  }
0x8e: {  	[smem:$0x3FB5] =	sst s2  }
0x8f: {  	_ = 	snop  }
0x90: {  	(tm) =	ssettm $0x1  }
0x91: {  	s17 =	sld [smem:$0x3FFB];
	_ =	sdelay $0x3  }
0x92: {  	_ =	strace s17  }
0x93: {  	s2 =	sld [smem:$0x3FFC];
	_ =	sdelay $0x3  }
0x94: {  	_ =	strace s2  }
0x95: {  	s2 =	sld [smem:$0x3FFD];
	_ =	sdelay $0x3  }
0x96: {  	_ =	strace s2  }
0x97: {  	_ =	strace $0x8FFFFFFF  }
0x98: {  	s18 =	sld [smem:$0x3FDB];
	_ =	sdelay $0x1  }
0x99: {  	s19 =	simm.s32 $_scs_section_size  }
0x9a: {  	s4 =	simm.s32 $_size__tile_overlayer_lowered;
	s5 =	simm.s32 $_tile_overlayer_lowered  }
0x9b: {  	s22 =	simm.s32 $0x1BFF;
	s21 =	sshll.u32 s5, $0x1;
	s2 =	sadd.s32 s19, s18  }
0x9c: {  	s6 =	simm.s32 $0x0;
	s20 =	sshll.u32 s4, $0x1;
	s4 =	sadd.s32 s21, s2  }
0x9d: {  	[timem:s6], [sflag:s22] =	dma.local [hbm:s4], s20  }
0x9e: {  	_ =	swait.ge [sflag:s22], s20  }
0x9f: {  	s3 =	ssub.s32 $0x0, s20;
	[sflag:s22] =	ssyncset.done $0x0  }
0xa0: {  	[sflag:s22] =	ssyncadd.s32 s3;
	_ =	sdelay $0x1  }
0xa1: {  	s23 =	simm.s32 $0x1B8B  }
0xa2: {  	_ =	swait.ge [sflag:s23], $0x1  }
0xa3: {  	[sflag:s23] =	ssyncset.done $0x0  }
0xa4: {  	s25 =	simm.s32 $0x1B8E;
	s24 =	sld [smem:$0x3FFE];
	[sflag:s23] =	ssyncadd.s32 $0xFFFFFFFF  }
0xa5: {  	s26 =	simm.s32 $execute0_lowered;
	[smem:$0x3FD2] =	sst s25  }
0xa6: {  	s4 =	sshll.u32 s26, $0x1;
	_ =	strace $0x80000046;
	[dreg:$0x1] =	wrdreg $0xFFFFFFFF  }
0xa7: {  	s28 =	simm.s32 $_size_execute0_lowered;
	s2 =	sadd.s32 s2, s4;
	[dreg:$0x0] =	wrdreg $0x0  }
0xa8: {  	s4 =	sshll.u32 s28, $0x1;
	[dreg:$0x2] =	wrdreg s2  }
0xa9: {  	[dreg:$0x3] =	wrdreg s4  }
0xaa: {  	[dreg:$0x4] =	wrdreg $0xC0  }
0xab: {  	_ =	task [dreg:s6], $0x5FFFF  }
0xac: {  	[dreg:$0x1] =	wrdreg $0xFFFFFFFF  }
0xad: {  	[dreg:$0x0] =	wrdreg $0x60  }
0xae: {  	[dreg:$0x2] =	wrdreg s24  }
0xaf: {  	[dreg:$0x3] =	wrdreg $0x9  }
0xb0: {  	_ =	task.clear_ibuf [dreg:s6], $0x4FFFF;
	_ =	strace $0x90000046  }
0xb1: {  	s29 =	simm.s32 $0x9;
	_ =	strace $0x80000048  }
0xb2: {  	_ =	swait.ge [sflag:s29], $0x1  }
0xb3: {  	[sflag:s29] =	ssyncadd.s32 $0xFFFFFFFF  }
0xb4: {  	_ =	strace $0x90000048  }
0xb5: {  	_ =	sfence  }
0xb6: {  	s30 =	sld [smem:$0x0];
	_ =	sdelay $0x2  }
0xb7: {  	s31 =	sshll.u32 s1, $0xD;
	s1 =	sshrl.u32 s1, $0x2  }
0xb8: {  	s3 =	sand.u32 $0x4000, s31;
	s1 =	sadd.s32 s1, s30  }
0xb9: {  	s0 =	sor.u32 s3, s0;
	s1 =	sshll.u32 s1, $0x11  }
0xba: {  	s0 =	sor.u32 s1, s0  }
0xbb: {  	s0 =	sadd.s32 $0x8F2B, s0  }
0xbc: {  	[sflag:s0] =	ssyncadd.remote.s32 $0x1  }
0xbd: {  	_ =	sfence.sel $0xFFFF  }
0xbe: {  	[dreg:$0x0] =	wrdreg $0xFFFFFFFF;
	(pc) =	sbr.abs _section_cstart, $3  }
0xbf: {  	[dreg:$0x1] =	wrdreg $0xFFFFFFFF  }
0xc0: {  	_ =	task.clear_ibuf [dreg:s6], $0x2FFFF;
	_ =	strace $0x9FFFFFFF  }
0xc1: {  	(tm) =	ssettm $0x7FFFFFFF  }
tec
execute0_lowered:
.L_overlay_start_1:
0x0: {  	(tag) =	ssettag $0x1  }
0x1: {  	s1 =	srdreg.scid  }
0x2: {  	s0 =	stileid.u32;
	s4 =	rddreg [dreg:$0x0]  }
0x3: {  	s2 =	simm.s32 $0x0;
	s9 =	simm.s32 $0x1900;
	s10 =	simm.s32 $0x2900  }
0x4: {  	s11 =	simm.s32 $0x1;
	s12 =	simm.s32 $0x2;
	s13 =	simm.s32 $0x0  }
0x5: {  	s5 =	sand.u32 $0x1, s1;
	s3 =	sshll.u32 s0, $0x1;
	s1 =	rddreg [dreg:$0x1]  }
0x6: {  	[smem:$0x7FF] =	sst s2;
	s7 =	smul.u32 $0xC800, s0;
	s3 =	sor.u32 s5, s3  }
0x7: {  	_ =	strace $0x80000047;
	s8 =	ssub.s32 $0x2, s5;
	s5 =	smul.u32 $0x6400, s5  }
0x8: {  	s6 =	smul.u32 $0x320, s3;
	s7 =	sadd.s32 s7, s4;
	s30 =	sshrl.u32 s8, $0x1  }
0x9: {  	s3 =	sadd.s32 $0x2A00, s4;
	s8 =	ssub.s32 s8, s30;
	s31 =	sadd.s32 s5, s7  }
0xa: {  	s7 =	simm.s32 $0x3;
	s6 =	sadd.s32 s6, s4;
	s5 =	smax.u32 s8, $0x1  }
0xb: {  	s8 =	simm.s32 $0x80;
	s4 =	sadd.s32 $0x64600, s6;
	s6 =	sadd.s32 $0x6AA00, s31  }
.LBB2_1:
0xc: {  	[tilespmem:s2], [sflag:$0x3] =	stream.linear.gather [hbm4b:s4+s2], $0x1900, $0x38;
	[tilespmem:$0x3900] =	vst v63  }
0xd: {  	_ =	swait.ge [sflag:s7], $0x1900  }
0xe: {  	[sflag:s7] =	ssyncset.done $0x0  }
0xf: {  	s14 =	simm.s32 $0x0;
	[sflag:s7] =	ssyncadd.s32 $0xFFFFE700  }
0x10: {  	[tilespmem:s9], [sflag:$0x1] =	stream.indirect.gather [hbm4b:s3+s8], $0x20, s14, s8, $0xb8;
	[tilespmem:$0x3900] =	vst v63  }
0x11: {  	s30 =	simm.s32 $0x80  }
0x12: {  	[tilespmem:s10], [sflag:$0x2] =	stream.indirect.gather [hbm4b:s3+s8], $0x20, s30, s8, $0xb8;
	[tilespmem:$0x3900] =	vst v63  }
0x13: {  	_ =	swait.ge [sflag:s11], $0x1000  }
0x14: {  	[sflag:s11] =	ssyncset.done $0x0  }
0x15: {  	s31 =	sadd.s32 $0x0, s6;
	[sflag:s11] =	ssyncadd.s32 $0xFFFFF000  }
0x16: {  	[hbm4b:s31+s2] =	stream.linear.scatter [tilespmem:s9], [sflag:$0x3], $0x1000, $0x38;
	[tilespmem:$0x3900] =	vst v63  }
0x17: {  	_ =	swait.ge [sflag:s7], $0x1000  }
0x18: {  	[sflag:s7] =	ssyncset.done $0x0  }
0x19: {  	[sflag:s7] =	ssyncadd.s32 $0xFFFFF000  }
0x1a: {  	_ =	swait.ge [sflag:s12], $0x1000  }
0x1b: {  	[sflag:s12] =	ssyncset.done $0x0  }
0x1c: {  	s14 =	sadd.s32 $0x200, s31;
	[sflag:s12] =	ssyncadd.s32 $0xFFFFF000  }
0x1d: {  	[hbm4b:s14+s2] =	stream.linear.scatter [tilespmem:s10], [sflag:$0x3], $0x1000, $0x38;
	[tilespmem:$0x3900] =	vst v63  }
0x1e: {  	_ =	swait.ge [sflag:s7], $0x1000  }
0x1f: {  	s15 =	simm.s32 $0x800;
	s14 =	simm.s32 $0x400;
	[sflag:s7] =	ssyncset.done $0x0  }
.LBB2_2:
0x20: {  	s16 =	sshra.s32 s14, $0x2  }
0x21: {  	[sflag:s7] =	ssyncadd.s32 $0xFFFFF000;
	s17 =	smov.u32 s15;
	s18 =	sadd.s32 $0x400, s15  }
0x22: {  	[tilespmem:s9], [sflag:$0x1] =	stream.indirect.gather [hbm4b:s3+s8], $0x20, s16, s8, $0xb8;
	[tilespmem:$0x3900] =	vst v63  }
0x23: {  	p0 =	sne.s32 s15, $0x6000;
	s15 =	sadd.s32 $0x80, s16  }
0x24: {  	[tilespmem:s10], [sflag:$0x2] =	stream.indirect.gather [hbm4b:s3+s8], $0x20, s15, s8, $0xb8;
	[tilespmem:$0x3900] =	vst v63  }
0x25: {  	_ =	swait.ge [sflag:s11], $0x1000  }
0x26: {  	[sflag:s11] =	ssyncset.done $0x0  }
0x27: {  	s15 =	sadd.s32 s14, s6;
	s14 =	smov.u32 s17;
	[sflag:s11] =	ssyncadd.s32 $0xFFFFF000  }
0x28: {  	[hbm4b:s15+s2] =	stream.linear.scatter [tilespmem:s9], [sflag:$0x3], $0x1000, $0x38;
	[tilespmem:$0x3900] =	vst v63  }
0x29: {  	_ =	swait.ge [sflag:s7], $0x1000  }
0x2a: {  	[sflag:s7] =	ssyncset.done $0x0  }
0x2b: {  	[sflag:s7] =	ssyncadd.s32 $0xFFFFF000  }
0x2c: {  	_ =	swait.ge [sflag:s12], $0x1000  }
.Ltmp0:
0x2d: {  	[sflag:s12] =	ssyncset.done $0x0;
	(pc) =	sbr.rel @p0 .LBB2_2-.Ltmp0, $4  }
0x2e: {  	s15 =	sadd.s32 $0x200, s15;
	[sflag:s12] =	ssyncadd.s32 $0xFFFFF000  }
0x2f: {  	[hbm4b:s15+s2] =	stream.linear.scatter [tilespmem:s10], [sflag:$0x3], $0x1000, $0x38;
	[tilespmem:$0x3900] =	vst v63  }
0x30: {  	_ =	swait.ge [sflag:s7], $0x1000  }
0x31: {  	s15 =	smov.u32 s18;
	[sflag:s7] =	ssyncset.done $0x0  }
0x32: {  	s15 =	sshra.s32 s14, $0x2;
	[sflag:s7] =	ssyncadd.s32 $0xFFFFF000  }
0x33: {  	[tilespmem:s9], [sflag:$0x1] =	stream.indirect.gather [hbm4b:s3+s8], $0x20, s15, s8, $0xb8;
	[tilespmem:$0x3900] =	vst v63  }
0x34: {  	s15 =	sadd.s32 $0x80, s15  }
0x35: {  	[tilespmem:s10], [sflag:$0x2] =	stream.indirect.gather [hbm4b:s3+s8], $0x20, s15, s8, $0xb8;
	[tilespmem:$0x3900] =	vst v63  }
0x36: {  	_ =	swait.ge [sflag:s11], $0x1000  }
0x37: {  	[sflag:s11] =	ssyncset.done $0x0  }
0x38: {  	s31 =	sadd.s32 s14, s6;
	[sflag:s11] =	ssyncadd.s32 $0xFFFFF000  }
0x39: {  	[hbm4b:s31+s2] =	stream.linear.scatter [tilespmem:s9], [sflag:$0x3], $0x1000, $0x38;
	[tilespmem:$0x3900] =	vst v63  }
0x3a: {  	_ =	swait.ge [sflag:s7], $0x1000  }
0x3b: {  	[sflag:s7] =	ssyncset.done $0x0  }
0x3c: {  	[sflag:s7] =	ssyncadd.s32 $0xFFFFF000  }
0x3d: {  	s13 =	sadd.s32 $0x1, s13;
	_ =	swait.ge [sflag:s12], $0x1000  }
0x3e: {  	p0 =	sne.s32 s13, s5;
	[sflag:s12] =	ssyncset.done $0x0  }
.Ltmp1:
0x3f: {  	s14 =	sadd.s32 $0x200, s31;
	[sflag:s12] =	ssyncadd.s32 $0xFFFFF000;
	(pc) =	sbr.rel @p0 .LBB2_1-.Ltmp1, $4  }
0x40: {  	[hbm4b:s14+s2] =	stream.linear.scatter [tilespmem:s10], [sflag:$0x3], $0x1000, $0x38;
	[tilespmem:$0x3900] =	vst v63  }
0x41: {  	_ =	swait.ge [sflag:s7], $0x1000  }
0x42: {  	[sflag:s7] =	ssyncset.done $0x0  }
0x43: {  	[sflag:s7] =	ssyncadd.s32 $0xFFFFF000  }
0x44: {  	_ =	sfence.sel $0x180000  }
0x45: {  	[bflag:$0x0] =	sbarrier.arrive $0xFFFF  }
0x46: {  	p0 =	sne.s32 s0, $0x0;
	_ =	strace $0x90000047  }
0x47: {  	s0 =	sadd.s32 @!p0 $0x100000, s1;
	[bflag:$0x2] =	sbarrier.arrive $0xFFFF  }
0x48: {  	[sflag:s0] =	ssyncadd.tile.s32 @!p0 $0x1;
	_ =	shalt  }
.Lfunc_end2:
_tile_overlayer_lowered:
.L_overlay_start_2:
0x49: {  	(tag) =	ssettag $0x2  }
0x4a: {  	s0 =	rddreg [dreg:$0x0];
	s2 =	stileid.u32  }
0x4b: {  	s1 =	rddreg [dreg:$0x1];
	p0 =	sne.s32 s2, $0x0  }
0x4c: {  	s3 =	rddreg [dreg:$0x2];
	[bflag:$0x3] =	sbarrier.arrive $0xFFFF;
	s2 =	simm.s32 @!p0 $0x1C03  }
0x4d: {  	[timem:s3], [sflag:s2] =	dma.local @!p0 [hbm:s0], s1  }
0x4e: {  	s0 =	simm.s32 @!p0 $0x3  }
0x4f: {  	_ =	swait.ge @!p0 [sflag:s0], s1  }
0x50: {  	s1 =	ssub.s32 @!p0 $0x0, s1;
	[sflag:s0] =	ssyncset.done @!p0 $0x0  }
0x51: {  	[sflag:s0] =	ssyncadd.s32 @!p0 s1  }
0x52: {  	[bflag:$0x3] =	sbarrier.arrive $0xFFFF  }
0x53: {  	_ =	shalt  }

</sc_bundles>
